<compile_context>
chip_gen: v7x
topology: tpu7x:2x2x1
jax: 0.10.2.dev20260603
libtpu: 0.0.44.dev20260713+nightly
codegen_flags: <defaults>
</compile_context>

<pallas_src>
import functools

import jax
import jax.numpy as jnp
from jax import lax
from jax.experimental import pallas as pl
from jax.experimental.pallas import tpu as pltpu
from jax.experimental.pallas import tpu_sc as plsc

B = 1024
C = 8
EMBED = 128
N = B * C
NC, NS = 2, 16
NW = NC * NS
RPW = N // NW
CHPW = RPW // C
NSTREAM = 2
RPS = RPW // NSTREAM
NCHUNK = RPW // 16
CPS = NCHUNK // NSTREAM
BUFW = 2 * 16 * 17


def _log_sigmoid(s):
    t = jnp.exp(-jnp.abs(s))
    u = t / (t + 2.0)
    u2 = u * u
    p = u * (2.0 + u2 * (2.0 / 3.0 + u2 * (2.0 / 5.0 + u2 * (2.0 / 7.0))))
    return jnp.minimum(s, 0.0) - p


@functools.lru_cache(maxsize=None)
def _make_sc_kernel():
    mesh = plsc.VectorSubcoreMesh(core_axis_name="c", subcore_axis_name="s")

    @functools.partial(
        pl.kernel,
        mesh=mesh,
        out_type=jax.ShapeDtypeStruct((N,), jnp.float32),
        compiler_params=pltpu.CompilerParams(needs_layout_passes=False),
        scratch_types=[
            pltpu.VMEM((CHPW, C), jnp.int32),
            pltpu.VMEM((RPW,), jnp.int32),
            pltpu.VMEM((RPW, EMBED), jnp.float32),
            pltpu.VMEM((BUFW,), jnp.float32),
            pltpu.VMEM((RPW,), jnp.float32),
            pltpu.VMEM((RPW,), jnp.float32),
            pltpu.SemaphoreType.DMA,
            pltpu.SemaphoreType.DMA,
        ],
    )
    def sc_k(chords_hbm, table_hbm, out_hbm, idx2_v, idx_v, rows_v, buf_v,
             cnt_v, out_v, sem0, sem1):
        wid = lax.axis_index("s") * NC + lax.axis_index("c")
        base = wid * RPW
        pltpu.sync_copy(chords_hbm.at[pl.ds(wid * CHPW, CHPW)], idx2_v)

        iota = lax.iota(jnp.int32, 16)
        zeros = jnp.zeros((16,), jnp.float32)

        hi = lax.shift_right_logical(iota, 3)
        lo = iota & 7
        for t in range(16):
            idx_v[pl.ds(t * 16, 16)] = plsc.load_gather(
                idx2_v, [hi + 2 * t, lo])

        sems = [sem0, sem1]
        copies = [
            pltpu.async_copy(table_hbm.at[idx_v.at[pl.ds(j * RPS, RPS)]],
                             rows_v.at[pl.ds(j * RPS, RPS)], sems[j])
            for j in range(NSTREAM)
        ]

        def cnt_body(c, _):
            v = idx_v[pl.ds(c * 16, 16)]
            cnt = jnp.ones((16,), jnp.int32)
            cbase = c * 16 + (iota & ~7)
            for k in range(1, C):
                w = plsc.load_gather(idx_v, [cbase + ((iota + k) & 7)])
                cnt = cnt + jnp.where(w == v, 1, 0)
            cnt_v[pl.ds(c * 16, 16)] = cnt.astype(jnp.float32)
            return 0

        lax.fori_loop(0, NCHUNK, cnt_body, 0)

        def chunk_body(c, _):
            for bb in range(2):
                rb = c * 16 + bb * 8
                accd = [zeros] * C
                accq = [zeros] * C
                for k in range(EMBED // 16):
                    e = [rows_v[rb + i, pl.ds(k * 16, 16)]
                         for i in range(C)]
                    sk = ((e[0] + e[1]) + (e[2] + e[3])) + (
                        (e[4] + e[5]) + (e[6] + e[7]))
                    for i in range(C):
                        accd[i] = accd[i] + e[i] * sk
                        accq[i] = accq[i] + e[i] * e[i]
                for i in range(C):
                    buf_v[pl.ds((bb * 8 + i) * 17, 16)] = accd[i]
                    buf_v[pl.ds((16 + bb * 8 + i) * 17, 16)] = accq[i]
            dpk = zeros
            qpk = zeros
            for k in range(16):
                dpk = dpk + plsc.load_gather(buf_v, [iota * 17 + k])
                qpk = qpk + plsc.load_gather(buf_v, [iota * 17 + (272 + k)])

            nf = cnt_v[pl.ds(c * 16, 16)]
            s = (dpk - nf * qpk) * (1.0 / 7.0)
            out_v[pl.ds(c * 16, 16)] = _log_sigmoid(s)
            return 0

        for j in range(NSTREAM):
            copies[j].wait()
        lax.fori_loop(0, NCHUNK, chunk_body, 0)

        pltpu.sync_copy(out_v, out_hbm.at[pl.ds(base, RPW)])

    return sc_k


def kernel(chords, weight):
    out = _make_sc_kernel()(chords, weight)
    return out.reshape(N, 1, 1)

# --- scband reference (transcript-rebuilt; emitter-appended) ---
"""Pipeline reference for scband-skip-gram-10565619548256 (READ-ONLY COPY).

The authoritative reference and input builder live on the scoring server;
editing this copy changes nothing except your own understanding.
"""

import jax, jax.numpy as jnp
import numpy as np

VOCAB = 100000
EMBED = 128


def _build_contexts(chords):
    # Faithful translation of the torch double loop:
    # for each (b, i): ctx = [v for v in chord if v != chord[i]], packed to the
    # front of a zero row of length C-1 (value-based inequality, duplicates drop).
    B, C = chords.shape
    neq = chords[:, None, :] != chords[:, :, None]          # (B, C_focus, C_vals)
    idx = jnp.arange(C)
    # keys: kept elements sort first, preserving original order (stable by key)
    keys = jnp.where(neq, idx[None, None, :], C + idx[None, None, :])
    order = jnp.argsort(keys, axis=-1)                       # (B, C, C)
    vals = jnp.broadcast_to(chords[:, None, :], (B, C, C))
    packed = jnp.take_along_axis(vals, order, axis=-1)       # (B, C, C)
    count = neq.sum(axis=-1)                                 # (B, C)
    valid = jnp.arange(C - 1)[None, None, :] < count[:, :, None]
    ctx = jnp.where(valid, packed[:, :, : C - 1], 0)
    return ctx.reshape(B * C, C - 1)


def setup_inputs(seed: int = 0) -> dict:
    key = jax.random.key(seed)
    k1, k2 = jax.random.split(key)
    chords = jax.random.randint(k1, (1024, 8), 0, VOCAB, dtype=jnp.int32)
    # nn.Embedding weight ~ N(0, 1); padding_idx=0 row zeroed at init
    weight = jax.random.normal(k2, (VOCAB, EMBED), dtype=jnp.float32)
    weight = weight.at[0].set(0.0)
    return {"chords": chords, "weight": weight}


def reference(chords, weight):
    # padding_idx=0 semantics: row 0 is always zero
    table = weight.at[0].set(0.0)
    B, C = chords.shape
    contexts = _build_contexts(chords)                       # (B*C, C-1) int
    embed_focus = jnp.take(table, chords, axis=0)            # (B, C, E)
    embed_focus = embed_focus.reshape(B * C, 1, EMBED)       # (B*C, 1, E)
    embed_contexts = jnp.take(table, contexts, axis=0)       # (B*C, C-1, E)
    embed_contexts = jnp.mean(embed_contexts, axis=1)        # (B*C, E)
    embed_contexts = embed_contexts.reshape(B * C, EMBED, 1)  # (B*C, E, 1)
    scores = jnp.matmul(embed_focus, embed_contexts)         # (B*C, 1, 1)
    log_prob = jax.nn.log_sigmoid(scores)
    return log_prob

if __name__ == "__main__":
    import jax
    _d = setup_inputs()
    print(jax.jit(kernel)(*tuple(_d.values())))

</pallas_src>

<mosaic_0001>
#map = affine_map<(d0, d1) -> (0, 0)>
#map1 = affine_map<(d0, d1) -> (0)>
module attributes {stable_mosaic.version = 14 : i64} {
  func.func @sc_k(%arg0: i32, %arg1: i32, %arg2: memref<1024x8xi32, #tpu.memory_space<hbm>>, %arg3: memref<100000x128xf32, #tpu.memory_space<hbm>>, %arg4: memref<8192xf32, #tpu.memory_space<hbm>>, %arg5: memref<32x8xi32, #tpu.memory_space<vmem>>, %arg6: memref<256xi32, #tpu.memory_space<vmem>>, %arg7: memref<256x128xf32, #tpu.memory_space<vmem>>, %arg8: memref<544xf32, #tpu.memory_space<vmem>>, %arg9: memref<256xf32, #tpu.memory_space<vmem>>, %arg10: memref<256xf32, #tpu.memory_space<vmem>>, %arg11: memref<!tpu.dma_semaphore, #tpu.memory_space<semaphore_mem>>, %arg12: memref<!tpu.dma_semaphore, #tpu.memory_space<semaphore_mem>>) attributes {dimension_semantics = [#tpu.dimension_semantics<core_parallel>, #tpu.dimension_semantics<subcore_parallel>], iteration_bounds = array<i64: 2, 16>, scalar_prefetch = 0 : i64, scratch_operands = 8 : i64, tpu.core_type = #tpu.core_type<sc_vector_subcore>, window_params = [{transform_indices = #map}, {transform_indices = #map}, {transform_indices = #map1}]} {
    %mul3A = arith.constant 2 : i32
    %mul3A_0 = arith.muli %arg1, %mul3A : i32
    %add3A = arith.addi %mul3A_0, %arg0 : i32
    %mul3A_1 = arith.constant 256 : i32
    %mul3A_2 = arith.muli %add3A, %mul3A_1 : i32
    %mul3A_3 = arith.constant 32 : i32
    %mul3A_4 = arith.muli %add3A, %mul3A_3 : i32
    "tpu.region"() ({
      %run_scoped3A = tpu.sem_alloc : memref<!tpu.dma_semaphore, #tpu.memory_space<semaphore_mem>>
      %dma_start3A_147 = arith.constant 0 : i32
      %dma_start3A_148 = tpu.memref_slice %arg2[%mul3A_4, %dma_start3A_147] : memref<1024x8xi32, #tpu.memory_space<hbm>> -> memref<32x8xi32, #tpu.memory_space<hbm>>
      %dma_start3A_149 = arith.constant 0 : i32
      %dma_start3A_150 = tpu.memref_slice %arg2[%mul3A_4, %dma_start3A_149] : memref<1024x8xi32, #tpu.memory_space<hbm>> -> memref<32x8xi32, #tpu.memory_space<hbm>>
      tpu.enqueue_dma source(%dma_start3A_150 : memref<32x8xi32, #tpu.memory_space<hbm>>) target(%arg5 : memref<32x8xi32, #tpu.memory_space<vmem>>) target_semaphore(%run_scoped3A : memref<!tpu.dma_semaphore, #tpu.memory_space<semaphore_mem>>)
      %dma_wait3A_151 = arith.constant 0 : i32
      %dma_wait3A_152 = tpu.memref_slice %arg2[%mul3A_4, %dma_wait3A_151] : memref<1024x8xi32, #tpu.memory_space<hbm>> -> memref<32x8xi32, #tpu.memory_space<hbm>>
      %dma_wait3A_153 = arith.constant 0 : i32
      %dma_wait3A_154 = tpu.memref_slice %arg2[%mul3A_4, %dma_wait3A_153] : memref<1024x8xi32, #tpu.memory_space<hbm>> -> memref<32x8xi32, #tpu.memory_space<hbm>>
      tpu.wait_dma2 semaphore(%run_scoped3A : memref<!tpu.dma_semaphore, #tpu.memory_space<semaphore_mem>>) src(%dma_wait3A_154 : memref<32x8xi32, #tpu.memory_space<hbm>>) dst(%arg5 : memref<32x8xi32, #tpu.memory_space<vmem>>)
      tpu.yield
    }) : () -> ()
    %iota3A = tpu.iota {dimensions = array<i32: 0>} : vector<16xi32>
    %broadcast_in_dim3A = arith.constant 0.000000e+00 : f32
    %broadcast_in_dim3A_5 = vector.broadcast %broadcast_in_dim3A : f32 to vector<16xf32>
    %shift_right_logical3A = arith.constant 3 : i32
    %shift_right_logical3A_6 = vector.broadcast %shift_right_logical3A : i32 to vector<16xi32>
    %shift_right_logical3A_7 = arith.shrui %iota3A, %shift_right_logical3A_6 : vector<16xi32>
    %and3A = arith.constant 7 : i32
    %and3A_8 = vector.broadcast %and3A : i32 to vector<16xi32>
    %and3A_9 = arith.andi %iota3A, %and3A_8 : vector<16xi32>
    %add3A_10 = arith.constant 0 : i32
    %add3A_11 = vector.broadcast %add3A_10 : i32 to vector<16xi32>
    %add3A_12 = arith.addi %shift_right_logical3A_7, %add3A_11 : vector<16xi32>
    %gather3A = tpu.vector_load_idx %arg5[%add3A_12, %and3A_9] : memref<32x8xi32, #tpu.memory_space<vmem>>[vector<16xi32>, vector<16xi32>], vector<16xi32>,
    %swap3A = arith.constant 0 : index
    %swap3A_13 = tpu.vector_load %arg6[%swap3A] {strides = array<i32>} : memref<256xi32, #tpu.memory_space<vmem>>, vector<16xi32>,
    tpu.vector_store %arg6[%swap3A], %gather3A {strides = array<i32>} : memref<256xi32, #tpu.memory_space<vmem>>, vector<16xi32>,
    %add3A_14 = arith.constant 2 : i32
    %add3A_15 = vector.broadcast %add3A_14 : i32 to vector<16xi32>
    %add3A_16 = arith.addi %shift_right_logical3A_7, %add3A_15 : vector<16xi32>
    %gather3A_17 = tpu.vector_load_idx %arg5[%add3A_16, %and3A_9] : memref<32x8xi32, #tpu.memory_space<vmem>>[vector<16xi32>, vector<16xi32>], vector<16xi32>,
    %swap3A_18 = arith.constant 16 : index
    %swap3A_19 = tpu.vector_load %arg6[%swap3A_18] {strides = array<i32>} : memref<256xi32, #tpu.memory_space<vmem>>, vector<16xi32>,
    tpu.vector_store %arg6[%swap3A_18], %gather3A_17 {strides = array<i32>} : memref<256xi32, #tpu.memory_space<vmem>>, vector<16xi32>,
    %add3A_20 = arith.constant 4 : i32
    %add3A_21 = vector.broadcast %add3A_20 : i32 to vector<16xi32>
    %add3A_22 = arith.addi %shift_right_logical3A_7, %add3A_21 : vector<16xi32>
    %gather3A_23 = tpu.vector_load_idx %arg5[%add3A_22, %and3A_9] : memref<32x8xi32, #tpu.memory_space<vmem>>[vector<16xi32>, vector<16xi32>], vector<16xi32>,
    %swap3A_24 = arith.constant 32 : index
    %swap3A_25 = tpu.vector_load %arg6[%swap3A_24] {strides = array<i32>} : memref<256xi32, #tpu.memory_space<vmem>>, vector<16xi32>,
    tpu.vector_store %arg6[%swap3A_24], %gather3A_23 {strides = array<i32>} : memref<256xi32, #tpu.memory_space<vmem>>, vector<16xi32>,
    %add3A_26 = arith.constant 6 : i32
    %add3A_27 = vector.broadcast %add3A_26 : i32 to vector<16xi32>
    %add3A_28 = arith.addi %shift_right_logical3A_7, %add3A_27 : vector<16xi32>
    %gather3A_29 = tpu.vector_load_idx %arg5[%add3A_28, %and3A_9] : memref<32x8xi32, #tpu.memory_space<vmem>>[vector<16xi32>, vector<16xi32>], vector<16xi32>,
    %swap3A_30 = arith.constant 48 : index
    %swap3A_31 = tpu.vector_load %arg6[%swap3A_30] {strides = array<i32>} : memref<256xi32, #tpu.memory_space<vmem>>, vector<16xi32>,
    tpu.vector_store %arg6[%swap3A_30], %gather3A_29 {strides = array<i32>} : memref<256xi32, #tpu.memory_space<vmem>>, vector<16xi32>,
    %add3A_32 = arith.constant 8 : i32
    %add3A_33 = vector.broadcast %add3A_32 : i32 to vector<16xi32>
    %add3A_34 = arith.addi %shift_right_logical3A_7, %add3A_33 : vector<16xi32>
    %gather3A_35 = tpu.vector_load_idx %arg5[%add3A_34, %and3A_9] : memref<32x8xi32, #tpu.memory_space<vmem>>[vector<16xi32>, vector<16xi32>], vector<16xi32>,
    %swap3A_36 = arith.constant 64 : index
    %swap3A_37 = tpu.vector_load %arg6[%swap3A_36] {strides = array<i32>} : memref<256xi32, #tpu.memory_space<vmem>>, vector<16xi32>,
    tpu.vector_store %arg6[%swap3A_36], %gather3A_35 {strides = array<i32>} : memref<256xi32, #tpu.memory_space<vmem>>, vector<16xi32>,
    %add3A_38 = arith.constant 10 : i32
    %add3A_39 = vector.broadcast %add3A_38 : i32 to vector<16xi32>
    %add3A_40 = arith.addi %shift_right_logical3A_7, %add3A_39 : vector<16xi32>
    %gather3A_41 = tpu.vector_load_idx %arg5[%add3A_40, %and3A_9] : memref<32x8xi32, #tpu.memory_space<vmem>>[vector<16xi32>, vector<16xi32>], vector<16xi32>,
    %swap3A_42 = arith.constant 80 : index
    %swap3A_43 = tpu.vector_load %arg6[%swap3A_42] {strides = array<i32>} : memref<256xi32, #tpu.memory_space<vmem>>, vector<16xi32>,
    tpu.vector_store %arg6[%swap3A_42], %gather3A_41 {strides = array<i32>} : memref<256xi32, #tpu.memory_space<vmem>>, vector<16xi32>,
    %add3A_44 = arith.constant 12 : i32
    %add3A_45 = vector.broadcast %add3A_44 : i32 to vector<16xi32>
    %add3A_46 = arith.addi %shift_right_logical3A_7, %add3A_45 : vector<16xi32>
    %gather3A_47 = tpu.vector_load_idx %arg5[%add3A_46, %and3A_9] : memref<32x8xi32, #tpu.memory_space<vmem>>[vector<16xi32>, vector<16xi32>], vector<16xi32>,
    %swap3A_48 = arith.constant 96 : index
    %swap3A_49 = tpu.vector_load %arg6[%swap3A_48] {strides = array<i32>} : memref<256xi32, #tpu.memory_space<vmem>>, vector<16xi32>,
    tpu.vector_store %arg6[%swap3A_48], %gather3A_47 {strides = array<i32>} : memref<256xi32, #tpu.memory_space<vmem>>, vector<16xi32>,
    %add3A_50 = arith.constant 14 : i32
    %add3A_51 = vector.broadcast %add3A_50 : i32 to vector<16xi32>
    %add3A_52 = arith.addi %shift_right_logical3A_7, %add3A_51 : vector<16xi32>
    %gather3A_53 = tpu.vector_load_idx %arg5[%add3A_52, %and3A_9] : memref<32x8xi32, #tpu.memory_space<vmem>>[vector<16xi32>, vector<16xi32>], vector<16xi32>,
    %swap3A_54 = arith.constant 112 : index
    %swap3A_55 = tpu.vector_load %arg6[%swap3A_54] {strides = array<i32>} : memref<256xi32, #tpu.memory_space<vmem>>, vector<16xi32>,
    tpu.vector_store %arg6[%swap3A_54], %gather3A_53 {strides = array<i32>} : memref<256xi32, #tpu.memory_space<vmem>>, vector<16xi32>,
    %add3A_56 = arith.constant 16 : i32
    %add3A_57 = vector.broadcast %add3A_56 : i32 to vector<16xi32>
    %add3A_58 = arith.addi %shift_right_logical3A_7, %add3A_57 : vector<16xi32>
    %gather3A_59 = tpu.vector_load_idx %arg5[%add3A_58, %and3A_9] : memref<32x8xi32, #tpu.memory_space<vmem>>[vector<16xi32>, vector<16xi32>], vector<16xi32>,
    %swap3A_60 = arith.constant 128 : index
    %swap3A_61 = tpu.vector_load %arg6[%swap3A_60] {strides = array<i32>} : memref<256xi32, #tpu.memory_space<vmem>>, vector<16xi32>,
    tpu.vector_store %arg6[%swap3A_60], %gather3A_59 {strides = array<i32>} : memref<256xi32, #tpu.memory_space<vmem>>, vector<16xi32>,
    %add3A_62 = arith.constant 18 : i32
    %add3A_63 = vector.broadcast %add3A_62 : i32 to vector<16xi32>
    %add3A_64 = arith.addi %shift_right_logical3A_7, %add3A_63 : vector<16xi32>
    %gather3A_65 = tpu.vector_load_idx %arg5[%add3A_64, %and3A_9] : memref<32x8xi32, #tpu.memory_space<vmem>>[vector<16xi32>, vector<16xi32>], vector<16xi32>,
    %swap3A_66 = arith.constant 144 : index
    %swap3A_67 = tpu.vector_load %arg6[%swap3A_66] {strides = array<i32>} : memref<256xi32, #tpu.memory_space<vmem>>, vector<16xi32>,
    tpu.vector_store %arg6[%swap3A_66], %gather3A_65 {strides = array<i32>} : memref<256xi32, #tpu.memory_space<vmem>>, vector<16xi32>,
    %add3A_68 = arith.constant 20 : i32
    %add3A_69 = vector.broadcast %add3A_68 : i32 to vector<16xi32>
    %add3A_70 = arith.addi %shift_right_logical3A_7, %add3A_69 : vector<16xi32>
    %gather3A_71 = tpu.vector_load_idx %arg5[%add3A_70, %and3A_9] : memref<32x8xi32, #tpu.memory_space<vmem>>[vector<16xi32>, vector<16xi32>], vector<16xi32>,
    %swap3A_72 = arith.constant 160 : index
    %swap3A_73 = tpu.vector_load %arg6[%swap3A_72] {strides = array<i32>} : memref<256xi32, #tpu.memory_space<vmem>>, vector<16xi32>,
    tpu.vector_store %arg6[%swap3A_72], %gather3A_71 {strides = array<i32>} : memref<256xi32, #tpu.memory_space<vmem>>, vector<16xi32>,
    %add3A_74 = arith.constant 22 : i32
    %add3A_75 = vector.broadcast %add3A_74 : i32 to vector<16xi32>
    %add3A_76 = arith.addi %shift_right_logical3A_7, %add3A_75 : vector<16xi32>
    %gather3A_77 = tpu.vector_load_idx %arg5[%add3A_76, %and3A_9] : memref<32x8xi32, #tpu.memory_space<vmem>>[vector<16xi32>, vector<16xi32>], vector<16xi32>,
    %swap3A_78 = arith.constant 176 : index
    %swap3A_79 = tpu.vector_load %arg6[%swap3A_78] {strides = array<i32>} : memref<256xi32, #tpu.memory_space<vmem>>, vector<16xi32>,
    tpu.vector_store %arg6[%swap3A_78], %gather3A_77 {strides = array<i32>} : memref<256xi32, #tpu.memory_space<vmem>>, vector<16xi32>,
    %add3A_80 = arith.constant 24 : i32
    %add3A_81 = vector.broadcast %add3A_80 : i32 to vector<16xi32>
    %add3A_82 = arith.addi %shift_right_logical3A_7, %add3A_81 : vector<16xi32>
    %gather3A_83 = tpu.vector_load_idx %arg5[%add3A_82, %and3A_9] : memref<32x8xi32, #tpu.memory_space<vmem>>[vector<16xi32>, vector<16xi32>], vector<16xi32>,
    %swap3A_84 = arith.constant 192 : index
    %swap3A_85 = tpu.vector_load %arg6[%swap3A_84] {strides = array<i32>} : memref<256xi32, #tpu.memory_space<vmem>>, vector<16xi32>,
    tpu.vector_store %arg6[%swap3A_84], %gather3A_83 {strides = array<i32>} : memref<256xi32, #tpu.memory_space<vmem>>, vector<16xi32>,
    %add3A_86 = arith.constant 26 : i32
    %add3A_87 = vector.broadcast %add3A_86 : i32 to vector<16xi32>
    %add3A_88 = arith.addi %shift_right_logical3A_7, %add3A_87 : vector<16xi32>
    %gather3A_89 = tpu.vector_load_idx %arg5[%add3A_88, %and3A_9] : memref<32x8xi32, #tpu.memory_space<vmem>>[vector<16xi32>, vector<16xi32>], vector<16xi32>,
    %swap3A_90 = arith.constant 208 : index
    %swap3A_91 = tpu.vector_load %arg6[%swap3A_90] {strides = array<i32>} : memref<256xi32, #tpu.memory_space<vmem>>, vector<16xi32>,
    tpu.vector_store %arg6[%swap3A_90], %gather3A_89 {strides = array<i32>} : memref<256xi32, #tpu.memory_space<vmem>>, vector<16xi32>,
    %add3A_92 = arith.constant 28 : i32
    %add3A_93 = vector.broadcast %add3A_92 : i32 to vector<16xi32>
    %add3A_94 = arith.addi %shift_right_logical3A_7, %add3A_93 : vector<16xi32>
    %gather3A_95 = tpu.vector_load_idx %arg5[%add3A_94, %and3A_9] : memref<32x8xi32, #tpu.memory_space<vmem>>[vector<16xi32>, vector<16xi32>], vector<16xi32>,
    %swap3A_96 = arith.constant 224 : index
    %swap3A_97 = tpu.vector_load %arg6[%swap3A_96] {strides = array<i32>} : memref<256xi32, #tpu.memory_space<vmem>>, vector<16xi32>,
    tpu.vector_store %arg6[%swap3A_96], %gather3A_95 {strides = array<i32>} : memref<256xi32, #tpu.memory_space<vmem>>, vector<16xi32>,
    %add3A_98 = arith.constant 30 : i32
    %add3A_99 = vector.broadcast %add3A_98 : i32 to vector<16xi32>
    %add3A_100 = arith.addi %shift_right_logical3A_7, %add3A_99 : vector<16xi32>
    %gather3A_101 = tpu.vector_load_idx %arg5[%add3A_100, %and3A_9] : memref<32x8xi32, #tpu.memory_space<vmem>>[vector<16xi32>, vector<16xi32>], vector<16xi32>,
    %swap3A_102 = arith.constant 240 : index
    %swap3A_103 = tpu.vector_load %arg6[%swap3A_102] {strides = array<i32>} : memref<256xi32, #tpu.memory_space<vmem>>, vector<16xi32>,
    tpu.vector_store %arg6[%swap3A_102], %gather3A_101 {strides = array<i32>} : memref<256xi32, #tpu.memory_space<vmem>>, vector<16xi32>,
    %dma_start3A = arith.constant 0 : i32
    %dma_start3A_104 = arith.constant 0 : i32
    %dma_start3A_105 = tpu.memref_slice %arg7[%dma_start3A, %dma_start3A_104] : memref<256x128xf32, #tpu.memory_space<vmem>> -> memref<128x128xf32, #tpu.memory_space<vmem>>
    %dma_start3A_106 = arith.constant 0 : i32
    %dma_start3A_107 = tpu.memref_slice %arg6[%dma_start3A_106] : memref<256xi32, #tpu.memory_space<vmem>> -> memref<128xi32, #tpu.memory_space<vmem>>
    %dma_start3A_108 = arith.constant 0 : i32
    %dma_start3A_109 = arith.constant 0 : i32
    %dma_start3A_110 = tpu.memref_slice %arg3[%dma_start3A_108, %dma_start3A_109] : memref<100000x128xf32, #tpu.memory_space<hbm>> -> memref<100000x128xf32, #tpu.memory_space<hbm>>
    tpu.enqueue_indirect_dma source(%dma_start3A_110 : memref<100000x128xf32, #tpu.memory_space<hbm>>) target(%dma_start3A_105 : memref<128x128xf32, #tpu.memory_space<vmem>>) offsets(%dma_start3A_107 : memref<128xi32, #tpu.memory_space<vmem>>) semaphore(%arg11 : memref<!tpu.dma_semaphore, #tpu.memory_space<semaphore_mem>>)
    %dma_start3A_111 = arith.constant 128 : i32
    %dma_start3A_112 = arith.constant 0 : i32
    %dma_start3A_113 = tpu.memref_slice %arg7[%dma_start3A_111, %dma_start3A_112] : memref<256x128xf32, #tpu.memory_space<vmem>> -> memref<128x128xf32, #tpu.memory_space<vmem>>
    %dma_start3A_114 = arith.constant 128 : i32
    %dma_start3A_115 = tpu.memref_slice %arg6[%dma_start3A_114] : memref<256xi32, #tpu.memory_space<vmem>> -> memref<128xi32, #tpu.memory_space<vmem>>
    %dma_start3A_116 = arith.constant 0 : i32
    %dma_start3A_117 = arith.constant 0 : i32
    %dma_start3A_118 = tpu.memref_slice %arg3[%dma_start3A_116, %dma_start3A_117] : memref<100000x128xf32, #tpu.memory_space<hbm>> -> memref<100000x128xf32, #tpu.memory_space<hbm>>
    tpu.enqueue_indirect_dma source(%dma_start3A_118 : memref<100000x128xf32, #tpu.memory_space<hbm>>) target(%dma_start3A_113 : memref<128x128xf32, #tpu.memory_space<vmem>>) offsets(%dma_start3A_115 : memref<128xi32, #tpu.memory_space<vmem>>) semaphore(%arg12 : memref<!tpu.dma_semaphore, #tpu.memory_space<semaphore_mem>>)
    %scan3A = arith.constant 0 : i32
    %scan3A_119 = arith.constant 0 : i32
    %scan3A_120 = arith.constant 16 : i32
    %scan3A_121 = arith.addi %scan3A_119, %scan3A_120 : i32
    %scan3A_122 = arith.constant 1 : i32
    %scan3A_123 = scf.for %scan3A_147 = %scan3A_119 to %scan3A_121 step %scan3A_122 iter_args(%scan3A_148 = %scan3A) -> (i32)  : i32 {
      %mul3A_149 = arith.constant 16 : i32
      %mul3A_150 = arith.muli %scan3A_147, %mul3A_149 : i32
      %get3A = arith.index_cast %mul3A_150 : i32 to index
      %get3A_151 = tpu.vector_load %arg6[%get3A] {strides = array<i32>} : memref<256xi32, #tpu.memory_space<vmem>>, vector<16xi32>,
      %broadcast_in_dim3A_152 = arith.constant 1 : i32
      %broadcast_in_dim3A_153 = vector.broadcast %broadcast_in_dim3A_152 : i32 to vector<16xi32>
      %mul3A_154 = arith.constant 16 : i32
      %mul3A_155 = arith.muli %scan3A_147, %mul3A_154 : i32
      %and3A_156 = arith.constant -8 : i32
      %and3A_157 = vector.broadcast %and3A_156 : i32 to vector<16xi32>
      %and3A_158 = arith.andi %iota3A, %and3A_157 : vector<16xi32>
      %add3A_159 = vector.broadcast %mul3A_155 : i32 to vector<16xi32>
      %add3A_160 = arith.addi %add3A_159, %and3A_158 : vector<16xi32>
      %add3A_161 = arith.constant 1 : i32
      %add3A_162 = vector.broadcast %add3A_161 : i32 to vector<16xi32>
      %add3A_163 = arith.addi %iota3A, %add3A_162 : vector<16xi32>
      %and3A_164 = arith.constant 7 : i32
      %and3A_165 = vector.broadcast %and3A_164 : i32 to vector<16xi32>
      %and3A_166 = arith.andi %add3A_163, %and3A_165 : vector<16xi32>
      %add3A_167 = arith.addi %add3A_160, %and3A_166 : vector<16xi32>
      %gather3A_168 = tpu.vector_load_idx %arg6[%add3A_167] : memref<256xi32, #tpu.memory_space<vmem>>[vector<16xi32>], vector<16xi32>,
      %eq3A = arith.cmpi eq, %gather3A_168, %get3A_151 : vector<16xi32>
      %jit3A = arith.constant 1 : i32
      %jit3A_169 = arith.constant 0 : i32
      %broadcast_in_dim3A_170 = vector.broadcast %jit3A : i32 to vector<16xi32>
      %broadcast_in_dim3A_171 = vector.broadcast %jit3A_169 : i32 to vector<16xi32>
      %select_n3A = arith.select %eq3A, %broadcast_in_dim3A_170, %broadcast_in_dim3A_171 : vector<16xi1>, vector<16xi32>
      %add3A_172 = arith.addi %broadcast_in_dim3A_153, %select_n3A : vector<16xi32>
      %add3A_173 = arith.constant 2 : i32
      %add3A_174 = vector.broadcast %add3A_173 : i32 to vector<16xi32>
      %add3A_175 = arith.addi %iota3A, %add3A_174 : vector<16xi32>
      %and3A_176 = arith.constant 7 : i32
      %and3A_177 = vector.broadcast %and3A_176 : i32 to vector<16xi32>
      %and3A_178 = arith.andi %add3A_175, %and3A_177 : vector<16xi32>
      %add3A_179 = arith.addi %add3A_160, %and3A_178 : vector<16xi32>
      %gather3A_180 = tpu.vector_load_idx %arg6[%add3A_179] : memref<256xi32, #tpu.memory_space<vmem>>[vector<16xi32>], vector<16xi32>,
      %eq3A_181 = arith.cmpi eq, %gather3A_180, %get3A_151 : vector<16xi32>
      %jit3A_182 = arith.constant 1 : i32
      %jit3A_183 = arith.constant 0 : i32
      %broadcast_in_dim3A_184 = vector.broadcast %jit3A_182 : i32 to vector<16xi32>
      %broadcast_in_dim3A_185 = vector.broadcast %jit3A_183 : i32 to vector<16xi32>
      %select_n3A_186 = arith.select %eq3A_181, %broadcast_in_dim3A_184, %broadcast_in_dim3A_185 : vector<16xi1>, vector<16xi32>
      %add3A_187 = arith.addi %add3A_172, %select_n3A_186 : vector<16xi32>
      %add3A_188 = arith.constant 3 : i32
      %add3A_189 = vector.broadcast %add3A_188 : i32 to vector<16xi32>
      %add3A_190 = arith.addi %iota3A, %add3A_189 : vector<16xi32>
      %and3A_191 = arith.constant 7 : i32
      %and3A_192 = vector.broadcast %and3A_191 : i32 to vector<16xi32>
      %and3A_193 = arith.andi %add3A_190, %and3A_192 : vector<16xi32>
      %add3A_194 = arith.addi %add3A_160, %and3A_193 : vector<16xi32>
      %gather3A_195 = tpu.vector_load_idx %arg6[%add3A_194] : memref<256xi32, #tpu.memory_space<vmem>>[vector<16xi32>], vector<16xi32>,
      %eq3A_196 = arith.cmpi eq, %gather3A_195, %get3A_151 : vector<16xi32>
      %jit3A_197 = arith.constant 1 : i32
      %jit3A_198 = arith.constant 0 : i32
      %broadcast_in_dim3A_199 = vector.broadcast %jit3A_197 : i32 to vector<16xi32>
      %broadcast_in_dim3A_200 = vector.broadcast %jit3A_198 : i32 to vector<16xi32>
      %select_n3A_201 = arith.select %eq3A_196, %broadcast_in_dim3A_199, %broadcast_in_dim3A_200 : vector<16xi1>, vector<16xi32>
      %add3A_202 = arith.addi %add3A_187, %select_n3A_201 : vector<16xi32>
      %add3A_203 = arith.constant 4 : i32
      %add3A_204 = vector.broadcast %add3A_203 : i32 to vector<16xi32>
      %add3A_205 = arith.addi %iota3A, %add3A_204 : vector<16xi32>
      %and3A_206 = arith.constant 7 : i32
      %and3A_207 = vector.broadcast %and3A_206 : i32 to vector<16xi32>
      %and3A_208 = arith.andi %add3A_205, %and3A_207 : vector<16xi32>
      %add3A_209 = arith.addi %add3A_160, %and3A_208 : vector<16xi32>
      %gather3A_210 = tpu.vector_load_idx %arg6[%add3A_209] : memref<256xi32, #tpu.memory_space<vmem>>[vector<16xi32>], vector<16xi32>,
      %eq3A_211 = arith.cmpi eq, %gather3A_210, %get3A_151 : vector<16xi32>
      %jit3A_212 = arith.constant 1 : i32
      %jit3A_213 = arith.constant 0 : i32
      %broadcast_in_dim3A_214 = vector.broadcast %jit3A_212 : i32 to vector<16xi32>
      %broadcast_in_dim3A_215 = vector.broadcast %jit3A_213 : i32 to vector<16xi32>
      %select_n3A_216 = arith.select %eq3A_211, %broadcast_in_dim3A_214, %broadcast_in_dim3A_215 : vector<16xi1>, vector<16xi32>
      %add3A_217 = arith.addi %add3A_202, %select_n3A_216 : vector<16xi32>
      %add3A_218 = arith.constant 5 : i32
      %add3A_219 = vector.broadcast %add3A_218 : i32 to vector<16xi32>
      %add3A_220 = arith.addi %iota3A, %add3A_219 : vector<16xi32>
      %and3A_221 = arith.constant 7 : i32
      %and3A_222 = vector.broadcast %and3A_221 : i32 to vector<16xi32>
      %and3A_223 = arith.andi %add3A_220, %and3A_222 : vector<16xi32>
      %add3A_224 = arith.addi %add3A_160, %and3A_223 : vector<16xi32>
      %gather3A_225 = tpu.vector_load_idx %arg6[%add3A_224] : memref<256xi32, #tpu.memory_space<vmem>>[vector<16xi32>], vector<16xi32>,
      %eq3A_226 = arith.cmpi eq, %gather3A_225, %get3A_151 : vector<16xi32>
      %jit3A_227 = arith.constant 1 : i32
      %jit3A_228 = arith.constant 0 : i32
      %broadcast_in_dim3A_229 = vector.broadcast %jit3A_227 : i32 to vector<16xi32>
      %broadcast_in_dim3A_230 = vector.broadcast %jit3A_228 : i32 to vector<16xi32>
      %select_n3A_231 = arith.select %eq3A_226, %broadcast_in_dim3A_229, %broadcast_in_dim3A_230 : vector<16xi1>, vector<16xi32>
      %add3A_232 = arith.addi %add3A_217, %select_n3A_231 : vector<16xi32>
      %add3A_233 = arith.constant 6 : i32
      %add3A_234 = vector.broadcast %add3A_233 : i32 to vector<16xi32>
      %add3A_235 = arith.addi %iota3A, %add3A_234 : vector<16xi32>
      %and3A_236 = arith.constant 7 : i32
      %and3A_237 = vector.broadcast %and3A_236 : i32 to vector<16xi32>
      %and3A_238 = arith.andi %add3A_235, %and3A_237 : vector<16xi32>
      %add3A_239 = arith.addi %add3A_160, %and3A_238 : vector<16xi32>
      %gather3A_240 = tpu.vector_load_idx %arg6[%add3A_239] : memref<256xi32, #tpu.memory_space<vmem>>[vector<16xi32>], vector<16xi32>,
      %eq3A_241 = arith.cmpi eq, %gather3A_240, %get3A_151 : vector<16xi32>
      %jit3A_242 = arith.constant 1 : i32
      %jit3A_243 = arith.constant 0 : i32
      %broadcast_in_dim3A_244 = vector.broadcast %jit3A_242 : i32 to vector<16xi32>
      %broadcast_in_dim3A_245 = vector.broadcast %jit3A_243 : i32 to vector<16xi32>
      %select_n3A_246 = arith.select %eq3A_241, %broadcast_in_dim3A_244, %broadcast_in_dim3A_245 : vector<16xi1>, vector<16xi32>
      %add3A_247 = arith.addi %add3A_232, %select_n3A_246 : vector<16xi32>
      %add3A_248 = arith.constant 7 : i32
      %add3A_249 = vector.broadcast %add3A_248 : i32 to vector<16xi32>
      %add3A_250 = arith.addi %iota3A, %add3A_249 : vector<16xi32>
      %and3A_251 = arith.constant 7 : i32
      %and3A_252 = vector.broadcast %and3A_251 : i32 to vector<16xi32>
      %and3A_253 = arith.andi %add3A_250, %and3A_252 : vector<16xi32>
      %add3A_254 = arith.addi %add3A_160, %and3A_253 : vector<16xi32>
      %gather3A_255 = tpu.vector_load_idx %arg6[%add3A_254] : memref<256xi32, #tpu.memory_space<vmem>>[vector<16xi32>], vector<16xi32>,
      %eq3A_256 = arith.cmpi eq, %gather3A_255, %get3A_151 : vector<16xi32>
      %jit3A_257 = arith.constant 1 : i32
      %jit3A_258 = arith.constant 0 : i32
      %broadcast_in_dim3A_259 = vector.broadcast %jit3A_257 : i32 to vector<16xi32>
      %broadcast_in_dim3A_260 = vector.broadcast %jit3A_258 : i32 to vector<16xi32>
      %select_n3A_261 = arith.select %eq3A_256, %broadcast_in_dim3A_259, %broadcast_in_dim3A_260 : vector<16xi1>, vector<16xi32>
      %add3A_262 = arith.addi %add3A_247, %select_n3A_261 : vector<16xi32>
      %convert_element_type3A = arith.sitofp %add3A_262 : vector<16xi32> to vector<16xf32>
      %mul3A_263 = arith.constant 16 : i32
      %mul3A_264 = arith.muli %scan3A_147, %mul3A_263 : i32
      %swap3A_265 = arith.index_cast %mul3A_264 : i32 to index
      %swap3A_266 = tpu.vector_load %arg9[%swap3A_265] {strides = array<i32>} : memref<256xf32, #tpu.memory_space<vmem>>, vector<16xf32>,
      tpu.vector_store %arg9[%swap3A_265], %convert_element_type3A {strides = array<i32>} : memref<256xf32, #tpu.memory_space<vmem>>, vector<16xf32>,
      %scan3A_267 = arith.constant 0 : i32
      scf.yield %scan3A_267 : i32
    }
    %scan3A_124 = arith.constant 16 : i32
    %dma_wait3A = arith.constant 0 : i32
    %dma_wait3A_125 = arith.constant 0 : i32
    %dma_wait3A_126 = tpu.memref_slice %arg7[%dma_wait3A, %dma_wait3A_125] : memref<256x128xf32, #tpu.memory_space<vmem>> -> memref<128x128xf32, #tpu.memory_space<vmem>>
    %dma_wait3A_127 = arith.constant 0 : i32
    %dma_wait3A_128 = tpu.memref_slice %arg6[%dma_wait3A_127] : memref<256xi32, #tpu.memory_space<vmem>> -> memref<128xi32, #tpu.memory_space<vmem>>
    %dma_wait3A_129 = arith.constant 0 : i32
    %dma_wait3A_130 = arith.constant 0 : i32
    %dma_wait3A_131 = tpu.memref_slice %arg3[%dma_wait3A_129, %dma_wait3A_130] : memref<100000x128xf32, #tpu.memory_space<hbm>> -> memref<100000x128xf32, #tpu.memory_space<hbm>>
    tpu.wait_indirect_dma semaphore(%arg11 : memref<!tpu.dma_semaphore, #tpu.memory_space<semaphore_mem>>) src(%dma_wait3A_131 : memref<100000x128xf32, #tpu.memory_space<hbm>>) dst(%dma_wait3A_126 : memref<128x128xf32, #tpu.memory_space<vmem>>)
    %dma_wait3A_132 = arith.constant 128 : i32
    %dma_wait3A_133 = arith.constant 0 : i32
    %dma_wait3A_134 = tpu.memref_slice %arg7[%dma_wait3A_132, %dma_wait3A_133] : memref<256x128xf32, #tpu.memory_space<vmem>> -> memref<128x128xf32, #tpu.memory_space<vmem>>
    %dma_wait3A_135 = arith.constant 128 : i32
    %dma_wait3A_136 = tpu.memref_slice %arg6[%dma_wait3A_135] : memref<256xi32, #tpu.memory_space<vmem>> -> memref<128xi32, #tpu.memory_space<vmem>>
    %dma_wait3A_137 = arith.constant 0 : i32
    %dma_wait3A_138 = arith.constant 0 : i32
    %dma_wait3A_139 = tpu.memref_slice %arg3[%dma_wait3A_137, %dma_wait3A_138] : memref<100000x128xf32, #tpu.memory_space<hbm>> -> memref<100000x128xf32, #tpu.memory_space<hbm>>
    tpu.wait_indirect_dma semaphore(%arg12 : memref<!tpu.dma_semaphore, #tpu.memory_space<semaphore_mem>>) src(%dma_wait3A_139 : memref<100000x128xf32, #tpu.memory_space<hbm>>) dst(%dma_wait3A_134 : memref<128x128xf32, #tpu.memory_space<vmem>>)
    %scan3A_140 = arith.constant 0 : i32
    %scan3A_141 = arith.constant 0 : i32
    %scan3A_142 = arith.constant 16 : i32
    %scan3A_143 = arith.addi %scan3A_141, %scan3A_142 : i32
    %scan3A_144 = arith.constant 1 : i32
    %scan3A_145 = scf.for %scan3A_147 = %scan3A_141 to %scan3A_143 step %scan3A_144 iter_args(%scan3A_148 = %scan3A_140) -> (i32)  : i32 {
      %mul3A_149 = arith.constant 16 : i32
      %mul3A_150 = arith.muli %scan3A_147, %mul3A_149 : i32
      %add3A_151 = arith.constant 0 : i32
      %add3A_152 = arith.addi %mul3A_150, %add3A_151 : i32
      %add3A_153 = arith.constant 0 : i32
      %add3A_154 = arith.addi %add3A_152, %add3A_153 : i32
      %get3A = arith.index_cast %add3A_154 : i32 to index
      %get3A_155 = arith.constant 0 : index
      %get3A_156 = tpu.vector_load %arg7[%get3A, %get3A_155] {strides = array<i32>} : memref<256x128xf32, #tpu.memory_space<vmem>>, vector<16xf32>,
      %add3A_157 = arith.constant 1 : i32
      %add3A_158 = arith.addi %add3A_152, %add3A_157 : i32
      %get3A_159 = arith.index_cast %add3A_158 : i32 to index
      %get3A_160 = arith.constant 0 : index
      %get3A_161 = tpu.vector_load %arg7[%get3A_159, %get3A_160] {strides = array<i32>} : memref<256x128xf32, #tpu.memory_space<vmem>>, vector<16xf32>,
      %add3A_162 = arith.constant 2 : i32
      %add3A_163 = arith.addi %add3A_152, %add3A_162 : i32
      %get3A_164 = arith.index_cast %add3A_163 : i32 to index
      %get3A_165 = arith.constant 0 : index
      %get3A_166 = tpu.vector_load %arg7[%get3A_164, %get3A_165] {strides = array<i32>} : memref<256x128xf32, #tpu.memory_space<vmem>>, vector<16xf32>,
      %add3A_167 = arith.constant 3 : i32
      %add3A_168 = arith.addi %add3A_152, %add3A_167 : i32
      %get3A_169 = arith.index_cast %add3A_168 : i32 to index
      %get3A_170 = arith.constant 0 : index
      %get3A_171 = tpu.vector_load %arg7[%get3A_169, %get3A_170] {strides = array<i32>} : memref<256x128xf32, #tpu.memory_space<vmem>>, vector<16xf32>,
      %add3A_172 = arith.constant 4 : i32
      %add3A_173 = arith.addi %add3A_152, %add3A_172 : i32
      %get3A_174 = arith.index_cast %add3A_173 : i32 to index
      %get3A_175 = arith.constant 0 : index
      %get3A_176 = tpu.vector_load %arg7[%get3A_174, %get3A_175] {strides = array<i32>} : memref<256x128xf32, #tpu.memory_space<vmem>>, vector<16xf32>,
      %add3A_177 = arith.constant 5 : i32
      %add3A_178 = arith.addi %add3A_152, %add3A_177 : i32
      %get3A_179 = arith.index_cast %add3A_178 : i32 to index
      %get3A_180 = arith.constant 0 : index
      %get3A_181 = tpu.vector_load %arg7[%get3A_179, %get3A_180] {strides = array<i32>} : memref<256x128xf32, #tpu.memory_space<vmem>>, vector<16xf32>,
      %add3A_182 = arith.constant 6 : i32
      %add3A_183 = arith.addi %add3A_152, %add3A_182 : i32
      %get3A_184 = arith.index_cast %add3A_183 : i32 to index
      %get3A_185 = arith.constant 0 : index
      %get3A_186 = tpu.vector_load %arg7[%get3A_184, %get3A_185] {strides = array<i32>} : memref<256x128xf32, #tpu.memory_space<vmem>>, vector<16xf32>,
      %add3A_187 = arith.constant 7 : i32
      %add3A_188 = arith.addi %add3A_152, %add3A_187 : i32
      %get3A_189 = arith.index_cast %add3A_188 : i32 to index
      %get3A_190 = arith.constant 0 : index
      %get3A_191 = tpu.vector_load %arg7[%get3A_189, %get3A_190] {strides = array<i32>} : memref<256x128xf32, #tpu.memory_space<vmem>>, vector<16xf32>,
      %add3A_192 = arith.addf %get3A_156, %get3A_161 : vector<16xf32>
      %add3A_193 = arith.addf %get3A_166, %get3A_171 : vector<16xf32>
      %add3A_194 = arith.addf %add3A_192, %add3A_193 : vector<16xf32>
      %add3A_195 = arith.addf %get3A_176, %get3A_181 : vector<16xf32>
      %add3A_196 = arith.addf %get3A_186, %get3A_191 : vector<16xf32>
      %add3A_197 = arith.addf %add3A_195, %add3A_196 : vector<16xf32>
      %add3A_198 = arith.addf %add3A_194, %add3A_197 : vector<16xf32>
      %mul3A_199 = arith.mulf %get3A_156, %add3A_198 : vector<16xf32>
      %add3A_200 = arith.addf %broadcast_in_dim3A_5, %mul3A_199 : vector<16xf32>
      %mul3A_201 = arith.mulf %get3A_156, %get3A_156 : vector<16xf32>
      %add3A_202 = arith.addf %broadcast_in_dim3A_5, %mul3A_201 : vector<16xf32>
      %mul3A_203 = arith.mulf %get3A_161, %add3A_198 : vector<16xf32>
      %add3A_204 = arith.addf %broadcast_in_dim3A_5, %mul3A_203 : vector<16xf32>
      %mul3A_205 = arith.mulf %get3A_161, %get3A_161 : vector<16xf32>
      %add3A_206 = arith.addf %broadcast_in_dim3A_5, %mul3A_205 : vector<16xf32>
      %mul3A_207 = arith.mulf %get3A_166, %add3A_198 : vector<16xf32>
      %add3A_208 = arith.addf %broadcast_in_dim3A_5, %mul3A_207 : vector<16xf32>
      %mul3A_209 = arith.mulf %get3A_166, %get3A_166 : vector<16xf32>
      %add3A_210 = arith.addf %broadcast_in_dim3A_5, %mul3A_209 : vector<16xf32>
      %mul3A_211 = arith.mulf %get3A_171, %add3A_198 : vector<16xf32>
      %add3A_212 = arith.addf %broadcast_in_dim3A_5, %mul3A_211 : vector<16xf32>
      %mul3A_213 = arith.mulf %get3A_171, %get3A_171 : vector<16xf32>
      %add3A_214 = arith.addf %broadcast_in_dim3A_5, %mul3A_213 : vector<16xf32>
      %mul3A_215 = arith.mulf %get3A_176, %add3A_198 : vector<16xf32>
      %add3A_216 = arith.addf %broadcast_in_dim3A_5, %mul3A_215 : vector<16xf32>
      %mul3A_217 = arith.mulf %get3A_176, %get3A_176 : vector<16xf32>
      %add3A_218 = arith.addf %broadcast_in_dim3A_5, %mul3A_217 : vector<16xf32>
      %mul3A_219 = arith.mulf %get3A_181, %add3A_198 : vector<16xf32>
      %add3A_220 = arith.addf %broadcast_in_dim3A_5, %mul3A_219 : vector<16xf32>
      %mul3A_221 = arith.mulf %get3A_181, %get3A_181 : vector<16xf32>
      %add3A_222 = arith.addf %broadcast_in_dim3A_5, %mul3A_221 : vector<16xf32>
      %mul3A_223 = arith.mulf %get3A_186, %add3A_198 : vector<16xf32>
      %add3A_224 = arith.addf %broadcast_in_dim3A_5, %mul3A_223 : vector<16xf32>
      %mul3A_225 = arith.mulf %get3A_186, %get3A_186 : vector<16xf32>
      %add3A_226 = arith.addf %broadcast_in_dim3A_5, %mul3A_225 : vector<16xf32>
      %mul3A_227 = arith.mulf %get3A_191, %add3A_198 : vector<16xf32>
      %add3A_228 = arith.addf %broadcast_in_dim3A_5, %mul3A_227 : vector<16xf32>
      %mul3A_229 = arith.mulf %get3A_191, %get3A_191 : vector<16xf32>
      %add3A_230 = arith.addf %broadcast_in_dim3A_5, %mul3A_229 : vector<16xf32>
      %add3A_231 = arith.constant 0 : i32
      %add3A_232 = arith.addi %add3A_152, %add3A_231 : i32
      %get3A_233 = arith.index_cast %add3A_232 : i32 to index
      %get3A_234 = arith.constant 16 : index
      %get3A_235 = tpu.vector_load %arg7[%get3A_233, %get3A_234] {strides = array<i32>} : memref<256x128xf32, #tpu.memory_space<vmem>>, vector<16xf32>,
      %add3A_236 = arith.constant 1 : i32
      %add3A_237 = arith.addi %add3A_152, %add3A_236 : i32
      %get3A_238 = arith.index_cast %add3A_237 : i32 to index
      %get3A_239 = arith.constant 16 : index
      %get3A_240 = tpu.vector_load %arg7[%get3A_238, %get3A_239] {strides = array<i32>} : memref<256x128xf32, #tpu.memory_space<vmem>>, vector<16xf32>,
      %add3A_241 = arith.constant 2 : i32
      %add3A_242 = arith.addi %add3A_152, %add3A_241 : i32
      %get3A_243 = arith.index_cast %add3A_242 : i32 to index
      %get3A_244 = arith.constant 16 : index
      %get3A_245 = tpu.vector_load %arg7[%get3A_243, %get3A_244] {strides = array<i32>} : memref<256x128xf32, #tpu.memory_space<vmem>>, vector<16xf32>,
      %add3A_246 = arith.constant 3 : i32
      %add3A_247 = arith.addi %add3A_152, %add3A_246 : i32
      %get3A_248 = arith.index_cast %add3A_247 : i32 to index
      %get3A_249 = arith.constant 16 : index
      %get3A_250 = tpu.vector_load %arg7[%get3A_248, %get3A_249] {strides = array<i32>} : memref<256x128xf32, #tpu.memory_space<vmem>>, vector<16xf32>,
      %add3A_251 = arith.constant 4 : i32
      %add3A_252 = arith.addi %add3A_152, %add3A_251 : i32
      %get3A_253 = arith.index_cast %add3A_252 : i32 to index
      %get3A_254 = arith.constant 16 : index
      %get3A_255 = tpu.vector_load %arg7[%get3A_253, %get3A_254] {strides = array<i32>} : memref<256x128xf32, #tpu.memory_space<vmem>>, vector<16xf32>,
      %add3A_256 = arith.constant 5 : i32
      %add3A_257 = arith.addi %add3A_152, %add3A_256 : i32
      %get3A_258 = arith.index_cast %add3A_257 : i32 to index
      %get3A_259 = arith.constant 16 : index
      %get3A_260 = tpu.vector_load %arg7[%get3A_258, %get3A_259] {strides = array<i32>} : memref<256x128xf32, #tpu.memory_space<vmem>>, vector<16xf32>,
      %add3A_261 = arith.constant 6 : i32
      %add3A_262 = arith.addi %add3A_152, %add3A_261 : i32
      %get3A_263 = arith.index_cast %add3A_262 : i32 to index
      %get3A_264 = arith.constant 16 : index
      %get3A_265 = tpu.vector_load %arg7[%get3A_263, %get3A_264] {strides = array<i32>} : memref<256x128xf32, #tpu.memory_space<vmem>>, vector<16xf32>,
      %add3A_266 = arith.constant 7 : i32
      %add3A_267 = arith.addi %add3A_152, %add3A_266 : i32
      %get3A_268 = arith.index_cast %add3A_267 : i32 to index
      %get3A_269 = arith.constant 16 : index
      %get3A_270 = tpu.vector_load %arg7[%get3A_268, %get3A_269] {strides = array<i32>} : memref<256x128xf32, #tpu.memory_space<vmem>>, vector<16xf32>,
      %add3A_271 = arith.addf %get3A_235, %get3A_240 : vector<16xf32>
      %add3A_272 = arith.addf %get3A_245, %get3A_250 : vector<16xf32>
      %add3A_273 = arith.addf %add3A_271, %add3A_272 : vector<16xf32>
      %add3A_274 = arith.addf %get3A_255, %get3A_260 : vector<16xf32>
      %add3A_275 = arith.addf %get3A_265, %get3A_270 : vector<16xf32>
      %add3A_276 = arith.addf %add3A_274, %add3A_275 : vector<16xf32>
      %add3A_277 = arith.addf %add3A_273, %add3A_276 : vector<16xf32>
      %mul3A_278 = arith.mulf %get3A_235, %add3A_277 : vector<16xf32>
      %add3A_279 = arith.addf %add3A_200, %mul3A_278 : vector<16xf32>
      %mul3A_280 = arith.mulf %get3A_235, %get3A_235 : vector<16xf32>
      %add3A_281 = arith.addf %add3A_202, %mul3A_280 : vector<16xf32>
      %mul3A_282 = arith.mulf %get3A_240, %add3A_277 : vector<16xf32>
      %add3A_283 = arith.addf %add3A_204, %mul3A_282 : vector<16xf32>
      %mul3A_284 = arith.mulf %get3A_240, %get3A_240 : vector<16xf32>
      %add3A_285 = arith.addf %add3A_206, %mul3A_284 : vector<16xf32>
      %mul3A_286 = arith.mulf %get3A_245, %add3A_277 : vector<16xf32>
      %add3A_287 = arith.addf %add3A_208, %mul3A_286 : vector<16xf32>
      %mul3A_288 = arith.mulf %get3A_245, %get3A_245 : vector<16xf32>
      %add3A_289 = arith.addf %add3A_210, %mul3A_288 : vector<16xf32>
      %mul3A_290 = arith.mulf %get3A_250, %add3A_277 : vector<16xf32>
      %add3A_291 = arith.addf %add3A_212, %mul3A_290 : vector<16xf32>
      %mul3A_292 = arith.mulf %get3A_250, %get3A_250 : vector<16xf32>
      %add3A_293 = arith.addf %add3A_214, %mul3A_292 : vector<16xf32>
      %mul3A_294 = arith.mulf %get3A_255, %add3A_277 : vector<16xf32>
      %add3A_295 = arith.addf %add3A_216, %mul3A_294 : vector<16xf32>
      %mul3A_296 = arith.mulf %get3A_255, %get3A_255 : vector<16xf32>
      %add3A_297 = arith.addf %add3A_218, %mul3A_296 : vector<16xf32>
      %mul3A_298 = arith.mulf %get3A_260, %add3A_277 : vector<16xf32>
      %add3A_299 = arith.addf %add3A_220, %mul3A_298 : vector<16xf32>
      %mul3A_300 = arith.mulf %get3A_260, %get3A_260 : vector<16xf32>
      %add3A_301 = arith.addf %add3A_222, %mul3A_300 : vector<16xf32>
      %mul3A_302 = arith.mulf %get3A_265, %add3A_277 : vector<16xf32>
      %add3A_303 = arith.addf %add3A_224, %mul3A_302 : vector<16xf32>
      %mul3A_304 = arith.mulf %get3A_265, %get3A_265 : vector<16xf32>
      %add3A_305 = arith.addf %add3A_226, %mul3A_304 : vector<16xf32>
      %mul3A_306 = arith.mulf %get3A_270, %add3A_277 : vector<16xf32>
      %add3A_307 = arith.addf %add3A_228, %mul3A_306 : vector<16xf32>
      %mul3A_308 = arith.mulf %get3A_270, %get3A_270 : vector<16xf32>
      %add3A_309 = arith.addf %add3A_230, %mul3A_308 : vector<16xf32>
      %add3A_310 = arith.constant 0 : i32
      %add3A_311 = arith.addi %add3A_152, %add3A_310 : i32
      %get3A_312 = arith.index_cast %add3A_311 : i32 to index
      %get3A_313 = arith.constant 32 : index
      %get3A_314 = tpu.vector_load %arg7[%get3A_312, %get3A_313] {strides = array<i32>} : memref<256x128xf32, #tpu.memory_space<vmem>>, vector<16xf32>,
      %add3A_315 = arith.constant 1 : i32
      %add3A_316 = arith.addi %add3A_152, %add3A_315 : i32
      %get3A_317 = arith.index_cast %add3A_316 : i32 to index
      %get3A_318 = arith.constant 32 : index
      %get3A_319 = tpu.vector_load %arg7[%get3A_317, %get3A_318] {strides = array<i32>} : memref<256x128xf32, #tpu.memory_space<vmem>>, vector<16xf32>,
      %add3A_320 = arith.constant 2 : i32
      %add3A_321 = arith.addi %add3A_152, %add3A_320 : i32
      %get3A_322 = arith.index_cast %add3A_321 : i32 to index
      %get3A_323 = arith.constant 32 : index
      %get3A_324 = tpu.vector_load %arg7[%get3A_322, %get3A_323] {strides = array<i32>} : memref<256x128xf32, #tpu.memory_space<vmem>>, vector<16xf32>,
      %add3A_325 = arith.constant 3 : i32
      %add3A_326 = arith.addi %add3A_152, %add3A_325 : i32
      %get3A_327 = arith.index_cast %add3A_326 : i32 to index
      %get3A_328 = arith.constant 32 : index
      %get3A_329 = tpu.vector_load %arg7[%get3A_327, %get3A_328] {strides = array<i32>} : memref<256x128xf32, #tpu.memory_space<vmem>>, vector<16xf32>,
      %add3A_330 = arith.constant 4 : i32
      %add3A_331 = arith.addi %add3A_152, %add3A_330 : i32
      %get3A_332 = arith.index_cast %add3A_331 : i32 to index
      %get3A_333 = arith.constant 32 : index
      %get3A_334 = tpu.vector_load %arg7[%get3A_332, %get3A_333] {strides = array<i32>} : memref<256x128xf32, #tpu.memory_space<vmem>>, vector<16xf32>,
      %add3A_335 = arith.constant 5 : i32
      %add3A_336 = arith.addi %add3A_152, %add3A_335 : i32
      %get3A_337 = arith.index_cast %add3A_336 : i32 to index
      %get3A_338 = arith.constant 32 : index
      %get3A_339 = tpu.vector_load %arg7[%get3A_337, %get3A_338] {strides = array<i32>} : memref<256x128xf32, #tpu.memory_space<vmem>>, vector<16xf32>,
      %add3A_340 = arith.constant 6 : i32
      %add3A_341 = arith.addi %add3A_152, %add3A_340 : i32
      %get3A_342 = arith.index_cast %add3A_341 : i32 to index
      %get3A_343 = arith.constant 32 : index
      %get3A_344 = tpu.vector_load %arg7[%get3A_342, %get3A_343] {strides = array<i32>} : memref<256x128xf32, #tpu.memory_space<vmem>>, vector<16xf32>,
      %add3A_345 = arith.constant 7 : i32
      %add3A_346 = arith.addi %add3A_152, %add3A_345 : i32
      %get3A_347 = arith.index_cast %add3A_346 : i32 to index
      %get3A_348 = arith.constant 32 : index
      %get3A_349 = tpu.vector_load %arg7[%get3A_347, %get3A_348] {strides = array<i32>} : memref<256x128xf32, #tpu.memory_space<vmem>>, vector<16xf32>,
      %add3A_350 = arith.addf %get3A_314, %get3A_319 : vector<16xf32>
      %add3A_351 = arith.addf %get3A_324, %get3A_329 : vector<16xf32>
      %add3A_352 = arith.addf %add3A_350, %add3A_351 : vector<16xf32>
      %add3A_353 = arith.addf %get3A_334, %get3A_339 : vector<16xf32>
      %add3A_354 = arith.addf %get3A_344, %get3A_349 : vector<16xf32>
      %add3A_355 = arith.addf %add3A_353, %add3A_354 : vector<16xf32>
      %add3A_356 = arith.addf %add3A_352, %add3A_355 : vector<16xf32>
      %mul3A_357 = arith.mulf %get3A_314, %add3A_356 : vector<16xf32>
      %add3A_358 = arith.addf %add3A_279, %mul3A_357 : vector<16xf32>
      %mul3A_359 = arith.mulf %get3A_314, %get3A_314 : vector<16xf32>
      %add3A_360 = arith.addf %add3A_281, %mul3A_359 : vector<16xf32>
      %mul3A_361 = arith.mulf %get3A_319, %add3A_356 : vector<16xf32>
      %add3A_362 = arith.addf %add3A_283, %mul3A_361 : vector<16xf32>
      %mul3A_363 = arith.mulf %get3A_319, %get3A_319 : vector<16xf32>
      %add3A_364 = arith.addf %add3A_285, %mul3A_363 : vector<16xf32>
      %mul3A_365 = arith.mulf %get3A_324, %add3A_356 : vector<16xf32>
      %add3A_366 = arith.addf %add3A_287, %mul3A_365 : vector<16xf32>
      %mul3A_367 = arith.mulf %get3A_324, %get3A_324 : vector<16xf32>
      %add3A_368 = arith.addf %add3A_289, %mul3A_367 : vector<16xf32>
      %mul3A_369 = arith.mulf %get3A_329, %add3A_356 : vector<16xf32>
      %add3A_370 = arith.addf %add3A_291, %mul3A_369 : vector<16xf32>
      %mul3A_371 = arith.mulf %get3A_329, %get3A_329 : vector<16xf32>
      %add3A_372 = arith.addf %add3A_293, %mul3A_371 : vector<16xf32>
      %mul3A_373 = arith.mulf %get3A_334, %add3A_356 : vector<16xf32>
      %add3A_374 = arith.addf %add3A_295, %mul3A_373 : vector<16xf32>
      %mul3A_375 = arith.mulf %get3A_334, %get3A_334 : vector<16xf32>
      %add3A_376 = arith.addf %add3A_297, %mul3A_375 : vector<16xf32>
      %mul3A_377 = arith.mulf %get3A_339, %add3A_356 : vector<16xf32>
      %add3A_378 = arith.addf %add3A_299, %mul3A_377 : vector<16xf32>
      %mul3A_379 = arith.mulf %get3A_339, %get3A_339 : vector<16xf32>
      %add3A_380 = arith.addf %add3A_301, %mul3A_379 : vector<16xf32>
      %mul3A_381 = arith.mulf %get3A_344, %add3A_356 : vector<16xf32>
      %add3A_382 = arith.addf %add3A_303, %mul3A_381 : vector<16xf32>
      %mul3A_383 = arith.mulf %get3A_344, %get3A_344 : vector<16xf32>
      %add3A_384 = arith.addf %add3A_305, %mul3A_383 : vector<16xf32>
      %mul3A_385 = arith.mulf %get3A_349, %add3A_356 : vector<16xf32>
      %add3A_386 = arith.addf %add3A_307, %mul3A_385 : vector<16xf32>
      %mul3A_387 = arith.mulf %get3A_349, %get3A_349 : vector<16xf32>
      %add3A_388 = arith.addf %add3A_309, %mul3A_387 : vector<16xf32>
      %add3A_389 = arith.constant 0 : i32
      %add3A_390 = arith.addi %add3A_152, %add3A_389 : i32
      %get3A_391 = arith.index_cast %add3A_390 : i32 to index
      %get3A_392 = arith.constant 48 : index
      %get3A_393 = tpu.vector_load %arg7[%get3A_391, %get3A_392] {strides = array<i32>} : memref<256x128xf32, #tpu.memory_space<vmem>>, vector<16xf32>,
      %add3A_394 = arith.constant 1 : i32
      %add3A_395 = arith.addi %add3A_152, %add3A_394 : i32
      %get3A_396 = arith.index_cast %add3A_395 : i32 to index
      %get3A_397 = arith.constant 48 : index
      %get3A_398 = tpu.vector_load %arg7[%get3A_396, %get3A_397] {strides = array<i32>} : memref<256x128xf32, #tpu.memory_space<vmem>>, vector<16xf32>,
      %add3A_399 = arith.constant 2 : i32
      %add3A_400 = arith.addi %add3A_152, %add3A_399 : i32
      %get3A_401 = arith.index_cast %add3A_400 : i32 to index
      %get3A_402 = arith.constant 48 : index
      %get3A_403 = tpu.vector_load %arg7[%get3A_401, %get3A_402] {strides = array<i32>} : memref<256x128xf32, #tpu.memory_space<vmem>>, vector<16xf32>,
      %add3A_404 = arith.constant 3 : i32
      %add3A_405 = arith.addi %add3A_152, %add3A_404 : i32
      %get3A_406 = arith.index_cast %add3A_405 : i32 to index
      %get3A_407 = arith.constant 48 : index
      %get3A_408 = tpu.vector_load %arg7[%get3A_406, %get3A_407] {strides = array<i32>} : memref<256x128xf32, #tpu.memory_space<vmem>>, vector<16xf32>,
      %add3A_409 = arith.constant 4 : i32
      %add3A_410 = arith.addi %add3A_152, %add3A_409 : i32
      %get3A_411 = arith.index_cast %add3A_410 : i32 to index
      %get3A_412 = arith.constant 48 : index
      %get3A_413 = tpu.vector_load %arg7[%get3A_411, %get3A_412] {strides = array<i32>} : memref<256x128xf32, #tpu.memory_space<vmem>>, vector<16xf32>,
      %add3A_414 = arith.constant 5 : i32
      %add3A_415 = arith.addi %add3A_152, %add3A_414 : i32
      %get3A_416 = arith.index_cast %add3A_415 : i32 to index
      %get3A_417 = arith.constant 48 : index
      %get3A_418 = tpu.vector_load %arg7[%get3A_416, %get3A_417] {strides = array<i32>} : memref<256x128xf32, #tpu.memory_space<vmem>>, vector<16xf32>,
      %add3A_419 = arith.constant 6 : i32
      %add3A_420 = arith.addi %add3A_152, %add3A_419 : i32
      %get3A_421 = arith.index_cast %add3A_420 : i32 to index
      %get3A_422 = arith.constant 48 : index
      %get3A_423 = tpu.vector_load %arg7[%get3A_421, %get3A_422] {strides = array<i32>} : memref<256x128xf32, #tpu.memory_space<vmem>>, vector<16xf32>,
      %add3A_424 = arith.constant 7 : i32
      %add3A_425 = arith.addi %add3A_152, %add3A_424 : i32
      %get3A_426 = arith.index_cast %add3A_425 : i32 to index
      %get3A_427 = arith.constant 48 : index
      %get3A_428 = tpu.vector_load %arg7[%get3A_426, %get3A_427] {strides = array<i32>} : memref<256x128xf32, #tpu.memory_space<vmem>>, vector<16xf32>,
      %add3A_429 = arith.addf %get3A_393, %get3A_398 : vector<16xf32>
      %add3A_430 = arith.addf %get3A_403, %get3A_408 : vector<16xf32>
      %add3A_431 = arith.addf %add3A_429, %add3A_430 : vector<16xf32>
      %add3A_432 = arith.addf %get3A_413, %get3A_418 : vector<16xf32>
      %add3A_433 = arith.addf %get3A_423, %get3A_428 : vector<16xf32>
      %add3A_434 = arith.addf %add3A_432, %add3A_433 : vector<16xf32>
      %add3A_435 = arith.addf %add3A_431, %add3A_434 : vector<16xf32>
      %mul3A_436 = arith.mulf %get3A_393, %add3A_435 : vector<16xf32>
      %add3A_437 = arith.addf %add3A_358, %mul3A_436 : vector<16xf32>
      %mul3A_438 = arith.mulf %get3A_393, %get3A_393 : vector<16xf32>
      %add3A_439 = arith.addf %add3A_360, %mul3A_438 : vector<16xf32>
      %mul3A_440 = arith.mulf %get3A_398, %add3A_435 : vector<16xf32>
      %add3A_441 = arith.addf %add3A_362, %mul3A_440 : vector<16xf32>
      %mul3A_442 = arith.mulf %get3A_398, %get3A_398 : vector<16xf32>
      %add3A_443 = arith.addf %add3A_364, %mul3A_442 : vector<16xf32>
      %mul3A_444 = arith.mulf %get3A_403, %add3A_435 : vector<16xf32>
      %add3A_445 = arith.addf %add3A_366, %mul3A_444 : vector<16xf32>
      %mul3A_446 = arith.mulf %get3A_403, %get3A_403 : vector<16xf32>
      %add3A_447 = arith.addf %add3A_368, %mul3A_446 : vector<16xf32>
      %mul3A_448 = arith.mulf %get3A_408, %add3A_435 : vector<16xf32>
      %add3A_449 = arith.addf %add3A_370, %mul3A_448 : vector<16xf32>
      %mul3A_450 = arith.mulf %get3A_408, %get3A_408 : vector<16xf32>
      %add3A_451 = arith.addf %add3A_372, %mul3A_450 : vector<16xf32>
      %mul3A_452 = arith.mulf %get3A_413, %add3A_435 : vector<16xf32>
      %add3A_453 = arith.addf %add3A_374, %mul3A_452 : vector<16xf32>
      %mul3A_454 = arith.mulf %get3A_413, %get3A_413 : vector<16xf32>
      %add3A_455 = arith.addf %add3A_376, %mul3A_454 : vector<16xf32>
      %mul3A_456 = arith.mulf %get3A_418, %add3A_435 : vector<16xf32>
      %add3A_457 = arith.addf %add3A_378, %mul3A_456 : vector<16xf32>
      %mul3A_458 = arith.mulf %get3A_418, %get3A_418 : vector<16xf32>
      %add3A_459 = arith.addf %add3A_380, %mul3A_458 : vector<16xf32>
      %mul3A_460 = arith.mulf %get3A_423, %add3A_435 : vector<16xf32>
      %add3A_461 = arith.addf %add3A_382, %mul3A_460 : vector<16xf32>
      %mul3A_462 = arith.mulf %get3A_423, %get3A_423 : vector<16xf32>
      %add3A_463 = arith.addf %add3A_384, %mul3A_462 : vector<16xf32>
      %mul3A_464 = arith.mulf %get3A_428, %add3A_435 : vector<16xf32>
      %add3A_465 = arith.addf %add3A_386, %mul3A_464 : vector<16xf32>
      %mul3A_466 = arith.mulf %get3A_428, %get3A_428 : vector<16xf32>
      %add3A_467 = arith.addf %add3A_388, %mul3A_466 : vector<16xf32>
      %add3A_468 = arith.constant 0 : i32
      %add3A_469 = arith.addi %add3A_152, %add3A_468 : i32
      %get3A_470 = arith.index_cast %add3A_469 : i32 to index
      %get3A_471 = arith.constant 64 : index
      %get3A_472 = tpu.vector_load %arg7[%get3A_470, %get3A_471] {strides = array<i32>} : memref<256x128xf32, #tpu.memory_space<vmem>>, vector<16xf32>,
      %add3A_473 = arith.constant 1 : i32
      %add3A_474 = arith.addi %add3A_152, %add3A_473 : i32
      %get3A_475 = arith.index_cast %add3A_474 : i32 to index
      %get3A_476 = arith.constant 64 : index
      %get3A_477 = tpu.vector_load %arg7[%get3A_475, %get3A_476] {strides = array<i32>} : memref<256x128xf32, #tpu.memory_space<vmem>>, vector<16xf32>,
      %add3A_478 = arith.constant 2 : i32
      %add3A_479 = arith.addi %add3A_152, %add3A_478 : i32
      %get3A_480 = arith.index_cast %add3A_479 : i32 to index
      %get3A_481 = arith.constant 64 : index
      %get3A_482 = tpu.vector_load %arg7[%get3A_480, %get3A_481] {strides = array<i32>} : memref<256x128xf32, #tpu.memory_space<vmem>>, vector<16xf32>,
      %add3A_483 = arith.constant 3 : i32
      %add3A_484 = arith.addi %add3A_152, %add3A_483 : i32
      %get3A_485 = arith.index_cast %add3A_484 : i32 to index
      %get3A_486 = arith.constant 64 : index
      %get3A_487 = tpu.vector_load %arg7[%get3A_485, %get3A_486] {strides = array<i32>} : memref<256x128xf32, #tpu.memory_space<vmem>>, vector<16xf32>,
      %add3A_488 = arith.constant 4 : i32
      %add3A_489 = arith.addi %add3A_152, %add3A_488 : i32
      %get3A_490 = arith.index_cast %add3A_489 : i32 to index
      %get3A_491 = arith.constant 64 : index
      %get3A_492 = tpu.vector_load %arg7[%get3A_490, %get3A_491] {strides = array<i32>} : memref<256x128xf32, #tpu.memory_space<vmem>>, vector<16xf32>,
      %add3A_493 = arith.constant 5 : i32
      %add3A_494 = arith.addi %add3A_152, %add3A_493 : i32
      %get3A_495 = arith.index_cast %add3A_494 : i32 to index
      %get3A_496 = arith.constant 64 : index
      %get3A_497 = tpu.vector_load %arg7[%get3A_495, %get3A_496] {strides = array<i32>} : memref<256x128xf32, #tpu.memory_space<vmem>>, vector<16xf32>,
      %add3A_498 = arith.constant 6 : i32
      %add3A_499 = arith.addi %add3A_152, %add3A_498 : i32
      %get3A_500 = arith.index_cast %add3A_499 : i32 to index
      %get3A_501 = arith.constant 64 : index
      %get3A_502 = tpu.vector_load %arg7[%get3A_500, %get3A_501] {strides = array<i32>} : memref<256x128xf32, #tpu.memory_space<vmem>>, vector<16xf32>,
      %add3A_503 = arith.constant 7 : i32
      %add3A_504 = arith.addi %add3A_152, %add3A_503 : i32
      %get3A_505 = arith.index_cast %add3A_504 : i32 to index
      %get3A_506 = arith.constant 64 : index
      %get3A_507 = tpu.vector_load %arg7[%get3A_505, %get3A_506] {strides = array<i32>} : memref<256x128xf32, #tpu.memory_space<vmem>>, vector<16xf32>,
      %add3A_508 = arith.addf %get3A_472, %get3A_477 : vector<16xf32>
      %add3A_509 = arith.addf %get3A_482, %get3A_487 : vector<16xf32>
      %add3A_510 = arith.addf %add3A_508, %add3A_509 : vector<16xf32>
      %add3A_511 = arith.addf %get3A_492, %get3A_497 : vector<16xf32>
      %add3A_512 = arith.addf %get3A_502, %get3A_507 : vector<16xf32>
      %add3A_513 = arith.addf %add3A_511, %add3A_512 : vector<16xf32>
      %add3A_514 = arith.addf %add3A_510, %add3A_513 : vector<16xf32>
      %mul3A_515 = arith.mulf %get3A_472, %add3A_514 : vector<16xf32>
      %add3A_516 = arith.addf %add3A_437, %mul3A_515 : vector<16xf32>
      %mul3A_517 = arith.mulf %get3A_472, %get3A_472 : vector<16xf32>
      %add3A_518 = arith.addf %add3A_439, %mul3A_517 : vector<16xf32>
      %mul3A_519 = arith.mulf %get3A_477, %add3A_514 : vector<16xf32>
      %add3A_520 = arith.addf %add3A_441, %mul3A_519 : vector<16xf32>
      %mul3A_521 = arith.mulf %get3A_477, %get3A_477 : vector<16xf32>
      %add3A_522 = arith.addf %add3A_443, %mul3A_521 : vector<16xf32>
      %mul3A_523 = arith.mulf %get3A_482, %add3A_514 : vector<16xf32>
      %add3A_524 = arith.addf %add3A_445, %mul3A_523 : vector<16xf32>
      %mul3A_525 = arith.mulf %get3A_482, %get3A_482 : vector<16xf32>
      %add3A_526 = arith.addf %add3A_447, %mul3A_525 : vector<16xf32>
      %mul3A_527 = arith.mulf %get3A_487, %add3A_514 : vector<16xf32>
      %add3A_528 = arith.addf %add3A_449, %mul3A_527 : vector<16xf32>
      %mul3A_529 = arith.mulf %get3A_487, %get3A_487 : vector<16xf32>
      %add3A_530 = arith.addf %add3A_451, %mul3A_529 : vector<16xf32>
      %mul3A_531 = arith.mulf %get3A_492, %add3A_514 : vector<16xf32>
      %add3A_532 = arith.addf %add3A_453, %mul3A_531 : vector<16xf32>
      %mul3A_533 = arith.mulf %get3A_492, %get3A_492 : vector<16xf32>
      %add3A_534 = arith.addf %add3A_455, %mul3A_533 : vector<16xf32>
      %mul3A_535 = arith.mulf %get3A_497, %add3A_514 : vector<16xf32>
      %add3A_536 = arith.addf %add3A_457, %mul3A_535 : vector<16xf32>
      %mul3A_537 = arith.mulf %get3A_497, %get3A_497 : vector<16xf32>
      %add3A_538 = arith.addf %add3A_459, %mul3A_537 : vector<16xf32>
      %mul3A_539 = arith.mulf %get3A_502, %add3A_514 : vector<16xf32>
      %add3A_540 = arith.addf %add3A_461, %mul3A_539 : vector<16xf32>
      %mul3A_541 = arith.mulf %get3A_502, %get3A_502 : vector<16xf32>
      %add3A_542 = arith.addf %add3A_463, %mul3A_541 : vector<16xf32>
      %mul3A_543 = arith.mulf %get3A_507, %add3A_514 : vector<16xf32>
      %add3A_544 = arith.addf %add3A_465, %mul3A_543 : vector<16xf32>
      %mul3A_545 = arith.mulf %get3A_507, %get3A_507 : vector<16xf32>
      %add3A_546 = arith.addf %add3A_467, %mul3A_545 : vector<16xf32>
      %add3A_547 = arith.constant 0 : i32
      %add3A_548 = arith.addi %add3A_152, %add3A_547 : i32
      %get3A_549 = arith.index_cast %add3A_548 : i32 to index
      %get3A_550 = arith.constant 80 : index
      %get3A_551 = tpu.vector_load %arg7[%get3A_549, %get3A_550] {strides = array<i32>} : memref<256x128xf32, #tpu.memory_space<vmem>>, vector<16xf32>,
      %add3A_552 = arith.constant 1 : i32
      %add3A_553 = arith.addi %add3A_152, %add3A_552 : i32
      %get3A_554 = arith.index_cast %add3A_553 : i32 to index
      %get3A_555 = arith.constant 80 : index
      %get3A_556 = tpu.vector_load %arg7[%get3A_554, %get3A_555] {strides = array<i32>} : memref<256x128xf32, #tpu.memory_space<vmem>>, vector<16xf32>,
      %add3A_557 = arith.constant 2 : i32
      %add3A_558 = arith.addi %add3A_152, %add3A_557 : i32
      %get3A_559 = arith.index_cast %add3A_558 : i32 to index
      %get3A_560 = arith.constant 80 : index
      %get3A_561 = tpu.vector_load %arg7[%get3A_559, %get3A_560] {strides = array<i32>} : memref<256x128xf32, #tpu.memory_space<vmem>>, vector<16xf32>,
      %add3A_562 = arith.constant 3 : i32
      %add3A_563 = arith.addi %add3A_152, %add3A_562 : i32
      %get3A_564 = arith.index_cast %add3A_563 : i32 to index
      %get3A_565 = arith.constant 80 : index
      %get3A_566 = tpu.vector_load %arg7[%get3A_564, %get3A_565] {strides = array<i32>} : memref<256x128xf32, #tpu.memory_space<vmem>>, vector<16xf32>,
      %add3A_567 = arith.constant 4 : i32
      %add3A_568 = arith.addi %add3A_152, %add3A_567 : i32
      %get3A_569 = arith.index_cast %add3A_568 : i32 to index
      %get3A_570 = arith.constant 80 : index
      %get3A_571 = tpu.vector_load %arg7[%get3A_569, %get3A_570] {strides = array<i32>} : memref<256x128xf32, #tpu.memory_space<vmem>>, vector<16xf32>,
      %add3A_572 = arith.constant 5 : i32
      %add3A_573 = arith.addi %add3A_152, %add3A_572 : i32
      %get3A_574 = arith.index_cast %add3A_573 : i32 to index
      %get3A_575 = arith.constant 80 : index
      %get3A_576 = tpu.vector_load %arg7[%get3A_574, %get3A_575] {strides = array<i32>} : memref<256x128xf32, #tpu.memory_space<vmem>>, vector<16xf32>,
      %add3A_577 = arith.constant 6 : i32
      %add3A_578 = arith.addi %add3A_152, %add3A_577 : i32
      %get3A_579 = arith.index_cast %add3A_578 : i32 to index
      %get3A_580 = arith.constant 80 : index
      %get3A_581 = tpu.vector_load %arg7[%get3A_579, %get3A_580] {strides = array<i32>} : memref<256x128xf32, #tpu.memory_space<vmem>>, vector<16xf32>,
      %add3A_582 = arith.constant 7 : i32
      %add3A_583 = arith.addi %add3A_152, %add3A_582 : i32
      %get3A_584 = arith.index_cast %add3A_583 : i32 to index
      %get3A_585 = arith.constant 80 : index
      %get3A_586 = tpu.vector_load %arg7[%get3A_584, %get3A_585] {strides = array<i32>} : memref<256x128xf32, #tpu.memory_space<vmem>>, vector<16xf32>,
      %add3A_587 = arith.addf %get3A_551, %get3A_556 : vector<16xf32>
      %add3A_588 = arith.addf %get3A_561, %get3A_566 : vector<16xf32>
      %add3A_589 = arith.addf %add3A_587, %add3A_588 : vector<16xf32>
      %add3A_590 = arith.addf %get3A_571, %get3A_576 : vector<16xf32>
      %add3A_591 = arith.addf %get3A_581, %get3A_586 : vector<16xf32>
      %add3A_592 = arith.addf %add3A_590, %add3A_591 : vector<16xf32>
      %add3A_593 = arith.addf %add3A_589, %add3A_592 : vector<16xf32>
      %mul3A_594 = arith.mulf %get3A_551, %add3A_593 : vector<16xf32>
      %add3A_595 = arith.addf %add3A_516, %mul3A_594 : vector<16xf32>
      %mul3A_596 = arith.mulf %get3A_551, %get3A_551 : vector<16xf32>
      %add3A_597 = arith.addf %add3A_518, %mul3A_596 : vector<16xf32>
      %mul3A_598 = arith.mulf %get3A_556, %add3A_593 : vector<16xf32>
      %add3A_599 = arith.addf %add3A_520, %mul3A_598 : vector<16xf32>
      %mul3A_600 = arith.mulf %get3A_556, %get3A_556 : vector<16xf32>
      %add3A_601 = arith.addf %add3A_522, %mul3A_600 : vector<16xf32>
      %mul3A_602 = arith.mulf %get3A_561, %add3A_593 : vector<16xf32>
      %add3A_603 = arith.addf %add3A_524, %mul3A_602 : vector<16xf32>
      %mul3A_604 = arith.mulf %get3A_561, %get3A_561 : vector<16xf32>
      %add3A_605 = arith.addf %add3A_526, %mul3A_604 : vector<16xf32>
      %mul3A_606 = arith.mulf %get3A_566, %add3A_593 : vector<16xf32>
      %add3A_607 = arith.addf %add3A_528, %mul3A_606 : vector<16xf32>
      %mul3A_608 = arith.mulf %get3A_566, %get3A_566 : vector<16xf32>
      %add3A_609 = arith.addf %add3A_530, %mul3A_608 : vector<16xf32>
      %mul3A_610 = arith.mulf %get3A_571, %add3A_593 : vector<16xf32>
      %add3A_611 = arith.addf %add3A_532, %mul3A_610 : vector<16xf32>
      %mul3A_612 = arith.mulf %get3A_571, %get3A_571 : vector<16xf32>
      %add3A_613 = arith.addf %add3A_534, %mul3A_612 : vector<16xf32>
      %mul3A_614 = arith.mulf %get3A_576, %add3A_593 : vector<16xf32>
      %add3A_615 = arith.addf %add3A_536, %mul3A_614 : vector<16xf32>
      %mul3A_616 = arith.mulf %get3A_576, %get3A_576 : vector<16xf32>
      %add3A_617 = arith.addf %add3A_538, %mul3A_616 : vector<16xf32>
      %mul3A_618 = arith.mulf %get3A_581, %add3A_593 : vector<16xf32>
      %add3A_619 = arith.addf %add3A_540, %mul3A_618 : vector<16xf32>
      %mul3A_620 = arith.mulf %get3A_581, %get3A_581 : vector<16xf32>
      %add3A_621 = arith.addf %add3A_542, %mul3A_620 : vector<16xf32>
      %mul3A_622 = arith.mulf %get3A_586, %add3A_593 : vector<16xf32>
      %add3A_623 = arith.addf %add3A_544, %mul3A_622 : vector<16xf32>
      %mul3A_624 = arith.mulf %get3A_586, %get3A_586 : vector<16xf32>
      %add3A_625 = arith.addf %add3A_546, %mul3A_624 : vector<16xf32>
      %add3A_626 = arith.constant 0 : i32
      %add3A_627 = arith.addi %add3A_152, %add3A_626 : i32
      %get3A_628 = arith.index_cast %add3A_627 : i32 to index
      %get3A_629 = arith.constant 96 : index
      %get3A_630 = tpu.vector_load %arg7[%get3A_628, %get3A_629] {strides = array<i32>} : memref<256x128xf32, #tpu.memory_space<vmem>>, vector<16xf32>,
      %add3A_631 = arith.constant 1 : i32
      %add3A_632 = arith.addi %add3A_152, %add3A_631 : i32
      %get3A_633 = arith.index_cast %add3A_632 : i32 to index
      %get3A_634 = arith.constant 96 : index
      %get3A_635 = tpu.vector_load %arg7[%get3A_633, %get3A_634] {strides = array<i32>} : memref<256x128xf32, #tpu.memory_space<vmem>>, vector<16xf32>,
      %add3A_636 = arith.constant 2 : i32
      %add3A_637 = arith.addi %add3A_152, %add3A_636 : i32
      %get3A_638 = arith.index_cast %add3A_637 : i32 to index
      %get3A_639 = arith.constant 96 : index
      %get3A_640 = tpu.vector_load %arg7[%get3A_638, %get3A_639] {strides = array<i32>} : memref<256x128xf32, #tpu.memory_space<vmem>>, vector<16xf32>,
      %add3A_641 = arith.constant 3 : i32
      %add3A_642 = arith.addi %add3A_152, %add3A_641 : i32
      %get3A_643 = arith.index_cast %add3A_642 : i32 to index
      %get3A_644 = arith.constant 96 : index
      %get3A_645 = tpu.vector_load %arg7[%get3A_643, %get3A_644] {strides = array<i32>} : memref<256x128xf32, #tpu.memory_space<vmem>>, vector<16xf32>,
      %add3A_646 = arith.constant 4 : i32
      %add3A_647 = arith.addi %add3A_152, %add3A_646 : i32
      %get3A_648 = arith.index_cast %add3A_647 : i32 to index
      %get3A_649 = arith.constant 96 : index
      %get3A_650 = tpu.vector_load %arg7[%get3A_648, %get3A_649] {strides = array<i32>} : memref<256x128xf32, #tpu.memory_space<vmem>>, vector<16xf32>,
      %add3A_651 = arith.constant 5 : i32
      %add3A_652 = arith.addi %add3A_152, %add3A_651 : i32
      %get3A_653 = arith.index_cast %add3A_652 : i32 to index
      %get3A_654 = arith.constant 96 : index
      %get3A_655 = tpu.vector_load %arg7[%get3A_653, %get3A_654] {strides = array<i32>} : memref<256x128xf32, #tpu.memory_space<vmem>>, vector<16xf32>,
      %add3A_656 = arith.constant 6 : i32
      %add3A_657 = arith.addi %add3A_152, %add3A_656 : i32
      %get3A_658 = arith.index_cast %add3A_657 : i32 to index
      %get3A_659 = arith.constant 96 : index
      %get3A_660 = tpu.vector_load %arg7[%get3A_658, %get3A_659] {strides = array<i32>} : memref<256x128xf32, #tpu.memory_space<vmem>>, vector<16xf32>,
      %add3A_661 = arith.constant 7 : i32
      %add3A_662 = arith.addi %add3A_152, %add3A_661 : i32
      %get3A_663 = arith.index_cast %add3A_662 : i32 to index
      %get3A_664 = arith.constant 96 : index
      %get3A_665 = tpu.vector_load %arg7[%get3A_663, %get3A_664] {strides = array<i32>} : memref<256x128xf32, #tpu.memory_space<vmem>>, vector<16xf32>,
      %add3A_666 = arith.addf %get3A_630, %get3A_635 : vector<16xf32>
      %add3A_667 = arith.addf %get3A_640, %get3A_645 : vector<16xf32>
      %add3A_668 = arith.addf %add3A_666, %add3A_667 : vector<16xf32>
      %add3A_669 = arith.addf %get3A_650, %get3A_655 : vector<16xf32>
      %add3A_670 = arith.addf %get3A_660, %get3A_665 : vector<16xf32>
      %add3A_671 = arith.addf %add3A_669, %add3A_670 : vector<16xf32>
      %add3A_672 = arith.addf %add3A_668, %add3A_671 : vector<16xf32>
      %mul3A_673 = arith.mulf %get3A_630, %add3A_672 : vector<16xf32>
      %add3A_674 = arith.addf %add3A_595, %mul3A_673 : vector<16xf32>
      %mul3A_675 = arith.mulf %get3A_630, %get3A_630 : vector<16xf32>
      %add3A_676 = arith.addf %add3A_597, %mul3A_675 : vector<16xf32>
      %mul3A_677 = arith.mulf %get3A_635, %add3A_672 : vector<16xf32>
      %add3A_678 = arith.addf %add3A_599, %mul3A_677 : vector<16xf32>
      %mul3A_679 = arith.mulf %get3A_635, %get3A_635 : vector<16xf32>
      %add3A_680 = arith.addf %add3A_601, %mul3A_679 : vector<16xf32>
      %mul3A_681 = arith.mulf %get3A_640, %add3A_672 : vector<16xf32>
      %add3A_682 = arith.addf %add3A_603, %mul3A_681 : vector<16xf32>
      %mul3A_683 = arith.mulf %get3A_640, %get3A_640 : vector<16xf32>
      %add3A_684 = arith.addf %add3A_605, %mul3A_683 : vector<16xf32>
      %mul3A_685 = arith.mulf %get3A_645, %add3A_672 : vector<16xf32>
      %add3A_686 = arith.addf %add3A_607, %mul3A_685 : vector<16xf32>
      %mul3A_687 = arith.mulf %get3A_645, %get3A_645 : vector<16xf32>
      %add3A_688 = arith.addf %add3A_609, %mul3A_687 : vector<16xf32>
      %mul3A_689 = arith.mulf %get3A_650, %add3A_672 : vector<16xf32>
      %add3A_690 = arith.addf %add3A_611, %mul3A_689 : vector<16xf32>
      %mul3A_691 = arith.mulf %get3A_650, %get3A_650 : vector<16xf32>
      %add3A_692 = arith.addf %add3A_613, %mul3A_691 : vector<16xf32>
      %mul3A_693 = arith.mulf %get3A_655, %add3A_672 : vector<16xf32>
      %add3A_694 = arith.addf %add3A_615, %mul3A_693 : vector<16xf32>
      %mul3A_695 = arith.mulf %get3A_655, %get3A_655 : vector<16xf32>
      %add3A_696 = arith.addf %add3A_617, %mul3A_695 : vector<16xf32>
      %mul3A_697 = arith.mulf %get3A_660, %add3A_672 : vector<16xf32>
      %add3A_698 = arith.addf %add3A_619, %mul3A_697 : vector<16xf32>
      %mul3A_699 = arith.mulf %get3A_660, %get3A_660 : vector<16xf32>
      %add3A_700 = arith.addf %add3A_621, %mul3A_699 : vector<16xf32>
      %mul3A_701 = arith.mulf %get3A_665, %add3A_672 : vector<16xf32>
      %add3A_702 = arith.addf %add3A_623, %mul3A_701 : vector<16xf32>
      %mul3A_703 = arith.mulf %get3A_665, %get3A_665 : vector<16xf32>
      %add3A_704 = arith.addf %add3A_625, %mul3A_703 : vector<16xf32>
      %add3A_705 = arith.constant 0 : i32
      %add3A_706 = arith.addi %add3A_152, %add3A_705 : i32
      %get3A_707 = arith.index_cast %add3A_706 : i32 to index
      %get3A_708 = arith.constant 112 : index
      %get3A_709 = tpu.vector_load %arg7[%get3A_707, %get3A_708] {strides = array<i32>} : memref<256x128xf32, #tpu.memory_space<vmem>>, vector<16xf32>,
      %add3A_710 = arith.constant 1 : i32
      %add3A_711 = arith.addi %add3A_152, %add3A_710 : i32
      %get3A_712 = arith.index_cast %add3A_711 : i32 to index
      %get3A_713 = arith.constant 112 : index
      %get3A_714 = tpu.vector_load %arg7[%get3A_712, %get3A_713] {strides = array<i32>} : memref<256x128xf32, #tpu.memory_space<vmem>>, vector<16xf32>,
      %add3A_715 = arith.constant 2 : i32
      %add3A_716 = arith.addi %add3A_152, %add3A_715 : i32
      %get3A_717 = arith.index_cast %add3A_716 : i32 to index
      %get3A_718 = arith.constant 112 : index
      %get3A_719 = tpu.vector_load %arg7[%get3A_717, %get3A_718] {strides = array<i32>} : memref<256x128xf32, #tpu.memory_space<vmem>>, vector<16xf32>,
      %add3A_720 = arith.constant 3 : i32
      %add3A_721 = arith.addi %add3A_152, %add3A_720 : i32
      %get3A_722 = arith.index_cast %add3A_721 : i32 to index
      %get3A_723 = arith.constant 112 : index
      %get3A_724 = tpu.vector_load %arg7[%get3A_722, %get3A_723] {strides = array<i32>} : memref<256x128xf32, #tpu.memory_space<vmem>>, vector<16xf32>,
      %add3A_725 = arith.constant 4 : i32
      %add3A_726 = arith.addi %add3A_152, %add3A_725 : i32
      %get3A_727 = arith.index_cast %add3A_726 : i32 to index
      %get3A_728 = arith.constant 112 : index
      %get3A_729 = tpu.vector_load %arg7[%get3A_727, %get3A_728] {strides = array<i32>} : memref<256x128xf32, #tpu.memory_space<vmem>>, vector<16xf32>,
      %add3A_730 = arith.constant 5 : i32
      %add3A_731 = arith.addi %add3A_152, %add3A_730 : i32
      %get3A_732 = arith.index_cast %add3A_731 : i32 to index
      %get3A_733 = arith.constant 112 : index
      %get3A_734 = tpu.vector_load %arg7[%get3A_732, %get3A_733] {strides = array<i32>} : memref<256x128xf32, #tpu.memory_space<vmem>>, vector<16xf32>,
      %add3A_735 = arith.constant 6 : i32
      %add3A_736 = arith.addi %add3A_152, %add3A_735 : i32
      %get3A_737 = arith.index_cast %add3A_736 : i32 to index
      %get3A_738 = arith.constant 112 : index
      %get3A_739 = tpu.vector_load %arg7[%get3A_737, %get3A_738] {strides = array<i32>} : memref<256x128xf32, #tpu.memory_space<vmem>>, vector<16xf32>,
      %add3A_740 = arith.constant 7 : i32
      %add3A_741 = arith.addi %add3A_152, %add3A_740 : i32
      %get3A_742 = arith.index_cast %add3A_741 : i32 to index
      %get3A_743 = arith.constant 112 : index
      %get3A_744 = tpu.vector_load %arg7[%get3A_742, %get3A_743] {strides = array<i32>} : memref<256x128xf32, #tpu.memory_space<vmem>>, vector<16xf32>,
      %add3A_745 = arith.addf %get3A_709, %get3A_714 : vector<16xf32>
      %add3A_746 = arith.addf %get3A_719, %get3A_724 : vector<16xf32>
      %add3A_747 = arith.addf %add3A_745, %add3A_746 : vector<16xf32>
      %add3A_748 = arith.addf %get3A_729, %get3A_734 : vector<16xf32>
      %add3A_749 = arith.addf %get3A_739, %get3A_744 : vector<16xf32>
      %add3A_750 = arith.addf %add3A_748, %add3A_749 : vector<16xf32>
      %add3A_751 = arith.addf %add3A_747, %add3A_750 : vector<16xf32>
      %mul3A_752 = arith.mulf %get3A_709, %add3A_751 : vector<16xf32>
      %add3A_753 = arith.addf %add3A_674, %mul3A_752 : vector<16xf32>
      %mul3A_754 = arith.mulf %get3A_709, %get3A_709 : vector<16xf32>
      %add3A_755 = arith.addf %add3A_676, %mul3A_754 : vector<16xf32>
      %mul3A_756 = arith.mulf %get3A_714, %add3A_751 : vector<16xf32>
      %add3A_757 = arith.addf %add3A_678, %mul3A_756 : vector<16xf32>
      %mul3A_758 = arith.mulf %get3A_714, %get3A_714 : vector<16xf32>
      %add3A_759 = arith.addf %add3A_680, %mul3A_758 : vector<16xf32>
      %mul3A_760 = arith.mulf %get3A_719, %add3A_751 : vector<16xf32>
      %add3A_761 = arith.addf %add3A_682, %mul3A_760 : vector<16xf32>
      %mul3A_762 = arith.mulf %get3A_719, %get3A_719 : vector<16xf32>
      %add3A_763 = arith.addf %add3A_684, %mul3A_762 : vector<16xf32>
      %mul3A_764 = arith.mulf %get3A_724, %add3A_751 : vector<16xf32>
      %add3A_765 = arith.addf %add3A_686, %mul3A_764 : vector<16xf32>
      %mul3A_766 = arith.mulf %get3A_724, %get3A_724 : vector<16xf32>
      %add3A_767 = arith.addf %add3A_688, %mul3A_766 : vector<16xf32>
      %mul3A_768 = arith.mulf %get3A_729, %add3A_751 : vector<16xf32>
      %add3A_769 = arith.addf %add3A_690, %mul3A_768 : vector<16xf32>
      %mul3A_770 = arith.mulf %get3A_729, %get3A_729 : vector<16xf32>
      %add3A_771 = arith.addf %add3A_692, %mul3A_770 : vector<16xf32>
      %mul3A_772 = arith.mulf %get3A_734, %add3A_751 : vector<16xf32>
      %add3A_773 = arith.addf %add3A_694, %mul3A_772 : vector<16xf32>
      %mul3A_774 = arith.mulf %get3A_734, %get3A_734 : vector<16xf32>
      %add3A_775 = arith.addf %add3A_696, %mul3A_774 : vector<16xf32>
      %mul3A_776 = arith.mulf %get3A_739, %add3A_751 : vector<16xf32>
      %add3A_777 = arith.addf %add3A_698, %mul3A_776 : vector<16xf32>
      %mul3A_778 = arith.mulf %get3A_739, %get3A_739 : vector<16xf32>
      %add3A_779 = arith.addf %add3A_700, %mul3A_778 : vector<16xf32>
      %mul3A_780 = arith.mulf %get3A_744, %add3A_751 : vector<16xf32>
      %add3A_781 = arith.addf %add3A_702, %mul3A_780 : vector<16xf32>
      %mul3A_782 = arith.mulf %get3A_744, %get3A_744 : vector<16xf32>
      %add3A_783 = arith.addf %add3A_704, %mul3A_782 : vector<16xf32>
      %swap3A_784 = arith.constant 0 : index
      %swap3A_785 = tpu.vector_load %arg8[%swap3A_784] {strides = array<i32>} : memref<544xf32, #tpu.memory_space<vmem>>, vector<16xf32>,
      tpu.vector_store %arg8[%swap3A_784], %add3A_753 {strides = array<i32>} : memref<544xf32, #tpu.memory_space<vmem>>, vector<16xf32>,
      %swap3A_786 = arith.constant 272 : index
      %swap3A_787 = tpu.vector_load %arg8[%swap3A_786] {strides = array<i32>} : memref<544xf32, #tpu.memory_space<vmem>>, vector<16xf32>,
      tpu.vector_store %arg8[%swap3A_786], %add3A_755 {strides = array<i32>} : memref<544xf32, #tpu.memory_space<vmem>>, vector<16xf32>,
      %swap3A_788 = arith.constant 17 : index
      %swap3A_789 = tpu.vector_load %arg8[%swap3A_788] {strides = array<i32>} : memref<544xf32, #tpu.memory_space<vmem>>, vector<16xf32>,
      tpu.vector_store %arg8[%swap3A_788], %add3A_757 {strides = array<i32>} : memref<544xf32, #tpu.memory_space<vmem>>, vector<16xf32>,
      %swap3A_790 = arith.constant 289 : index
      %swap3A_791 = tpu.vector_load %arg8[%swap3A_790] {strides = array<i32>} : memref<544xf32, #tpu.memory_space<vmem>>, vector<16xf32>,
      tpu.vector_store %arg8[%swap3A_790], %add3A_759 {strides = array<i32>} : memref<544xf32, #tpu.memory_space<vmem>>, vector<16xf32>,
      %swap3A_792 = arith.constant 34 : index
      %swap3A_793 = tpu.vector_load %arg8[%swap3A_792] {strides = array<i32>} : memref<544xf32, #tpu.memory_space<vmem>>, vector<16xf32>,
      tpu.vector_store %arg8[%swap3A_792], %add3A_761 {strides = array<i32>} : memref<544xf32, #tpu.memory_space<vmem>>, vector<16xf32>,
      %swap3A_794 = arith.constant 306 : index
      %swap3A_795 = tpu.vector_load %arg8[%swap3A_794] {strides = array<i32>} : memref<544xf32, #tpu.memory_space<vmem>>, vector<16xf32>,
      tpu.vector_store %arg8[%swap3A_794], %add3A_763 {strides = array<i32>} : memref<544xf32, #tpu.memory_space<vmem>>, vector<16xf32>,
      %swap3A_796 = arith.constant 51 : index
      %swap3A_797 = tpu.vector_load %arg8[%swap3A_796] {strides = array<i32>} : memref<544xf32, #tpu.memory_space<vmem>>, vector<16xf32>,
      tpu.vector_store %arg8[%swap3A_796], %add3A_765 {strides = array<i32>} : memref<544xf32, #tpu.memory_space<vmem>>, vector<16xf32>,
      %swap3A_798 = arith.constant 323 : index
      %swap3A_799 = tpu.vector_load %arg8[%swap3A_798] {strides = array<i32>} : memref<544xf32, #tpu.memory_space<vmem>>, vector<16xf32>,
      tpu.vector_store %arg8[%swap3A_798], %add3A_767 {strides = array<i32>} : memref<544xf32, #tpu.memory_space<vmem>>, vector<16xf32>,
      %swap3A_800 = arith.constant 68 : index
      %swap3A_801 = tpu.vector_load %arg8[%swap3A_800] {strides = array<i32>} : memref<544xf32, #tpu.memory_space<vmem>>, vector<16xf32>,
      tpu.vector_store %arg8[%swap3A_800], %add3A_769 {strides = array<i32>} : memref<544xf32, #tpu.memory_space<vmem>>, vector<16xf32>,
      %swap3A_802 = arith.constant 340 : index
      %swap3A_803 = tpu.vector_load %arg8[%swap3A_802] {strides = array<i32>} : memref<544xf32, #tpu.memory_space<vmem>>, vector<16xf32>,
      tpu.vector_store %arg8[%swap3A_802], %add3A_771 {strides = array<i32>} : memref<544xf32, #tpu.memory_space<vmem>>, vector<16xf32>,
      %swap3A_804 = arith.constant 85 : index
      %swap3A_805 = tpu.vector_load %arg8[%swap3A_804] {strides = array<i32>} : memref<544xf32, #tpu.memory_space<vmem>>, vector<16xf32>,
      tpu.vector_store %arg8[%swap3A_804], %add3A_773 {strides = array<i32>} : memref<544xf32, #tpu.memory_space<vmem>>, vector<16xf32>,
      %swap3A_806 = arith.constant 357 : index
      %swap3A_807 = tpu.vector_load %arg8[%swap3A_806] {strides = array<i32>} : memref<544xf32, #tpu.memory_space<vmem>>, vector<16xf32>,
      tpu.vector_store %arg8[%swap3A_806], %add3A_775 {strides = array<i32>} : memref<544xf32, #tpu.memory_space<vmem>>, vector<16xf32>,
      %swap3A_808 = arith.constant 102 : index
      %swap3A_809 = tpu.vector_load %arg8[%swap3A_808] {strides = array<i32>} : memref<544xf32, #tpu.memory_space<vmem>>, vector<16xf32>,
      tpu.vector_store %arg8[%swap3A_808], %add3A_777 {strides = array<i32>} : memref<544xf32, #tpu.memory_space<vmem>>, vector<16xf32>,
      %swap3A_810 = arith.constant 374 : index
      %swap3A_811 = tpu.vector_load %arg8[%swap3A_810] {strides = array<i32>} : memref<544xf32, #tpu.memory_space<vmem>>, vector<16xf32>,
      tpu.vector_store %arg8[%swap3A_810], %add3A_779 {strides = array<i32>} : memref<544xf32, #tpu.memory_space<vmem>>, vector<16xf32>,
      %swap3A_812 = arith.constant 119 : index
      %swap3A_813 = tpu.vector_load %arg8[%swap3A_812] {strides = array<i32>} : memref<544xf32, #tpu.memory_space<vmem>>, vector<16xf32>,
      tpu.vector_store %arg8[%swap3A_812], %add3A_781 {strides = array<i32>} : memref<544xf32, #tpu.memory_space<vmem>>, vector<16xf32>,
      %swap3A_814 = arith.constant 391 : index
      %swap3A_815 = tpu.vector_load %arg8[%swap3A_814] {strides = array<i32>} : memref<544xf32, #tpu.memory_space<vmem>>, vector<16xf32>,
      tpu.vector_store %arg8[%swap3A_814], %add3A_783 {strides = array<i32>} : memref<544xf32, #tpu.memory_space<vmem>>, vector<16xf32>,
      %mul3A_816 = arith.constant 16 : i32
      %mul3A_817 = arith.muli %scan3A_147, %mul3A_816 : i32
      %add3A_818 = arith.constant 8 : i32
      %add3A_819 = arith.addi %mul3A_817, %add3A_818 : i32
      %add3A_820 = arith.constant 0 : i32
      %add3A_821 = arith.addi %add3A_819, %add3A_820 : i32
      %get3A_822 = arith.index_cast %add3A_821 : i32 to index
      %get3A_823 = arith.constant 0 : index
      %get3A_824 = tpu.vector_load %arg7[%get3A_822, %get3A_823] {strides = array<i32>} : memref<256x128xf32, #tpu.memory_space<vmem>>, vector<16xf32>,
      %add3A_825 = arith.constant 1 : i32
      %add3A_826 = arith.addi %add3A_819, %add3A_825 : i32
      %get3A_827 = arith.index_cast %add3A_826 : i32 to index
      %get3A_828 = arith.constant 0 : index
      %get3A_829 = tpu.vector_load %arg7[%get3A_827, %get3A_828] {strides = array<i32>} : memref<256x128xf32, #tpu.memory_space<vmem>>, vector<16xf32>,
      %add3A_830 = arith.constant 2 : i32
      %add3A_831 = arith.addi %add3A_819, %add3A_830 : i32
      %get3A_832 = arith.index_cast %add3A_831 : i32 to index
      %get3A_833 = arith.constant 0 : index
      %get3A_834 = tpu.vector_load %arg7[%get3A_832, %get3A_833] {strides = array<i32>} : memref<256x128xf32, #tpu.memory_space<vmem>>, vector<16xf32>,
      %add3A_835 = arith.constant 3 : i32
      %add3A_836 = arith.addi %add3A_819, %add3A_835 : i32
      %get3A_837 = arith.index_cast %add3A_836 : i32 to index
      %get3A_838 = arith.constant 0 : index
      %get3A_839 = tpu.vector_load %arg7[%get3A_837, %get3A_838] {strides = array<i32>} : memref<256x128xf32, #tpu.memory_space<vmem>>, vector<16xf32>,
      %add3A_840 = arith.constant 4 : i32
      %add3A_841 = arith.addi %add3A_819, %add3A_840 : i32
      %get3A_842 = arith.index_cast %add3A_841 : i32 to index
      %get3A_843 = arith.constant 0 : index
      %get3A_844 = tpu.vector_load %arg7[%get3A_842, %get3A_843] {strides = array<i32>} : memref<256x128xf32, #tpu.memory_space<vmem>>, vector<16xf32>,
      %add3A_845 = arith.constant 5 : i32
      %add3A_846 = arith.addi %add3A_819, %add3A_845 : i32
      %get3A_847 = arith.index_cast %add3A_846 : i32 to index
      %get3A_848 = arith.constant 0 : index
      %get3A_849 = tpu.vector_load %arg7[%get3A_847, %get3A_848] {strides = array<i32>} : memref<256x128xf32, #tpu.memory_space<vmem>>, vector<16xf32>,
      %add3A_850 = arith.constant 6 : i32
      %add3A_851 = arith.addi %add3A_819, %add3A_850 : i32
      %get3A_852 = arith.index_cast %add3A_851 : i32 to index
      %get3A_853 = arith.constant 0 : index
      %get3A_854 = tpu.vector_load %arg7[%get3A_852, %get3A_853] {strides = array<i32>} : memref<256x128xf32, #tpu.memory_space<vmem>>, vector<16xf32>,
      %add3A_855 = arith.constant 7 : i32
      %add3A_856 = arith.addi %add3A_819, %add3A_855 : i32
      %get3A_857 = arith.index_cast %add3A_856 : i32 to index
      %get3A_858 = arith.constant 0 : index
      %get3A_859 = tpu.vector_load %arg7[%get3A_857, %get3A_858] {strides = array<i32>} : memref<256x128xf32, #tpu.memory_space<vmem>>, vector<16xf32>,
      %add3A_860 = arith.addf %get3A_824, %get3A_829 : vector<16xf32>
      %add3A_861 = arith.addf %get3A_834, %get3A_839 : vector<16xf32>
      %add3A_862 = arith.addf %add3A_860, %add3A_861 : vector<16xf32>
      %add3A_863 = arith.addf %get3A_844, %get3A_849 : vector<16xf32>
      %add3A_864 = arith.addf %get3A_854, %get3A_859 : vector<16xf32>
      %add3A_865 = arith.addf %add3A_863, %add3A_864 : vector<16xf32>
      %add3A_866 = arith.addf %add3A_862, %add3A_865 : vector<16xf32>
      %mul3A_867 = arith.mulf %get3A_824, %add3A_866 : vector<16xf32>
      %add3A_868 = arith.addf %broadcast_in_dim3A_5, %mul3A_867 : vector<16xf32>
      %mul3A_869 = arith.mulf %get3A_824, %get3A_824 : vector<16xf32>
      %add3A_870 = arith.addf %broadcast_in_dim3A_5, %mul3A_869 : vector<16xf32>
      %mul3A_871 = arith.mulf %get3A_829, %add3A_866 : vector<16xf32>
      %add3A_872 = arith.addf %broadcast_in_dim3A_5, %mul3A_871 : vector<16xf32>
      %mul3A_873 = arith.mulf %get3A_829, %get3A_829 : vector<16xf32>
      %add3A_874 = arith.addf %broadcast_in_dim3A_5, %mul3A_873 : vector<16xf32>
      %mul3A_875 = arith.mulf %get3A_834, %add3A_866 : vector<16xf32>
      %add3A_876 = arith.addf %broadcast_in_dim3A_5, %mul3A_875 : vector<16xf32>
      %mul3A_877 = arith.mulf %get3A_834, %get3A_834 : vector<16xf32>
      %add3A_878 = arith.addf %broadcast_in_dim3A_5, %mul3A_877 : vector<16xf32>
      %mul3A_879 = arith.mulf %get3A_839, %add3A_866 : vector<16xf32>
      %add3A_880 = arith.addf %broadcast_in_dim3A_5, %mul3A_879 : vector<16xf32>
      %mul3A_881 = arith.mulf %get3A_839, %get3A_839 : vector<16xf32>
      %add3A_882 = arith.addf %broadcast_in_dim3A_5, %mul3A_881 : vector<16xf32>
      %mul3A_883 = arith.mulf %get3A_844, %add3A_866 : vector<16xf32>
      %add3A_884 = arith.addf %broadcast_in_dim3A_5, %mul3A_883 : vector<16xf32>
      %mul3A_885 = arith.mulf %get3A_844, %get3A_844 : vector<16xf32>
      %add3A_886 = arith.addf %broadcast_in_dim3A_5, %mul3A_885 : vector<16xf32>
      %mul3A_887 = arith.mulf %get3A_849, %add3A_866 : vector<16xf32>
      %add3A_888 = arith.addf %broadcast_in_dim3A_5, %mul3A_887 : vector<16xf32>
      %mul3A_889 = arith.mulf %get3A_849, %get3A_849 : vector<16xf32>
      %add3A_890 = arith.addf %broadcast_in_dim3A_5, %mul3A_889 : vector<16xf32>
      %mul3A_891 = arith.mulf %get3A_854, %add3A_866 : vector<16xf32>
      %add3A_892 = arith.addf %broadcast_in_dim3A_5, %mul3A_891 : vector<16xf32>
      %mul3A_893 = arith.mulf %get3A_854, %get3A_854 : vector<16xf32>
      %add3A_894 = arith.addf %broadcast_in_dim3A_5, %mul3A_893 : vector<16xf32>
      %mul3A_895 = arith.mulf %get3A_859, %add3A_866 : vector<16xf32>
      %add3A_896 = arith.addf %broadcast_in_dim3A_5, %mul3A_895 : vector<16xf32>
      %mul3A_897 = arith.mulf %get3A_859, %get3A_859 : vector<16xf32>
      %add3A_898 = arith.addf %broadcast_in_dim3A_5, %mul3A_897 : vector<16xf32>
      %add3A_899 = arith.constant 0 : i32
      %add3A_900 = arith.addi %add3A_819, %add3A_899 : i32
      %get3A_901 = arith.index_cast %add3A_900 : i32 to index
      %get3A_902 = arith.constant 16 : index
      %get3A_903 = tpu.vector_load %arg7[%get3A_901, %get3A_902] {strides = array<i32>} : memref<256x128xf32, #tpu.memory_space<vmem>>, vector<16xf32>,
      %add3A_904 = arith.constant 1 : i32
      %add3A_905 = arith.addi %add3A_819, %add3A_904 : i32
      %get3A_906 = arith.index_cast %add3A_905 : i32 to index
      %get3A_907 = arith.constant 16 : index
      %get3A_908 = tpu.vector_load %arg7[%get3A_906, %get3A_907] {strides = array<i32>} : memref<256x128xf32, #tpu.memory_space<vmem>>, vector<16xf32>,
      %add3A_909 = arith.constant 2 : i32
      %add3A_910 = arith.addi %add3A_819, %add3A_909 : i32
      %get3A_911 = arith.index_cast %add3A_910 : i32 to index
      %get3A_912 = arith.constant 16 : index
      %get3A_913 = tpu.vector_load %arg7[%get3A_911, %get3A_912] {strides = array<i32>} : memref<256x128xf32, #tpu.memory_space<vmem>>, vector<16xf32>,
      %add3A_914 = arith.constant 3 : i32
      %add3A_915 = arith.addi %add3A_819, %add3A_914 : i32
      %get3A_916 = arith.index_cast %add3A_915 : i32 to index
      %get3A_917 = arith.constant 16 : index
      %get3A_918 = tpu.vector_load %arg7[%get3A_916, %get3A_917] {strides = array<i32>} : memref<256x128xf32, #tpu.memory_space<vmem>>, vector<16xf32>,
      %add3A_919 = arith.constant 4 : i32
      %add3A_920 = arith.addi %add3A_819, %add3A_919 : i32
      %get3A_921 = arith.index_cast %add3A_920 : i32 to index
      %get3A_922 = arith.constant 16 : index
      %get3A_923 = tpu.vector_load %arg7[%get3A_921, %get3A_922] {strides = array<i32>} : memref<256x128xf32, #tpu.memory_space<vmem>>, vector<16xf32>,
      %add3A_924 = arith.constant 5 : i32
      %add3A_925 = arith.addi %add3A_819, %add3A_924 : i32
      %get3A_926 = arith.index_cast %add3A_925 : i32 to index
      %get3A_927 = arith.constant 16 : index
      %get3A_928 = tpu.vector_load %arg7[%get3A_926, %get3A_927] {strides = array<i32>} : memref<256x128xf32, #tpu.memory_space<vmem>>, vector<16xf32>,
      %add3A_929 = arith.constant 6 : i32
      %add3A_930 = arith.addi %add3A_819, %add3A_929 : i32
      %get3A_931 = arith.index_cast %add3A_930 : i32 to index
      %get3A_932 = arith.constant 16 : index
      %get3A_933 = tpu.vector_load %arg7[%get3A_931, %get3A_932] {strides = array<i32>} : memref<256x128xf32, #tpu.memory_space<vmem>>, vector<16xf32>,
      %add3A_934 = arith.constant 7 : i32
      %add3A_935 = arith.addi %add3A_819, %add3A_934 : i32
      %get3A_936 = arith.index_cast %add3A_935 : i32 to index
      %get3A_937 = arith.constant 16 : index
      %get3A_938 = tpu.vector_load %arg7[%get3A_936, %get3A_937] {strides = array<i32>} : memref<256x128xf32, #tpu.memory_space<vmem>>, vector<16xf32>,
      %add3A_939 = arith.addf %get3A_903, %get3A_908 : vector<16xf32>
      %add3A_940 = arith.addf %get3A_913, %get3A_918 : vector<16xf32>
      %add3A_941 = arith.addf %add3A_939, %add3A_940 : vector<16xf32>
      %add3A_942 = arith.addf %get3A_923, %get3A_928 : vector<16xf32>
      %add3A_943 = arith.addf %get3A_933, %get3A_938 : vector<16xf32>
      %add3A_944 = arith.addf %add3A_942, %add3A_943 : vector<16xf32>
      %add3A_945 = arith.addf %add3A_941, %add3A_944 : vector<16xf32>
      %mul3A_946 = arith.mulf %get3A_903, %add3A_945 : vector<16xf32>
      %add3A_947 = arith.addf %add3A_868, %mul3A_946 : vector<16xf32>
      %mul3A_948 = arith.mulf %get3A_903, %get3A_903 : vector<16xf32>
      %add3A_949 = arith.addf %add3A_870, %mul3A_948 : vector<16xf32>
      %mul3A_950 = arith.mulf %get3A_908, %add3A_945 : vector<16xf32>
      %add3A_951 = arith.addf %add3A_872, %mul3A_950 : vector<16xf32>
      %mul3A_952 = arith.mulf %get3A_908, %get3A_908 : vector<16xf32>
      %add3A_953 = arith.addf %add3A_874, %mul3A_952 : vector<16xf32>
      %mul3A_954 = arith.mulf %get3A_913, %add3A_945 : vector<16xf32>
      %add3A_955 = arith.addf %add3A_876, %mul3A_954 : vector<16xf32>
      %mul3A_956 = arith.mulf %get3A_913, %get3A_913 : vector<16xf32>
      %add3A_957 = arith.addf %add3A_878, %mul3A_956 : vector<16xf32>
      %mul3A_958 = arith.mulf %get3A_918, %add3A_945 : vector<16xf32>
      %add3A_959 = arith.addf %add3A_880, %mul3A_958 : vector<16xf32>
      %mul3A_960 = arith.mulf %get3A_918, %get3A_918 : vector<16xf32>
      %add3A_961 = arith.addf %add3A_882, %mul3A_960 : vector<16xf32>
      %mul3A_962 = arith.mulf %get3A_923, %add3A_945 : vector<16xf32>
      %add3A_963 = arith.addf %add3A_884, %mul3A_962 : vector<16xf32>
      %mul3A_964 = arith.mulf %get3A_923, %get3A_923 : vector<16xf32>
      %add3A_965 = arith.addf %add3A_886, %mul3A_964 : vector<16xf32>
      %mul3A_966 = arith.mulf %get3A_928, %add3A_945 : vector<16xf32>
      %add3A_967 = arith.addf %add3A_888, %mul3A_966 : vector<16xf32>
      %mul3A_968 = arith.mulf %get3A_928, %get3A_928 : vector<16xf32>
      %add3A_969 = arith.addf %add3A_890, %mul3A_968 : vector<16xf32>
      %mul3A_970 = arith.mulf %get3A_933, %add3A_945 : vector<16xf32>
      %add3A_971 = arith.addf %add3A_892, %mul3A_970 : vector<16xf32>
      %mul3A_972 = arith.mulf %get3A_933, %get3A_933 : vector<16xf32>
      %add3A_973 = arith.addf %add3A_894, %mul3A_972 : vector<16xf32>
      %mul3A_974 = arith.mulf %get3A_938, %add3A_945 : vector<16xf32>
      %add3A_975 = arith.addf %add3A_896, %mul3A_974 : vector<16xf32>
      %mul3A_976 = arith.mulf %get3A_938, %get3A_938 : vector<16xf32>
      %add3A_977 = arith.addf %add3A_898, %mul3A_976 : vector<16xf32>
      %add3A_978 = arith.constant 0 : i32
      %add3A_979 = arith.addi %add3A_819, %add3A_978 : i32
      %get3A_980 = arith.index_cast %add3A_979 : i32 to index
      %get3A_981 = arith.constant 32 : index
      %get3A_982 = tpu.vector_load %arg7[%get3A_980, %get3A_981] {strides = array<i32>} : memref<256x128xf32, #tpu.memory_space<vmem>>, vector<16xf32>,
      %add3A_983 = arith.constant 1 : i32
      %add3A_984 = arith.addi %add3A_819, %add3A_983 : i32
      %get3A_985 = arith.index_cast %add3A_984 : i32 to index
      %get3A_986 = arith.constant 32 : index
      %get3A_987 = tpu.vector_load %arg7[%get3A_985, %get3A_986] {strides = array<i32>} : memref<256x128xf32, #tpu.memory_space<vmem>>, vector<16xf32>,
      %add3A_988 = arith.constant 2 : i32
      %add3A_989 = arith.addi %add3A_819, %add3A_988 : i32
      %get3A_990 = arith.index_cast %add3A_989 : i32 to index
      %get3A_991 = arith.constant 32 : index
      %get3A_992 = tpu.vector_load %arg7[%get3A_990, %get3A_991] {strides = array<i32>} : memref<256x128xf32, #tpu.memory_space<vmem>>, vector<16xf32>,
      %add3A_993 = arith.constant 3 : i32
      %add3A_994 = arith.addi %add3A_819, %add3A_993 : i32
      %get3A_995 = arith.index_cast %add3A_994 : i32 to index
      %get3A_996 = arith.constant 32 : index
      %get3A_997 = tpu.vector_load %arg7[%get3A_995, %get3A_996] {strides = array<i32>} : memref<256x128xf32, #tpu.memory_space<vmem>>, vector<16xf32>,
      %add3A_998 = arith.constant 4 : i32
      %add3A_999 = arith.addi %add3A_819, %add3A_998 : i32
      %get3A_1000 = arith.index_cast %add3A_999 : i32 to index
      %get3A_1001 = arith.constant 32 : index
      %get3A_1002 = tpu.vector_load %arg7[%get3A_1000, %get3A_1001] {strides = array<i32>} : memref<256x128xf32, #tpu.memory_space<vmem>>, vector<16xf32>,
      %add3A_1003 = arith.constant 5 : i32
      %add3A_1004 = arith.addi %add3A_819, %add3A_1003 : i32
      %get3A_1005 = arith.index_cast %add3A_1004 : i32 to index
      %get3A_1006 = arith.constant 32 : index
      %get3A_1007 = tpu.vector_load %arg7[%get3A_1005, %get3A_1006] {strides = array<i32>} : memref<256x128xf32, #tpu.memory_space<vmem>>, vector<16xf32>,
      %add3A_1008 = arith.constant 6 : i32
      %add3A_1009 = arith.addi %add3A_819, %add3A_1008 : i32
      %get3A_1010 = arith.index_cast %add3A_1009 : i32 to index
      %get3A_1011 = arith.constant 32 : index
      %get3A_1012 = tpu.vector_load %arg7[%get3A_1010, %get3A_1011] {strides = array<i32>} : memref<256x128xf32, #tpu.memory_space<vmem>>, vector<16xf32>,
      %add3A_1013 = arith.constant 7 : i32
      %add3A_1014 = arith.addi %add3A_819, %add3A_1013 : i32
      %get3A_1015 = arith.index_cast %add3A_1014 : i32 to index
      %get3A_1016 = arith.constant 32 : index
      %get3A_1017 = tpu.vector_load %arg7[%get3A_1015, %get3A_1016] {strides = array<i32>} : memref<256x128xf32, #tpu.memory_space<vmem>>, vector<16xf32>,
      %add3A_1018 = arith.addf %get3A_982, %get3A_987 : vector<16xf32>
      %add3A_1019 = arith.addf %get3A_992, %get3A_997 : vector<16xf32>
      %add3A_1020 = arith.addf %add3A_1018, %add3A_1019 : vector<16xf32>
      %add3A_1021 = arith.addf %get3A_1002, %get3A_1007 : vector<16xf32>
      %add3A_1022 = arith.addf %get3A_1012, %get3A_1017 : vector<16xf32>
      %add3A_1023 = arith.addf %add3A_1021, %add3A_1022 : vector<16xf32>
      %add3A_1024 = arith.addf %add3A_1020, %add3A_1023 : vector<16xf32>
      %mul3A_1025 = arith.mulf %get3A_982, %add3A_1024 : vector<16xf32>
      %add3A_1026 = arith.addf %add3A_947, %mul3A_1025 : vector<16xf32>
      %mul3A_1027 = arith.mulf %get3A_982, %get3A_982 : vector<16xf32>
      %add3A_1028 = arith.addf %add3A_949, %mul3A_1027 : vector<16xf32>
      %mul3A_1029 = arith.mulf %get3A_987, %add3A_1024 : vector<16xf32>
      %add3A_1030 = arith.addf %add3A_951, %mul3A_1029 : vector<16xf32>
      %mul3A_1031 = arith.mulf %get3A_987, %get3A_987 : vector<16xf32>
      %add3A_1032 = arith.addf %add3A_953, %mul3A_1031 : vector<16xf32>
      %mul3A_1033 = arith.mulf %get3A_992, %add3A_1024 : vector<16xf32>
      %add3A_1034 = arith.addf %add3A_955, %mul3A_1033 : vector<16xf32>
      %mul3A_1035 = arith.mulf %get3A_992, %get3A_992 : vector<16xf32>
      %add3A_1036 = arith.addf %add3A_957, %mul3A_1035 : vector<16xf32>
      %mul3A_1037 = arith.mulf %get3A_997, %add3A_1024 : vector<16xf32>
      %add3A_1038 = arith.addf %add3A_959, %mul3A_1037 : vector<16xf32>
      %mul3A_1039 = arith.mulf %get3A_997, %get3A_997 : vector<16xf32>
      %add3A_1040 = arith.addf %add3A_961, %mul3A_1039 : vector<16xf32>
      %mul3A_1041 = arith.mulf %get3A_1002, %add3A_1024 : vector<16xf32>
      %add3A_1042 = arith.addf %add3A_963, %mul3A_1041 : vector<16xf32>
      %mul3A_1043 = arith.mulf %get3A_1002, %get3A_1002 : vector<16xf32>
      %add3A_1044 = arith.addf %add3A_965, %mul3A_1043 : vector<16xf32>
      %mul3A_1045 = arith.mulf %get3A_1007, %add3A_1024 : vector<16xf32>
      %add3A_1046 = arith.addf %add3A_967, %mul3A_1045 : vector<16xf32>
      %mul3A_1047 = arith.mulf %get3A_1007, %get3A_1007 : vector<16xf32>
      %add3A_1048 = arith.addf %add3A_969, %mul3A_1047 : vector<16xf32>
      %mul3A_1049 = arith.mulf %get3A_1012, %add3A_1024 : vector<16xf32>
      %add3A_1050 = arith.addf %add3A_971, %mul3A_1049 : vector<16xf32>
      %mul3A_1051 = arith.mulf %get3A_1012, %get3A_1012 : vector<16xf32>
      %add3A_1052 = arith.addf %add3A_973, %mul3A_1051 : vector<16xf32>
      %mul3A_1053 = arith.mulf %get3A_1017, %add3A_1024 : vector<16xf32>
      %add3A_1054 = arith.addf %add3A_975, %mul3A_1053 : vector<16xf32>
      %mul3A_1055 = arith.mulf %get3A_1017, %get3A_1017 : vector<16xf32>
      %add3A_1056 = arith.addf %add3A_977, %mul3A_1055 : vector<16xf32>
      %add3A_1057 = arith.constant 0 : i32
      %add3A_1058 = arith.addi %add3A_819, %add3A_1057 : i32
      %get3A_1059 = arith.index_cast %add3A_1058 : i32 to index
      %get3A_1060 = arith.constant 48 : index
      %get3A_1061 = tpu.vector_load %arg7[%get3A_1059, %get3A_1060] {strides = array<i32>} : memref<256x128xf32, #tpu.memory_space<vmem>>, vector<16xf32>,
      %add3A_1062 = arith.constant 1 : i32
      %add3A_1063 = arith.addi %add3A_819, %add3A_1062 : i32
      %get3A_1064 = arith.index_cast %add3A_1063 : i32 to index
      %get3A_1065 = arith.constant 48 : index
      %get3A_1066 = tpu.vector_load %arg7[%get3A_1064, %get3A_1065] {strides = array<i32>} : memref<256x128xf32, #tpu.memory_space<vmem>>, vector<16xf32>,
      %add3A_1067 = arith.constant 2 : i32
      %add3A_1068 = arith.addi %add3A_819, %add3A_1067 : i32
      %get3A_1069 = arith.index_cast %add3A_1068 : i32 to index
      %get3A_1070 = arith.constant 48 : index
      %get3A_1071 = tpu.vector_load %arg7[%get3A_1069, %get3A_1070] {strides = array<i32>} : memref<256x128xf32, #tpu.memory_space<vmem>>, vector<16xf32>,
      %add3A_1072 = arith.constant 3 : i32
      %add3A_1073 = arith.addi %add3A_819, %add3A_1072 : i32
      %get3A_1074 = arith.index_cast %add3A_1073 : i32 to index
      %get3A_1075 = arith.constant 48 : index
      %get3A_1076 = tpu.vector_load %arg7[%get3A_1074, %get3A_1075] {strides = array<i32>} : memref<256x128xf32, #tpu.memory_space<vmem>>, vector<16xf32>,
      %add3A_1077 = arith.constant 4 : i32
      %add3A_1078 = arith.addi %add3A_819, %add3A_1077 : i32
      %get3A_1079 = arith.index_cast %add3A_1078 : i32 to index
      %get3A_1080 = arith.constant 48 : index
      %get3A_1081 = tpu.vector_load %arg7[%get3A_1079, %get3A_1080] {strides = array<i32>} : memref<256x128xf32, #tpu.memory_space<vmem>>, vector<16xf32>,
      %add3A_1082 = arith.constant 5 : i32
      %add3A_1083 = arith.addi %add3A_819, %add3A_1082 : i32
      %get3A_1084 = arith.index_cast %add3A_1083 : i32 to index
      %get3A_1085 = arith.constant 48 : index
      %get3A_1086 = tpu.vector_load %arg7[%get3A_1084, %get3A_1085] {strides = array<i32>} : memref<256x128xf32, #tpu.memory_space<vmem>>, vector<16xf32>,
      %add3A_1087 = arith.constant 6 : i32
      %add3A_1088 = arith.addi %add3A_819, %add3A_1087 : i32
      %get3A_1089 = arith.index_cast %add3A_1088 : i32 to index
      %get3A_1090 = arith.constant 48 : index
      %get3A_1091 = tpu.vector_load %arg7[%get3A_1089, %get3A_1090] {strides = array<i32>} : memref<256x128xf32, #tpu.memory_space<vmem>>, vector<16xf32>,
      %add3A_1092 = arith.constant 7 : i32
      %add3A_1093 = arith.addi %add3A_819, %add3A_1092 : i32
      %get3A_1094 = arith.index_cast %add3A_1093 : i32 to index
      %get3A_1095 = arith.constant 48 : index
      %get3A_1096 = tpu.vector_load %arg7[%get3A_1094, %get3A_1095] {strides = array<i32>} : memref<256x128xf32, #tpu.memory_space<vmem>>, vector<16xf32>,
      %add3A_1097 = arith.addf %get3A_1061, %get3A_1066 : vector<16xf32>
      %add3A_1098 = arith.addf %get3A_1071, %get3A_1076 : vector<16xf32>
      %add3A_1099 = arith.addf %add3A_1097, %add3A_1098 : vector<16xf32>
      %add3A_1100 = arith.addf %get3A_1081, %get3A_1086 : vector<16xf32>
      %add3A_1101 = arith.addf %get3A_1091, %get3A_1096 : vector<16xf32>
      %add3A_1102 = arith.addf %add3A_1100, %add3A_1101 : vector<16xf32>
      %add3A_1103 = arith.addf %add3A_1099, %add3A_1102 : vector<16xf32>
      %mul3A_1104 = arith.mulf %get3A_1061, %add3A_1103 : vector<16xf32>
      %add3A_1105 = arith.addf %add3A_1026, %mul3A_1104 : vector<16xf32>
      %mul3A_1106 = arith.mulf %get3A_1061, %get3A_1061 : vector<16xf32>
      %add3A_1107 = arith.addf %add3A_1028, %mul3A_1106 : vector<16xf32>
      %mul3A_1108 = arith.mulf %get3A_1066, %add3A_1103 : vector<16xf32>
      %add3A_1109 = arith.addf %add3A_1030, %mul3A_1108 : vector<16xf32>
      %mul3A_1110 = arith.mulf %get3A_1066, %get3A_1066 : vector<16xf32>
      %add3A_1111 = arith.addf %add3A_1032, %mul3A_1110 : vector<16xf32>
      %mul3A_1112 = arith.mulf %get3A_1071, %add3A_1103 : vector<16xf32>
      %add3A_1113 = arith.addf %add3A_1034, %mul3A_1112 : vector<16xf32>
      %mul3A_1114 = arith.mulf %get3A_1071, %get3A_1071 : vector<16xf32>
      %add3A_1115 = arith.addf %add3A_1036, %mul3A_1114 : vector<16xf32>
      %mul3A_1116 = arith.mulf %get3A_1076, %add3A_1103 : vector<16xf32>
      %add3A_1117 = arith.addf %add3A_1038, %mul3A_1116 : vector<16xf32>
      %mul3A_1118 = arith.mulf %get3A_1076, %get3A_1076 : vector<16xf32>
      %add3A_1119 = arith.addf %add3A_1040, %mul3A_1118 : vector<16xf32>
      %mul3A_1120 = arith.mulf %get3A_1081, %add3A_1103 : vector<16xf32>
      %add3A_1121 = arith.addf %add3A_1042, %mul3A_1120 : vector<16xf32>
      %mul3A_1122 = arith.mulf %get3A_1081, %get3A_1081 : vector<16xf32>
      %add3A_1123 = arith.addf %add3A_1044, %mul3A_1122 : vector<16xf32>
      %mul3A_1124 = arith.mulf %get3A_1086, %add3A_1103 : vector<16xf32>
      %add3A_1125 = arith.addf %add3A_1046, %mul3A_1124 : vector<16xf32>
      %mul3A_1126 = arith.mulf %get3A_1086, %get3A_1086 : vector<16xf32>
      %add3A_1127 = arith.addf %add3A_1048, %mul3A_1126 : vector<16xf32>
      %mul3A_1128 = arith.mulf %get3A_1091, %add3A_1103 : vector<16xf32>
      %add3A_1129 = arith.addf %add3A_1050, %mul3A_1128 : vector<16xf32>
      %mul3A_1130 = arith.mulf %get3A_1091, %get3A_1091 : vector<16xf32>
      %add3A_1131 = arith.addf %add3A_1052, %mul3A_1130 : vector<16xf32>
      %mul3A_1132 = arith.mulf %get3A_1096, %add3A_1103 : vector<16xf32>
      %add3A_1133 = arith.addf %add3A_1054, %mul3A_1132 : vector<16xf32>
      %mul3A_1134 = arith.mulf %get3A_1096, %get3A_1096 : vector<16xf32>
      %add3A_1135 = arith.addf %add3A_1056, %mul3A_1134 : vector<16xf32>
      %add3A_1136 = arith.constant 0 : i32
      %add3A_1137 = arith.addi %add3A_819, %add3A_1136 : i32
      %get3A_1138 = arith.index_cast %add3A_1137 : i32 to index
      %get3A_1139 = arith.constant 64 : index
      %get3A_1140 = tpu.vector_load %arg7[%get3A_1138, %get3A_1139] {strides = array<i32>} : memref<256x128xf32, #tpu.memory_space<vmem>>, vector<16xf32>,
      %add3A_1141 = arith.constant 1 : i32
      %add3A_1142 = arith.addi %add3A_819, %add3A_1141 : i32
      %get3A_1143 = arith.index_cast %add3A_1142 : i32 to index
      %get3A_1144 = arith.constant 64 : index
      %get3A_1145 = tpu.vector_load %arg7[%get3A_1143, %get3A_1144] {strides = array<i32>} : memref<256x128xf32, #tpu.memory_space<vmem>>, vector<16xf32>,
      %add3A_1146 = arith.constant 2 : i32
      %add3A_1147 = arith.addi %add3A_819, %add3A_1146 : i32
      %get3A_1148 = arith.index_cast %add3A_1147 : i32 to index
      %get3A_1149 = arith.constant 64 : index
      %get3A_1150 = tpu.vector_load %arg7[%get3A_1148, %get3A_1149] {strides = array<i32>} : memref<256x128xf32, #tpu.memory_space<vmem>>, vector<16xf32>,
      %add3A_1151 = arith.constant 3 : i32
      %add3A_1152 = arith.addi %add3A_819, %add3A_1151 : i32
      %get3A_1153 = arith.index_cast %add3A_1152 : i32 to index
      %get3A_1154 = arith.constant 64 : index
      %get3A_1155 = tpu.vector_load %arg7[%get3A_1153, %get3A_1154] {strides = array<i32>} : memref<256x128xf32, #tpu.memory_space<vmem>>, vector<16xf32>,
      %add3A_1156 = arith.constant 4 : i32
      %add3A_1157 = arith.addi %add3A_819, %add3A_1156 : i32
      %get3A_1158 = arith.index_cast %add3A_1157 : i32 to index
      %get3A_1159 = arith.constant 64 : index
      %get3A_1160 = tpu.vector_load %arg7[%get3A_1158, %get3A_1159] {strides = array<i32>} : memref<256x128xf32, #tpu.memory_space<vmem>>, vector<16xf32>,
      %add3A_1161 = arith.constant 5 : i32
      %add3A_1162 = arith.addi %add3A_819, %add3A_1161 : i32
      %get3A_1163 = arith.index_cast %add3A_1162 : i32 to index
      %get3A_1164 = arith.constant 64 : index
      %get3A_1165 = tpu.vector_load %arg7[%get3A_1163, %get3A_1164] {strides = array<i32>} : memref<256x128xf32, #tpu.memory_space<vmem>>, vector<16xf32>,
      %add3A_1166 = arith.constant 6 : i32
      %add3A_1167 = arith.addi %add3A_819, %add3A_1166 : i32
      %get3A_1168 = arith.index_cast %add3A_1167 : i32 to index
      %get3A_1169 = arith.constant 64 : index
      %get3A_1170 = tpu.vector_load %arg7[%get3A_1168, %get3A_1169] {strides = array<i32>} : memref<256x128xf32, #tpu.memory_space<vmem>>, vector<16xf32>,
      %add3A_1171 = arith.constant 7 : i32
      %add3A_1172 = arith.addi %add3A_819, %add3A_1171 : i32
      %get3A_1173 = arith.index_cast %add3A_1172 : i32 to index
      %get3A_1174 = arith.constant 64 : index
      %get3A_1175 = tpu.vector_load %arg7[%get3A_1173, %get3A_1174] {strides = array<i32>} : memref<256x128xf32, #tpu.memory_space<vmem>>, vector<16xf32>,
      %add3A_1176 = arith.addf %get3A_1140, %get3A_1145 : vector<16xf32>
      %add3A_1177 = arith.addf %get3A_1150, %get3A_1155 : vector<16xf32>
      %add3A_1178 = arith.addf %add3A_1176, %add3A_1177 : vector<16xf32>
      %add3A_1179 = arith.addf %get3A_1160, %get3A_1165 : vector<16xf32>
      %add3A_1180 = arith.addf %get3A_1170, %get3A_1175 : vector<16xf32>
      %add3A_1181 = arith.addf %add3A_1179, %add3A_1180 : vector<16xf32>
      %add3A_1182 = arith.addf %add3A_1178, %add3A_1181 : vector<16xf32>
      %mul3A_1183 = arith.mulf %get3A_1140, %add3A_1182 : vector<16xf32>
      %add3A_1184 = arith.addf %add3A_1105, %mul3A_1183 : vector<16xf32>
      %mul3A_1185 = arith.mulf %get3A_1140, %get3A_1140 : vector<16xf32>
      %add3A_1186 = arith.addf %add3A_1107, %mul3A_1185 : vector<16xf32>
      %mul3A_1187 = arith.mulf %get3A_1145, %add3A_1182 : vector<16xf32>
      %add3A_1188 = arith.addf %add3A_1109, %mul3A_1187 : vector<16xf32>
      %mul3A_1189 = arith.mulf %get3A_1145, %get3A_1145 : vector<16xf32>
      %add3A_1190 = arith.addf %add3A_1111, %mul3A_1189 : vector<16xf32>
      %mul3A_1191 = arith.mulf %get3A_1150, %add3A_1182 : vector<16xf32>
      %add3A_1192 = arith.addf %add3A_1113, %mul3A_1191 : vector<16xf32>
      %mul3A_1193 = arith.mulf %get3A_1150, %get3A_1150 : vector<16xf32>
      %add3A_1194 = arith.addf %add3A_1115, %mul3A_1193 : vector<16xf32>
      %mul3A_1195 = arith.mulf %get3A_1155, %add3A_1182 : vector<16xf32>
      %add3A_1196 = arith.addf %add3A_1117, %mul3A_1195 : vector<16xf32>
      %mul3A_1197 = arith.mulf %get3A_1155, %get3A_1155 : vector<16xf32>
      %add3A_1198 = arith.addf %add3A_1119, %mul3A_1197 : vector<16xf32>
      %mul3A_1199 = arith.mulf %get3A_1160, %add3A_1182 : vector<16xf32>
      %add3A_1200 = arith.addf %add3A_1121, %mul3A_1199 : vector<16xf32>
      %mul3A_1201 = arith.mulf %get3A_1160, %get3A_1160 : vector<16xf32>
      %add3A_1202 = arith.addf %add3A_1123, %mul3A_1201 : vector<16xf32>
      %mul3A_1203 = arith.mulf %get3A_1165, %add3A_1182 : vector<16xf32>
      %add3A_1204 = arith.addf %add3A_1125, %mul3A_1203 : vector<16xf32>
      %mul3A_1205 = arith.mulf %get3A_1165, %get3A_1165 : vector<16xf32>
      %add3A_1206 = arith.addf %add3A_1127, %mul3A_1205 : vector<16xf32>
      %mul3A_1207 = arith.mulf %get3A_1170, %add3A_1182 : vector<16xf32>
      %add3A_1208 = arith.addf %add3A_1129, %mul3A_1207 : vector<16xf32>
      %mul3A_1209 = arith.mulf %get3A_1170, %get3A_1170 : vector<16xf32>
      %add3A_1210 = arith.addf %add3A_1131, %mul3A_1209 : vector<16xf32>
      %mul3A_1211 = arith.mulf %get3A_1175, %add3A_1182 : vector<16xf32>
      %add3A_1212 = arith.addf %add3A_1133, %mul3A_1211 : vector<16xf32>
      %mul3A_1213 = arith.mulf %get3A_1175, %get3A_1175 : vector<16xf32>
      %add3A_1214 = arith.addf %add3A_1135, %mul3A_1213 : vector<16xf32>
      %add3A_1215 = arith.constant 0 : i32
      %add3A_1216 = arith.addi %add3A_819, %add3A_1215 : i32
      %get3A_1217 = arith.index_cast %add3A_1216 : i32 to index
      %get3A_1218 = arith.constant 80 : index
      %get3A_1219 = tpu.vector_load %arg7[%get3A_1217, %get3A_1218] {strides = array<i32>} : memref<256x128xf32, #tpu.memory_space<vmem>>, vector<16xf32>,
      %add3A_1220 = arith.constant 1 : i32
      %add3A_1221 = arith.addi %add3A_819, %add3A_1220 : i32
      %get3A_1222 = arith.index_cast %add3A_1221 : i32 to index
      %get3A_1223 = arith.constant 80 : index
      %get3A_1224 = tpu.vector_load %arg7[%get3A_1222, %get3A_1223] {strides = array<i32>} : memref<256x128xf32, #tpu.memory_space<vmem>>, vector<16xf32>,
      %add3A_1225 = arith.constant 2 : i32
      %add3A_1226 = arith.addi %add3A_819, %add3A_1225 : i32
      %get3A_1227 = arith.index_cast %add3A_1226 : i32 to index
      %get3A_1228 = arith.constant 80 : index
      %get3A_1229 = tpu.vector_load %arg7[%get3A_1227, %get3A_1228] {strides = array<i32>} : memref<256x128xf32, #tpu.memory_space<vmem>>, vector<16xf32>,
      %add3A_1230 = arith.constant 3 : i32
      %add3A_1231 = arith.addi %add3A_819, %add3A_1230 : i32
      %get3A_1232 = arith.index_cast %add3A_1231 : i32 to index
      %get3A_1233 = arith.constant 80 : index
      %get3A_1234 = tpu.vector_load %arg7[%get3A_1232, %get3A_1233] {strides = array<i32>} : memref<256x128xf32, #tpu.memory_space<vmem>>, vector<16xf32>,
      %add3A_1235 = arith.constant 4 : i32
      %add3A_1236 = arith.addi %add3A_819, %add3A_1235 : i32
      %get3A_1237 = arith.index_cast %add3A_1236 : i32 to index
      %get3A_1238 = arith.constant 80 : index
      %get3A_1239 = tpu.vector_load %arg7[%get3A_1237, %get3A_1238] {strides = array<i32>} : memref<256x128xf32, #tpu.memory_space<vmem>>, vector<16xf32>,
      %add3A_1240 = arith.constant 5 : i32
      %add3A_1241 = arith.addi %add3A_819, %add3A_1240 : i32
      %get3A_1242 = arith.index_cast %add3A_1241 : i32 to index
      %get3A_1243 = arith.constant 80 : index
      %get3A_1244 = tpu.vector_load %arg7[%get3A_1242, %get3A_1243] {strides = array<i32>} : memref<256x128xf32, #tpu.memory_space<vmem>>, vector<16xf32>,
      %add3A_1245 = arith.constant 6 : i32
      %add3A_1246 = arith.addi %add3A_819, %add3A_1245 : i32
      %get3A_1247 = arith.index_cast %add3A_1246 : i32 to index
      %get3A_1248 = arith.constant 80 : index
      %get3A_1249 = tpu.vector_load %arg7[%get3A_1247, %get3A_1248] {strides = array<i32>} : memref<256x128xf32, #tpu.memory_space<vmem>>, vector<16xf32>,
      %add3A_1250 = arith.constant 7 : i32
      %add3A_1251 = arith.addi %add3A_819, %add3A_1250 : i32
      %get3A_1252 = arith.index_cast %add3A_1251 : i32 to index
      %get3A_1253 = arith.constant 80 : index
      %get3A_1254 = tpu.vector_load %arg7[%get3A_1252, %get3A_1253] {strides = array<i32>} : memref<256x128xf32, #tpu.memory_space<vmem>>, vector<16xf32>,
      %add3A_1255 = arith.addf %get3A_1219, %get3A_1224 : vector<16xf32>
      %add3A_1256 = arith.addf %get3A_1229, %get3A_1234 : vector<16xf32>
      %add3A_1257 = arith.addf %add3A_1255, %add3A_1256 : vector<16xf32>
      %add3A_1258 = arith.addf %get3A_1239, %get3A_1244 : vector<16xf32>
      %add3A_1259 = arith.addf %get3A_1249, %get3A_1254 : vector<16xf32>
      %add3A_1260 = arith.addf %add3A_1258, %add3A_1259 : vector<16xf32>
      %add3A_1261 = arith.addf %add3A_1257, %add3A_1260 : vector<16xf32>
      %mul3A_1262 = arith.mulf %get3A_1219, %add3A_1261 : vector<16xf32>
      %add3A_1263 = arith.addf %add3A_1184, %mul3A_1262 : vector<16xf32>
      %mul3A_1264 = arith.mulf %get3A_1219, %get3A_1219 : vector<16xf32>
      %add3A_1265 = arith.addf %add3A_1186, %mul3A_1264 : vector<16xf32>
      %mul3A_1266 = arith.mulf %get3A_1224, %add3A_1261 : vector<16xf32>
      %add3A_1267 = arith.addf %add3A_1188, %mul3A_1266 : vector<16xf32>
      %mul3A_1268 = arith.mulf %get3A_1224, %get3A_1224 : vector<16xf32>
      %add3A_1269 = arith.addf %add3A_1190, %mul3A_1268 : vector<16xf32>
      %mul3A_1270 = arith.mulf %get3A_1229, %add3A_1261 : vector<16xf32>
      %add3A_1271 = arith.addf %add3A_1192, %mul3A_1270 : vector<16xf32>
      %mul3A_1272 = arith.mulf %get3A_1229, %get3A_1229 : vector<16xf32>
      %add3A_1273 = arith.addf %add3A_1194, %mul3A_1272 : vector<16xf32>
      %mul3A_1274 = arith.mulf %get3A_1234, %add3A_1261 : vector<16xf32>
      %add3A_1275 = arith.addf %add3A_1196, %mul3A_1274 : vector<16xf32>
      %mul3A_1276 = arith.mulf %get3A_1234, %get3A_1234 : vector<16xf32>
      %add3A_1277 = arith.addf %add3A_1198, %mul3A_1276 : vector<16xf32>
      %mul3A_1278 = arith.mulf %get3A_1239, %add3A_1261 : vector<16xf32>
      %add3A_1279 = arith.addf %add3A_1200, %mul3A_1278 : vector<16xf32>
      %mul3A_1280 = arith.mulf %get3A_1239, %get3A_1239 : vector<16xf32>
      %add3A_1281 = arith.addf %add3A_1202, %mul3A_1280 : vector<16xf32>
      %mul3A_1282 = arith.mulf %get3A_1244, %add3A_1261 : vector<16xf32>
      %add3A_1283 = arith.addf %add3A_1204, %mul3A_1282 : vector<16xf32>
      %mul3A_1284 = arith.mulf %get3A_1244, %get3A_1244 : vector<16xf32>
      %add3A_1285 = arith.addf %add3A_1206, %mul3A_1284 : vector<16xf32>
      %mul3A_1286 = arith.mulf %get3A_1249, %add3A_1261 : vector<16xf32>
      %add3A_1287 = arith.addf %add3A_1208, %mul3A_1286 : vector<16xf32>
      %mul3A_1288 = arith.mulf %get3A_1249, %get3A_1249 : vector<16xf32>
      %add3A_1289 = arith.addf %add3A_1210, %mul3A_1288 : vector<16xf32>
      %mul3A_1290 = arith.mulf %get3A_1254, %add3A_1261 : vector<16xf32>
      %add3A_1291 = arith.addf %add3A_1212, %mul3A_1290 : vector<16xf32>
      %mul3A_1292 = arith.mulf %get3A_1254, %get3A_1254 : vector<16xf32>
      %add3A_1293 = arith.addf %add3A_1214, %mul3A_1292 : vector<16xf32>
      %add3A_1294 = arith.constant 0 : i32
      %add3A_1295 = arith.addi %add3A_819, %add3A_1294 : i32
      %get3A_1296 = arith.index_cast %add3A_1295 : i32 to index
      %get3A_1297 = arith.constant 96 : index
      %get3A_1298 = tpu.vector_load %arg7[%get3A_1296, %get3A_1297] {strides = array<i32>} : memref<256x128xf32, #tpu.memory_space<vmem>>, vector<16xf32>,
      %add3A_1299 = arith.constant 1 : i32
      %add3A_1300 = arith.addi %add3A_819, %add3A_1299 : i32
      %get3A_1301 = arith.index_cast %add3A_1300 : i32 to index
      %get3A_1302 = arith.constant 96 : index
      %get3A_1303 = tpu.vector_load %arg7[%get3A_1301, %get3A_1302] {strides = array<i32>} : memref<256x128xf32, #tpu.memory_space<vmem>>, vector<16xf32>,
      %add3A_1304 = arith.constant 2 : i32
      %add3A_1305 = arith.addi %add3A_819, %add3A_1304 : i32
      %get3A_1306 = arith.index_cast %add3A_1305 : i32 to index
      %get3A_1307 = arith.constant 96 : index
      %get3A_1308 = tpu.vector_load %arg7[%get3A_1306, %get3A_1307] {strides = array<i32>} : memref<256x128xf32, #tpu.memory_space<vmem>>, vector<16xf32>,
      %add3A_1309 = arith.constant 3 : i32
      %add3A_1310 = arith.addi %add3A_819, %add3A_1309 : i32
      %get3A_1311 = arith.index_cast %add3A_1310 : i32 to index
      %get3A_1312 = arith.constant 96 : index
      %get3A_1313 = tpu.vector_load %arg7[%get3A_1311, %get3A_1312] {strides = array<i32>} : memref<256x128xf32, #tpu.memory_space<vmem>>, vector<16xf32>,
      %add3A_1314 = arith.constant 4 : i32
      %add3A_1315 = arith.addi %add3A_819, %add3A_1314 : i32
      %get3A_1316 = arith.index_cast %add3A_1315 : i32 to index
      %get3A_1317 = arith.constant 96 : index
      %get3A_1318 = tpu.vector_load %arg7[%get3A_1316, %get3A_1317] {strides = array<i32>} : memref<256x128xf32, #tpu.memory_space<vmem>>, vector<16xf32>,
      %add3A_1319 = arith.constant 5 : i32
      %add3A_1320 = arith.addi %add3A_819, %add3A_1319 : i32
      %get3A_1321 = arith.index_cast %add3A_1320 : i32 to index
      %get3A_1322 = arith.constant 96 : index
      %get3A_1323 = tpu.vector_load %arg7[%get3A_1321, %get3A_1322] {strides = array<i32>} : memref<256x128xf32, #tpu.memory_space<vmem>>, vector<16xf32>,
      %add3A_1324 = arith.constant 6 : i32
      %add3A_1325 = arith.addi %add3A_819, %add3A_1324 : i32
      %get3A_1326 = arith.index_cast %add3A_1325 : i32 to index
      %get3A_1327 = arith.constant 96 : index
      %get3A_1328 = tpu.vector_load %arg7[%get3A_1326, %get3A_1327] {strides = array<i32>} : memref<256x128xf32, #tpu.memory_space<vmem>>, vector<16xf32>,
      %add3A_1329 = arith.constant 7 : i32
      %add3A_1330 = arith.addi %add3A_819, %add3A_1329 : i32
      %get3A_1331 = arith.index_cast %add3A_1330 : i32 to index
      %get3A_1332 = arith.constant 96 : index
      %get3A_1333 = tpu.vector_load %arg7[%get3A_1331, %get3A_1332] {strides = array<i32>} : memref<256x128xf32, #tpu.memory_space<vmem>>, vector<16xf32>,
      %add3A_1334 = arith.addf %get3A_1298, %get3A_1303 : vector<16xf32>
      %add3A_1335 = arith.addf %get3A_1308, %get3A_1313 : vector<16xf32>
      %add3A_1336 = arith.addf %add3A_1334, %add3A_1335 : vector<16xf32>
      %add3A_1337 = arith.addf %get3A_1318, %get3A_1323 : vector<16xf32>
      %add3A_1338 = arith.addf %get3A_1328, %get3A_1333 : vector<16xf32>
      %add3A_1339 = arith.addf %add3A_1337, %add3A_1338 : vector<16xf32>
      %add3A_1340 = arith.addf %add3A_1336, %add3A_1339 : vector<16xf32>
      %mul3A_1341 = arith.mulf %get3A_1298, %add3A_1340 : vector<16xf32>
      %add3A_1342 = arith.addf %add3A_1263, %mul3A_1341 : vector<16xf32>
      %mul3A_1343 = arith.mulf %get3A_1298, %get3A_1298 : vector<16xf32>
      %add3A_1344 = arith.addf %add3A_1265, %mul3A_1343 : vector<16xf32>
      %mul3A_1345 = arith.mulf %get3A_1303, %add3A_1340 : vector<16xf32>
      %add3A_1346 = arith.addf %add3A_1267, %mul3A_1345 : vector<16xf32>
      %mul3A_1347 = arith.mulf %get3A_1303, %get3A_1303 : vector<16xf32>
      %add3A_1348 = arith.addf %add3A_1269, %mul3A_1347 : vector<16xf32>
      %mul3A_1349 = arith.mulf %get3A_1308, %add3A_1340 : vector<16xf32>
      %add3A_1350 = arith.addf %add3A_1271, %mul3A_1349 : vector<16xf32>
      %mul3A_1351 = arith.mulf %get3A_1308, %get3A_1308 : vector<16xf32>
      %add3A_1352 = arith.addf %add3A_1273, %mul3A_1351 : vector<16xf32>
      %mul3A_1353 = arith.mulf %get3A_1313, %add3A_1340 : vector<16xf32>
      %add3A_1354 = arith.addf %add3A_1275, %mul3A_1353 : vector<16xf32>
      %mul3A_1355 = arith.mulf %get3A_1313, %get3A_1313 : vector<16xf32>
      %add3A_1356 = arith.addf %add3A_1277, %mul3A_1355 : vector<16xf32>
      %mul3A_1357 = arith.mulf %get3A_1318, %add3A_1340 : vector<16xf32>
      %add3A_1358 = arith.addf %add3A_1279, %mul3A_1357 : vector<16xf32>
      %mul3A_1359 = arith.mulf %get3A_1318, %get3A_1318 : vector<16xf32>
      %add3A_1360 = arith.addf %add3A_1281, %mul3A_1359 : vector<16xf32>
      %mul3A_1361 = arith.mulf %get3A_1323, %add3A_1340 : vector<16xf32>
      %add3A_1362 = arith.addf %add3A_1283, %mul3A_1361 : vector<16xf32>
      %mul3A_1363 = arith.mulf %get3A_1323, %get3A_1323 : vector<16xf32>
      %add3A_1364 = arith.addf %add3A_1285, %mul3A_1363 : vector<16xf32>
      %mul3A_1365 = arith.mulf %get3A_1328, %add3A_1340 : vector<16xf32>
      %add3A_1366 = arith.addf %add3A_1287, %mul3A_1365 : vector<16xf32>
      %mul3A_1367 = arith.mulf %get3A_1328, %get3A_1328 : vector<16xf32>
      %add3A_1368 = arith.addf %add3A_1289, %mul3A_1367 : vector<16xf32>
      %mul3A_1369 = arith.mulf %get3A_1333, %add3A_1340 : vector<16xf32>
      %add3A_1370 = arith.addf %add3A_1291, %mul3A_1369 : vector<16xf32>
      %mul3A_1371 = arith.mulf %get3A_1333, %get3A_1333 : vector<16xf32>
      %add3A_1372 = arith.addf %add3A_1293, %mul3A_1371 : vector<16xf32>
      %add3A_1373 = arith.constant 0 : i32
      %add3A_1374 = arith.addi %add3A_819, %add3A_1373 : i32
      %get3A_1375 = arith.index_cast %add3A_1374 : i32 to index
      %get3A_1376 = arith.constant 112 : index
      %get3A_1377 = tpu.vector_load %arg7[%get3A_1375, %get3A_1376] {strides = array<i32>} : memref<256x128xf32, #tpu.memory_space<vmem>>, vector<16xf32>,
      %add3A_1378 = arith.constant 1 : i32
      %add3A_1379 = arith.addi %add3A_819, %add3A_1378 : i32
      %get3A_1380 = arith.index_cast %add3A_1379 : i32 to index
      %get3A_1381 = arith.constant 112 : index
      %get3A_1382 = tpu.vector_load %arg7[%get3A_1380, %get3A_1381] {strides = array<i32>} : memref<256x128xf32, #tpu.memory_space<vmem>>, vector<16xf32>,
      %add3A_1383 = arith.constant 2 : i32
      %add3A_1384 = arith.addi %add3A_819, %add3A_1383 : i32
      %get3A_1385 = arith.index_cast %add3A_1384 : i32 to index
      %get3A_1386 = arith.constant 112 : index
      %get3A_1387 = tpu.vector_load %arg7[%get3A_1385, %get3A_1386] {strides = array<i32>} : memref<256x128xf32, #tpu.memory_space<vmem>>, vector<16xf32>,
      %add3A_1388 = arith.constant 3 : i32
      %add3A_1389 = arith.addi %add3A_819, %add3A_1388 : i32
      %get3A_1390 = arith.index_cast %add3A_1389 : i32 to index
      %get3A_1391 = arith.constant 112 : index
      %get3A_1392 = tpu.vector_load %arg7[%get3A_1390, %get3A_1391] {strides = array<i32>} : memref<256x128xf32, #tpu.memory_space<vmem>>, vector<16xf32>,
      %add3A_1393 = arith.constant 4 : i32
      %add3A_1394 = arith.addi %add3A_819, %add3A_1393 : i32
      %get3A_1395 = arith.index_cast %add3A_1394 : i32 to index
      %get3A_1396 = arith.constant 112 : index
      %get3A_1397 = tpu.vector_load %arg7[%get3A_1395, %get3A_1396] {strides = array<i32>} : memref<256x128xf32, #tpu.memory_space<vmem>>, vector<16xf32>,
      %add3A_1398 = arith.constant 5 : i32
      %add3A_1399 = arith.addi %add3A_819, %add3A_1398 : i32
      %get3A_1400 = arith.index_cast %add3A_1399 : i32 to index
      %get3A_1401 = arith.constant 112 : index
      %get3A_1402 = tpu.vector_load %arg7[%get3A_1400, %get3A_1401] {strides = array<i32>} : memref<256x128xf32, #tpu.memory_space<vmem>>, vector<16xf32>,
      %add3A_1403 = arith.constant 6 : i32
      %add3A_1404 = arith.addi %add3A_819, %add3A_1403 : i32
      %get3A_1405 = arith.index_cast %add3A_1404 : i32 to index
      %get3A_1406 = arith.constant 112 : index
      %get3A_1407 = tpu.vector_load %arg7[%get3A_1405, %get3A_1406] {strides = array<i32>} : memref<256x128xf32, #tpu.memory_space<vmem>>, vector<16xf32>,
      %add3A_1408 = arith.constant 7 : i32
      %add3A_1409 = arith.addi %add3A_819, %add3A_1408 : i32
      %get3A_1410 = arith.index_cast %add3A_1409 : i32 to index
      %get3A_1411 = arith.constant 112 : index
      %get3A_1412 = tpu.vector_load %arg7[%get3A_1410, %get3A_1411] {strides = array<i32>} : memref<256x128xf32, #tpu.memory_space<vmem>>, vector<16xf32>,
      %add3A_1413 = arith.addf %get3A_1377, %get3A_1382 : vector<16xf32>
      %add3A_1414 = arith.addf %get3A_1387, %get3A_1392 : vector<16xf32>
      %add3A_1415 = arith.addf %add3A_1413, %add3A_1414 : vector<16xf32>
      %add3A_1416 = arith.addf %get3A_1397, %get3A_1402 : vector<16xf32>
      %add3A_1417 = arith.addf %get3A_1407, %get3A_1412 : vector<16xf32>
      %add3A_1418 = arith.addf %add3A_1416, %add3A_1417 : vector<16xf32>
      %add3A_1419 = arith.addf %add3A_1415, %add3A_1418 : vector<16xf32>
      %mul3A_1420 = arith.mulf %get3A_1377, %add3A_1419 : vector<16xf32>
      %add3A_1421 = arith.addf %add3A_1342, %mul3A_1420 : vector<16xf32>
      %mul3A_1422 = arith.mulf %get3A_1377, %get3A_1377 : vector<16xf32>
      %add3A_1423 = arith.addf %add3A_1344, %mul3A_1422 : vector<16xf32>
      %mul3A_1424 = arith.mulf %get3A_1382, %add3A_1419 : vector<16xf32>
      %add3A_1425 = arith.addf %add3A_1346, %mul3A_1424 : vector<16xf32>
      %mul3A_1426 = arith.mulf %get3A_1382, %get3A_1382 : vector<16xf32>
      %add3A_1427 = arith.addf %add3A_1348, %mul3A_1426 : vector<16xf32>
      %mul3A_1428 = arith.mulf %get3A_1387, %add3A_1419 : vector<16xf32>
      %add3A_1429 = arith.addf %add3A_1350, %mul3A_1428 : vector<16xf32>
      %mul3A_1430 = arith.mulf %get3A_1387, %get3A_1387 : vector<16xf32>
      %add3A_1431 = arith.addf %add3A_1352, %mul3A_1430 : vector<16xf32>
      %mul3A_1432 = arith.mulf %get3A_1392, %add3A_1419 : vector<16xf32>
      %add3A_1433 = arith.addf %add3A_1354, %mul3A_1432 : vector<16xf32>
      %mul3A_1434 = arith.mulf %get3A_1392, %get3A_1392 : vector<16xf32>
      %add3A_1435 = arith.addf %add3A_1356, %mul3A_1434 : vector<16xf32>
      %mul3A_1436 = arith.mulf %get3A_1397, %add3A_1419 : vector<16xf32>
      %add3A_1437 = arith.addf %add3A_1358, %mul3A_1436 : vector<16xf32>
      %mul3A_1438 = arith.mulf %get3A_1397, %get3A_1397 : vector<16xf32>
      %add3A_1439 = arith.addf %add3A_1360, %mul3A_1438 : vector<16xf32>
      %mul3A_1440 = arith.mulf %get3A_1402, %add3A_1419 : vector<16xf32>
      %add3A_1441 = arith.addf %add3A_1362, %mul3A_1440 : vector<16xf32>
      %mul3A_1442 = arith.mulf %get3A_1402, %get3A_1402 : vector<16xf32>
      %add3A_1443 = arith.addf %add3A_1364, %mul3A_1442 : vector<16xf32>
      %mul3A_1444 = arith.mulf %get3A_1407, %add3A_1419 : vector<16xf32>
      %add3A_1445 = arith.addf %add3A_1366, %mul3A_1444 : vector<16xf32>
      %mul3A_1446 = arith.mulf %get3A_1407, %get3A_1407 : vector<16xf32>
      %add3A_1447 = arith.addf %add3A_1368, %mul3A_1446 : vector<16xf32>
      %mul3A_1448 = arith.mulf %get3A_1412, %add3A_1419 : vector<16xf32>
      %add3A_1449 = arith.addf %add3A_1370, %mul3A_1448 : vector<16xf32>
      %mul3A_1450 = arith.mulf %get3A_1412, %get3A_1412 : vector<16xf32>
      %add3A_1451 = arith.addf %add3A_1372, %mul3A_1450 : vector<16xf32>
      %swap3A_1452 = arith.constant 136 : index
      %swap3A_1453 = tpu.vector_load %arg8[%swap3A_1452] {strides = array<i32>} : memref<544xf32, #tpu.memory_space<vmem>>, vector<16xf32>,
      tpu.vector_store %arg8[%swap3A_1452], %add3A_1421 {strides = array<i32>} : memref<544xf32, #tpu.memory_space<vmem>>, vector<16xf32>,
      %swap3A_1454 = arith.constant 408 : index
      %swap3A_1455 = tpu.vector_load %arg8[%swap3A_1454] {strides = array<i32>} : memref<544xf32, #tpu.memory_space<vmem>>, vector<16xf32>,
      tpu.vector_store %arg8[%swap3A_1454], %add3A_1423 {strides = array<i32>} : memref<544xf32, #tpu.memory_space<vmem>>, vector<16xf32>,
      %swap3A_1456 = arith.constant 153 : index
      %swap3A_1457 = tpu.vector_load %arg8[%swap3A_1456] {strides = array<i32>} : memref<544xf32, #tpu.memory_space<vmem>>, vector<16xf32>,
      tpu.vector_store %arg8[%swap3A_1456], %add3A_1425 {strides = array<i32>} : memref<544xf32, #tpu.memory_space<vmem>>, vector<16xf32>,
      %swap3A_1458 = arith.constant 425 : index
      %swap3A_1459 = tpu.vector_load %arg8[%swap3A_1458] {strides = array<i32>} : memref<544xf32, #tpu.memory_space<vmem>>, vector<16xf32>,
      tpu.vector_store %arg8[%swap3A_1458], %add3A_1427 {strides = array<i32>} : memref<544xf32, #tpu.memory_space<vmem>>, vector<16xf32>,
      %swap3A_1460 = arith.constant 170 : index
      %swap3A_1461 = tpu.vector_load %arg8[%swap3A_1460] {strides = array<i32>} : memref<544xf32, #tpu.memory_space<vmem>>, vector<16xf32>,
      tpu.vector_store %arg8[%swap3A_1460], %add3A_1429 {strides = array<i32>} : memref<544xf32, #tpu.memory_space<vmem>>, vector<16xf32>,
      %swap3A_1462 = arith.constant 442 : index
      %swap3A_1463 = tpu.vector_load %arg8[%swap3A_1462] {strides = array<i32>} : memref<544xf32, #tpu.memory_space<vmem>>, vector<16xf32>,
      tpu.vector_store %arg8[%swap3A_1462], %add3A_1431 {strides = array<i32>} : memref<544xf32, #tpu.memory_space<vmem>>, vector<16xf32>,
      %swap3A_1464 = arith.constant 187 : index
      %swap3A_1465 = tpu.vector_load %arg8[%swap3A_1464] {strides = array<i32>} : memref<544xf32, #tpu.memory_space<vmem>>, vector<16xf32>,
      tpu.vector_store %arg8[%swap3A_1464], %add3A_1433 {strides = array<i32>} : memref<544xf32, #tpu.memory_space<vmem>>, vector<16xf32>,
      %swap3A_1466 = arith.constant 459 : index
      %swap3A_1467 = tpu.vector_load %arg8[%swap3A_1466] {strides = array<i32>} : memref<544xf32, #tpu.memory_space<vmem>>, vector<16xf32>,
      tpu.vector_store %arg8[%swap3A_1466], %add3A_1435 {strides = array<i32>} : memref<544xf32, #tpu.memory_space<vmem>>, vector<16xf32>,
      %swap3A_1468 = arith.constant 204 : index
      %swap3A_1469 = tpu.vector_load %arg8[%swap3A_1468] {strides = array<i32>} : memref<544xf32, #tpu.memory_space<vmem>>, vector<16xf32>,
      tpu.vector_store %arg8[%swap3A_1468], %add3A_1437 {strides = array<i32>} : memref<544xf32, #tpu.memory_space<vmem>>, vector<16xf32>,
      %swap3A_1470 = arith.constant 476 : index
      %swap3A_1471 = tpu.vector_load %arg8[%swap3A_1470] {strides = array<i32>} : memref<544xf32, #tpu.memory_space<vmem>>, vector<16xf32>,
      tpu.vector_store %arg8[%swap3A_1470], %add3A_1439 {strides = array<i32>} : memref<544xf32, #tpu.memory_space<vmem>>, vector<16xf32>,
      %swap3A_1472 = arith.constant 221 : index
      %swap3A_1473 = tpu.vector_load %arg8[%swap3A_1472] {strides = array<i32>} : memref<544xf32, #tpu.memory_space<vmem>>, vector<16xf32>,
      tpu.vector_store %arg8[%swap3A_1472], %add3A_1441 {strides = array<i32>} : memref<544xf32, #tpu.memory_space<vmem>>, vector<16xf32>,
      %swap3A_1474 = arith.constant 493 : index
      %swap3A_1475 = tpu.vector_load %arg8[%swap3A_1474] {strides = array<i32>} : memref<544xf32, #tpu.memory_space<vmem>>, vector<16xf32>,
      tpu.vector_store %arg8[%swap3A_1474], %add3A_1443 {strides = array<i32>} : memref<544xf32, #tpu.memory_space<vmem>>, vector<16xf32>,
      %swap3A_1476 = arith.constant 238 : index
      %swap3A_1477 = tpu.vector_load %arg8[%swap3A_1476] {strides = array<i32>} : memref<544xf32, #tpu.memory_space<vmem>>, vector<16xf32>,
      tpu.vector_store %arg8[%swap3A_1476], %add3A_1445 {strides = array<i32>} : memref<544xf32, #tpu.memory_space<vmem>>, vector<16xf32>,
      %swap3A_1478 = arith.constant 510 : index
      %swap3A_1479 = tpu.vector_load %arg8[%swap3A_1478] {strides = array<i32>} : memref<544xf32, #tpu.memory_space<vmem>>, vector<16xf32>,
      tpu.vector_store %arg8[%swap3A_1478], %add3A_1447 {strides = array<i32>} : memref<544xf32, #tpu.memory_space<vmem>>, vector<16xf32>,
      %swap3A_1480 = arith.constant 255 : index
      %swap3A_1481 = tpu.vector_load %arg8[%swap3A_1480] {strides = array<i32>} : memref<544xf32, #tpu.memory_space<vmem>>, vector<16xf32>,
      tpu.vector_store %arg8[%swap3A_1480], %add3A_1449 {strides = array<i32>} : memref<544xf32, #tpu.memory_space<vmem>>, vector<16xf32>,
      %swap3A_1482 = arith.constant 527 : index
      %swap3A_1483 = tpu.vector_load %arg8[%swap3A_1482] {strides = array<i32>} : memref<544xf32, #tpu.memory_space<vmem>>, vector<16xf32>,
      tpu.vector_store %arg8[%swap3A_1482], %add3A_1451 {strides = array<i32>} : memref<544xf32, #tpu.memory_space<vmem>>, vector<16xf32>,
      %mul3A_1484 = arith.constant 17 : i32
      %mul3A_1485 = vector.broadcast %mul3A_1484 : i32 to vector<16xi32>
      %mul3A_1486 = arith.muli %iota3A, %mul3A_1485 : vector<16xi32>
      %add3A_1487 = arith.constant 0 : i32
      %add3A_1488 = vector.broadcast %add3A_1487 : i32 to vector<16xi32>
      %add3A_1489 = arith.addi %mul3A_1486, %add3A_1488 : vector<16xi32>
      %gather3A_1490 = tpu.vector_load_idx %arg8[%add3A_1489] : memref<544xf32, #tpu.memory_space<vmem>>[vector<16xi32>], vector<16xf32>,
      %add3A_1491 = arith.addf %broadcast_in_dim3A_5, %gather3A_1490 : vector<16xf32>
      %mul3A_1492 = arith.constant 17 : i32
      %mul3A_1493 = vector.broadcast %mul3A_1492 : i32 to vector<16xi32>
      %mul3A_1494 = arith.muli %iota3A, %mul3A_1493 : vector<16xi32>
      %add3A_1495 = arith.constant 272 : i32
      %add3A_1496 = vector.broadcast %add3A_1495 : i32 to vector<16xi32>
      %add3A_1497 = arith.addi %mul3A_1494, %add3A_1496 : vector<16xi32>
      %gather3A_1498 = tpu.vector_load_idx %arg8[%add3A_1497] : memref<544xf32, #tpu.memory_space<vmem>>[vector<16xi32>], vector<16xf32>,
      %add3A_1499 = arith.addf %broadcast_in_dim3A_5, %gather3A_1498 : vector<16xf32>
      %mul3A_1500 = arith.constant 17 : i32
      %mul3A_1501 = vector.broadcast %mul3A_1500 : i32 to vector<16xi32>
      %mul3A_1502 = arith.muli %iota3A, %mul3A_1501 : vector<16xi32>
      %add3A_1503 = arith.constant 1 : i32
      %add3A_1504 = vector.broadcast %add3A_1503 : i32 to vector<16xi32>
      %add3A_1505 = arith.addi %mul3A_1502, %add3A_1504 : vector<16xi32>
      %gather3A_1506 = tpu.vector_load_idx %arg8[%add3A_1505] : memref<544xf32, #tpu.memory_space<vmem>>[vector<16xi32>], vector<16xf32>,
      %add3A_1507 = arith.addf %add3A_1491, %gather3A_1506 : vector<16xf32>
      %mul3A_1508 = arith.constant 17 : i32
      %mul3A_1509 = vector.broadcast %mul3A_1508 : i32 to vector<16xi32>
      %mul3A_1510 = arith.muli %iota3A, %mul3A_1509 : vector<16xi32>
      %add3A_1511 = arith.constant 273 : i32
      %add3A_1512 = vector.broadcast %add3A_1511 : i32 to vector<16xi32>
      %add3A_1513 = arith.addi %mul3A_1510, %add3A_1512 : vector<16xi32>
      %gather3A_1514 = tpu.vector_load_idx %arg8[%add3A_1513] : memref<544xf32, #tpu.memory_space<vmem>>[vector<16xi32>], vector<16xf32>,
      %add3A_1515 = arith.addf %add3A_1499, %gather3A_1514 : vector<16xf32>
      %mul3A_1516 = arith.constant 17 : i32
      %mul3A_1517 = vector.broadcast %mul3A_1516 : i32 to vector<16xi32>
      %mul3A_1518 = arith.muli %iota3A, %mul3A_1517 : vector<16xi32>
      %add3A_1519 = arith.constant 2 : i32
      %add3A_1520 = vector.broadcast %add3A_1519 : i32 to vector<16xi32>
      %add3A_1521 = arith.addi %mul3A_1518, %add3A_1520 : vector<16xi32>
      %gather3A_1522 = tpu.vector_load_idx %arg8[%add3A_1521] : memref<544xf32, #tpu.memory_space<vmem>>[vector<16xi32>], vector<16xf32>,
      %add3A_1523 = arith.addf %add3A_1507, %gather3A_1522 : vector<16xf32>
      %mul3A_1524 = arith.constant 17 : i32
      %mul3A_1525 = vector.broadcast %mul3A_1524 : i32 to vector<16xi32>
      %mul3A_1526 = arith.muli %iota3A, %mul3A_1525 : vector<16xi32>
      %add3A_1527 = arith.constant 274 : i32
      %add3A_1528 = vector.broadcast %add3A_1527 : i32 to vector<16xi32>
      %add3A_1529 = arith.addi %mul3A_1526, %add3A_1528 : vector<16xi32>
      %gather3A_1530 = tpu.vector_load_idx %arg8[%add3A_1529] : memref<544xf32, #tpu.memory_space<vmem>>[vector<16xi32>], vector<16xf32>,
      %add3A_1531 = arith.addf %add3A_1515, %gather3A_1530 : vector<16xf32>
      %mul3A_1532 = arith.constant 17 : i32
      %mul3A_1533 = vector.broadcast %mul3A_1532 : i32 to vector<16xi32>
      %mul3A_1534 = arith.muli %iota3A, %mul3A_1533 : vector<16xi32>
      %add3A_1535 = arith.constant 3 : i32
      %add3A_1536 = vector.broadcast %add3A_1535 : i32 to vector<16xi32>
      %add3A_1537 = arith.addi %mul3A_1534, %add3A_1536 : vector<16xi32>
      %gather3A_1538 = tpu.vector_load_idx %arg8[%add3A_1537] : memref<544xf32, #tpu.memory_space<vmem>>[vector<16xi32>], vector<16xf32>,
      %add3A_1539 = arith.addf %add3A_1523, %gather3A_1538 : vector<16xf32>
      %mul3A_1540 = arith.constant 17 : i32
      %mul3A_1541 = vector.broadcast %mul3A_1540 : i32 to vector<16xi32>
      %mul3A_1542 = arith.muli %iota3A, %mul3A_1541 : vector<16xi32>
      %add3A_1543 = arith.constant 275 : i32
      %add3A_1544 = vector.broadcast %add3A_1543 : i32 to vector<16xi32>
      %add3A_1545 = arith.addi %mul3A_1542, %add3A_1544 : vector<16xi32>
      %gather3A_1546 = tpu.vector_load_idx %arg8[%add3A_1545] : memref<544xf32, #tpu.memory_space<vmem>>[vector<16xi32>], vector<16xf32>,
      %add3A_1547 = arith.addf %add3A_1531, %gather3A_1546 : vector<16xf32>
      %mul3A_1548 = arith.constant 17 : i32
      %mul3A_1549 = vector.broadcast %mul3A_1548 : i32 to vector<16xi32>
      %mul3A_1550 = arith.muli %iota3A, %mul3A_1549 : vector<16xi32>
      %add3A_1551 = arith.constant 4 : i32
      %add3A_1552 = vector.broadcast %add3A_1551 : i32 to vector<16xi32>
      %add3A_1553 = arith.addi %mul3A_1550, %add3A_1552 : vector<16xi32>
      %gather3A_1554 = tpu.vector_load_idx %arg8[%add3A_1553] : memref<544xf32, #tpu.memory_space<vmem>>[vector<16xi32>], vector<16xf32>,
      %add3A_1555 = arith.addf %add3A_1539, %gather3A_1554 : vector<16xf32>
      %mul3A_1556 = arith.constant 17 : i32
      %mul3A_1557 = vector.broadcast %mul3A_1556 : i32 to vector<16xi32>
      %mul3A_1558 = arith.muli %iota3A, %mul3A_1557 : vector<16xi32>
      %add3A_1559 = arith.constant 276 : i32
      %add3A_1560 = vector.broadcast %add3A_1559 : i32 to vector<16xi32>
      %add3A_1561 = arith.addi %mul3A_1558, %add3A_1560 : vector<16xi32>
      %gather3A_1562 = tpu.vector_load_idx %arg8[%add3A_1561] : memref<544xf32, #tpu.memory_space<vmem>>[vector<16xi32>], vector<16xf32>,
      %add3A_1563 = arith.addf %add3A_1547, %gather3A_1562 : vector<16xf32>
      %mul3A_1564 = arith.constant 17 : i32
      %mul3A_1565 = vector.broadcast %mul3A_1564 : i32 to vector<16xi32>
      %mul3A_1566 = arith.muli %iota3A, %mul3A_1565 : vector<16xi32>
      %add3A_1567 = arith.constant 5 : i32
      %add3A_1568 = vector.broadcast %add3A_1567 : i32 to vector<16xi32>
      %add3A_1569 = arith.addi %mul3A_1566, %add3A_1568 : vector<16xi32>
      %gather3A_1570 = tpu.vector_load_idx %arg8[%add3A_1569] : memref<544xf32, #tpu.memory_space<vmem>>[vector<16xi32>], vector<16xf32>,
      %add3A_1571 = arith.addf %add3A_1555, %gather3A_1570 : vector<16xf32>
      %mul3A_1572 = arith.constant 17 : i32
      %mul3A_1573 = vector.broadcast %mul3A_1572 : i32 to vector<16xi32>
      %mul3A_1574 = arith.muli %iota3A, %mul3A_1573 : vector<16xi32>
      %add3A_1575 = arith.constant 277 : i32
      %add3A_1576 = vector.broadcast %add3A_1575 : i32 to vector<16xi32>
      %add3A_1577 = arith.addi %mul3A_1574, %add3A_1576 : vector<16xi32>
      %gather3A_1578 = tpu.vector_load_idx %arg8[%add3A_1577] : memref<544xf32, #tpu.memory_space<vmem>>[vector<16xi32>], vector<16xf32>,
      %add3A_1579 = arith.addf %add3A_1563, %gather3A_1578 : vector<16xf32>
      %mul3A_1580 = arith.constant 17 : i32
      %mul3A_1581 = vector.broadcast %mul3A_1580 : i32 to vector<16xi32>
      %mul3A_1582 = arith.muli %iota3A, %mul3A_1581 : vector<16xi32>
      %add3A_1583 = arith.constant 6 : i32
      %add3A_1584 = vector.broadcast %add3A_1583 : i32 to vector<16xi32>
      %add3A_1585 = arith.addi %mul3A_1582, %add3A_1584 : vector<16xi32>
      %gather3A_1586 = tpu.vector_load_idx %arg8[%add3A_1585] : memref<544xf32, #tpu.memory_space<vmem>>[vector<16xi32>], vector<16xf32>,
      %add3A_1587 = arith.addf %add3A_1571, %gather3A_1586 : vector<16xf32>
      %mul3A_1588 = arith.constant 17 : i32
      %mul3A_1589 = vector.broadcast %mul3A_1588 : i32 to vector<16xi32>
      %mul3A_1590 = arith.muli %iota3A, %mul3A_1589 : vector<16xi32>
      %add3A_1591 = arith.constant 278 : i32
      %add3A_1592 = vector.broadcast %add3A_1591 : i32 to vector<16xi32>
      %add3A_1593 = arith.addi %mul3A_1590, %add3A_1592 : vector<16xi32>
      %gather3A_1594 = tpu.vector_load_idx %arg8[%add3A_1593] : memref<544xf32, #tpu.memory_space<vmem>>[vector<16xi32>], vector<16xf32>,
      %add3A_1595 = arith.addf %add3A_1579, %gather3A_1594 : vector<16xf32>
      %mul3A_1596 = arith.constant 17 : i32
      %mul3A_1597 = vector.broadcast %mul3A_1596 : i32 to vector<16xi32>
      %mul3A_1598 = arith.muli %iota3A, %mul3A_1597 : vector<16xi32>
      %add3A_1599 = arith.constant 7 : i32
      %add3A_1600 = vector.broadcast %add3A_1599 : i32 to vector<16xi32>
      %add3A_1601 = arith.addi %mul3A_1598, %add3A_1600 : vector<16xi32>
      %gather3A_1602 = tpu.vector_load_idx %arg8[%add3A_1601] : memref<544xf32, #tpu.memory_space<vmem>>[vector<16xi32>], vector<16xf32>,
      %add3A_1603 = arith.addf %add3A_1587, %gather3A_1602 : vector<16xf32>
      %mul3A_1604 = arith.constant 17 : i32
      %mul3A_1605 = vector.broadcast %mul3A_1604 : i32 to vector<16xi32>
      %mul3A_1606 = arith.muli %iota3A, %mul3A_1605 : vector<16xi32>
      %add3A_1607 = arith.constant 279 : i32
      %add3A_1608 = vector.broadcast %add3A_1607 : i32 to vector<16xi32>
      %add3A_1609 = arith.addi %mul3A_1606, %add3A_1608 : vector<16xi32>
      %gather3A_1610 = tpu.vector_load_idx %arg8[%add3A_1609] : memref<544xf32, #tpu.memory_space<vmem>>[vector<16xi32>], vector<16xf32>,
      %add3A_1611 = arith.addf %add3A_1595, %gather3A_1610 : vector<16xf32>
      %mul3A_1612 = arith.constant 17 : i32
      %mul3A_1613 = vector.broadcast %mul3A_1612 : i32 to vector<16xi32>
      %mul3A_1614 = arith.muli %iota3A, %mul3A_1613 : vector<16xi32>
      %add3A_1615 = arith.constant 8 : i32
      %add3A_1616 = vector.broadcast %add3A_1615 : i32 to vector<16xi32>
      %add3A_1617 = arith.addi %mul3A_1614, %add3A_1616 : vector<16xi32>
      %gather3A_1618 = tpu.vector_load_idx %arg8[%add3A_1617] : memref<544xf32, #tpu.memory_space<vmem>>[vector<16xi32>], vector<16xf32>,
      %add3A_1619 = arith.addf %add3A_1603, %gather3A_1618 : vector<16xf32>
      %mul3A_1620 = arith.constant 17 : i32
      %mul3A_1621 = vector.broadcast %mul3A_1620 : i32 to vector<16xi32>
      %mul3A_1622 = arith.muli %iota3A, %mul3A_1621 : vector<16xi32>
      %add3A_1623 = arith.constant 280 : i32
      %add3A_1624 = vector.broadcast %add3A_1623 : i32 to vector<16xi32>
      %add3A_1625 = arith.addi %mul3A_1622, %add3A_1624 : vector<16xi32>
      %gather3A_1626 = tpu.vector_load_idx %arg8[%add3A_1625] : memref<544xf32, #tpu.memory_space<vmem>>[vector<16xi32>], vector<16xf32>,
      %add3A_1627 = arith.addf %add3A_1611, %gather3A_1626 : vector<16xf32>
      %mul3A_1628 = arith.constant 17 : i32
      %mul3A_1629 = vector.broadcast %mul3A_1628 : i32 to vector<16xi32>
      %mul3A_1630 = arith.muli %iota3A, %mul3A_1629 : vector<16xi32>
      %add3A_1631 = arith.constant 9 : i32
      %add3A_1632 = vector.broadcast %add3A_1631 : i32 to vector<16xi32>
      %add3A_1633 = arith.addi %mul3A_1630, %add3A_1632 : vector<16xi32>
      %gather3A_1634 = tpu.vector_load_idx %arg8[%add3A_1633] : memref<544xf32, #tpu.memory_space<vmem>>[vector<16xi32>], vector<16xf32>,
      %add3A_1635 = arith.addf %add3A_1619, %gather3A_1634 : vector<16xf32>
      %mul3A_1636 = arith.constant 17 : i32
      %mul3A_1637 = vector.broadcast %mul3A_1636 : i32 to vector<16xi32>
      %mul3A_1638 = arith.muli %iota3A, %mul3A_1637 : vector<16xi32>
      %add3A_1639 = arith.constant 281 : i32
      %add3A_1640 = vector.broadcast %add3A_1639 : i32 to vector<16xi32>
      %add3A_1641 = arith.addi %mul3A_1638, %add3A_1640 : vector<16xi32>
      %gather3A_1642 = tpu.vector_load_idx %arg8[%add3A_1641] : memref<544xf32, #tpu.memory_space<vmem>>[vector<16xi32>], vector<16xf32>,
      %add3A_1643 = arith.addf %add3A_1627, %gather3A_1642 : vector<16xf32>
      %mul3A_1644 = arith.constant 17 : i32
      %mul3A_1645 = vector.broadcast %mul3A_1644 : i32 to vector<16xi32>
      %mul3A_1646 = arith.muli %iota3A, %mul3A_1645 : vector<16xi32>
      %add3A_1647 = arith.constant 10 : i32
      %add3A_1648 = vector.broadcast %add3A_1647 : i32 to vector<16xi32>
      %add3A_1649 = arith.addi %mul3A_1646, %add3A_1648 : vector<16xi32>
      %gather3A_1650 = tpu.vector_load_idx %arg8[%add3A_1649] : memref<544xf32, #tpu.memory_space<vmem>>[vector<16xi32>], vector<16xf32>,
      %add3A_1651 = arith.addf %add3A_1635, %gather3A_1650 : vector<16xf32>
      %mul3A_1652 = arith.constant 17 : i32
      %mul3A_1653 = vector.broadcast %mul3A_1652 : i32 to vector<16xi32>
      %mul3A_1654 = arith.muli %iota3A, %mul3A_1653 : vector<16xi32>
      %add3A_1655 = arith.constant 282 : i32
      %add3A_1656 = vector.broadcast %add3A_1655 : i32 to vector<16xi32>
      %add3A_1657 = arith.addi %mul3A_1654, %add3A_1656 : vector<16xi32>
      %gather3A_1658 = tpu.vector_load_idx %arg8[%add3A_1657] : memref<544xf32, #tpu.memory_space<vmem>>[vector<16xi32>], vector<16xf32>,
      %add3A_1659 = arith.addf %add3A_1643, %gather3A_1658 : vector<16xf32>
      %mul3A_1660 = arith.constant 17 : i32
      %mul3A_1661 = vector.broadcast %mul3A_1660 : i32 to vector<16xi32>
      %mul3A_1662 = arith.muli %iota3A, %mul3A_1661 : vector<16xi32>
      %add3A_1663 = arith.constant 11 : i32
      %add3A_1664 = vector.broadcast %add3A_1663 : i32 to vector<16xi32>
      %add3A_1665 = arith.addi %mul3A_1662, %add3A_1664 : vector<16xi32>
      %gather3A_1666 = tpu.vector_load_idx %arg8[%add3A_1665] : memref<544xf32, #tpu.memory_space<vmem>>[vector<16xi32>], vector<16xf32>,
      %add3A_1667 = arith.addf %add3A_1651, %gather3A_1666 : vector<16xf32>
      %mul3A_1668 = arith.constant 17 : i32
      %mul3A_1669 = vector.broadcast %mul3A_1668 : i32 to vector<16xi32>
      %mul3A_1670 = arith.muli %iota3A, %mul3A_1669 : vector<16xi32>
      %add3A_1671 = arith.constant 283 : i32
      %add3A_1672 = vector.broadcast %add3A_1671 : i32 to vector<16xi32>
      %add3A_1673 = arith.addi %mul3A_1670, %add3A_1672 : vector<16xi32>
      %gather3A_1674 = tpu.vector_load_idx %arg8[%add3A_1673] : memref<544xf32, #tpu.memory_space<vmem>>[vector<16xi32>], vector<16xf32>,
      %add3A_1675 = arith.addf %add3A_1659, %gather3A_1674 : vector<16xf32>
      %mul3A_1676 = arith.constant 17 : i32
      %mul3A_1677 = vector.broadcast %mul3A_1676 : i32 to vector<16xi32>
      %mul3A_1678 = arith.muli %iota3A, %mul3A_1677 : vector<16xi32>
      %add3A_1679 = arith.constant 12 : i32
      %add3A_1680 = vector.broadcast %add3A_1679 : i32 to vector<16xi32>
      %add3A_1681 = arith.addi %mul3A_1678, %add3A_1680 : vector<16xi32>
      %gather3A_1682 = tpu.vector_load_idx %arg8[%add3A_1681] : memref<544xf32, #tpu.memory_space<vmem>>[vector<16xi32>], vector<16xf32>,
      %add3A_1683 = arith.addf %add3A_1667, %gather3A_1682 : vector<16xf32>
      %mul3A_1684 = arith.constant 17 : i32
      %mul3A_1685 = vector.broadcast %mul3A_1684 : i32 to vector<16xi32>
      %mul3A_1686 = arith.muli %iota3A, %mul3A_1685 : vector<16xi32>
      %add3A_1687 = arith.constant 284 : i32
      %add3A_1688 = vector.broadcast %add3A_1687 : i32 to vector<16xi32>
      %add3A_1689 = arith.addi %mul3A_1686, %add3A_1688 : vector<16xi32>
      %gather3A_1690 = tpu.vector_load_idx %arg8[%add3A_1689] : memref<544xf32, #tpu.memory_space<vmem>>[vector<16xi32>], vector<16xf32>,
      %add3A_1691 = arith.addf %add3A_1675, %gather3A_1690 : vector<16xf32>
      %mul3A_1692 = arith.constant 17 : i32
      %mul3A_1693 = vector.broadcast %mul3A_1692 : i32 to vector<16xi32>
      %mul3A_1694 = arith.muli %iota3A, %mul3A_1693 : vector<16xi32>
      %add3A_1695 = arith.constant 13 : i32
      %add3A_1696 = vector.broadcast %add3A_1695 : i32 to vector<16xi32>
      %add3A_1697 = arith.addi %mul3A_1694, %add3A_1696 : vector<16xi32>
      %gather3A_1698 = tpu.vector_load_idx %arg8[%add3A_1697] : memref<544xf32, #tpu.memory_space<vmem>>[vector<16xi32>], vector<16xf32>,
      %add3A_1699 = arith.addf %add3A_1683, %gather3A_1698 : vector<16xf32>
      %mul3A_1700 = arith.constant 17 : i32
      %mul3A_1701 = vector.broadcast %mul3A_1700 : i32 to vector<16xi32>
      %mul3A_1702 = arith.muli %iota3A, %mul3A_1701 : vector<16xi32>
      %add3A_1703 = arith.constant 285 : i32
      %add3A_1704 = vector.broadcast %add3A_1703 : i32 to vector<16xi32>
      %add3A_1705 = arith.addi %mul3A_1702, %add3A_1704 : vector<16xi32>
      %gather3A_1706 = tpu.vector_load_idx %arg8[%add3A_1705] : memref<544xf32, #tpu.memory_space<vmem>>[vector<16xi32>], vector<16xf32>,
      %add3A_1707 = arith.addf %add3A_1691, %gather3A_1706 : vector<16xf32>
      %mul3A_1708 = arith.constant 17 : i32
      %mul3A_1709 = vector.broadcast %mul3A_1708 : i32 to vector<16xi32>
      %mul3A_1710 = arith.muli %iota3A, %mul3A_1709 : vector<16xi32>
      %add3A_1711 = arith.constant 14 : i32
      %add3A_1712 = vector.broadcast %add3A_1711 : i32 to vector<16xi32>
      %add3A_1713 = arith.addi %mul3A_1710, %add3A_1712 : vector<16xi32>
      %gather3A_1714 = tpu.vector_load_idx %arg8[%add3A_1713] : memref<544xf32, #tpu.memory_space<vmem>>[vector<16xi32>], vector<16xf32>,
      %add3A_1715 = arith.addf %add3A_1699, %gather3A_1714 : vector<16xf32>
      %mul3A_1716 = arith.constant 17 : i32
      %mul3A_1717 = vector.broadcast %mul3A_1716 : i32 to vector<16xi32>
      %mul3A_1718 = arith.muli %iota3A, %mul3A_1717 : vector<16xi32>
      %add3A_1719 = arith.constant 286 : i32
      %add3A_1720 = vector.broadcast %add3A_1719 : i32 to vector<16xi32>
      %add3A_1721 = arith.addi %mul3A_1718, %add3A_1720 : vector<16xi32>
      %gather3A_1722 = tpu.vector_load_idx %arg8[%add3A_1721] : memref<544xf32, #tpu.memory_space<vmem>>[vector<16xi32>], vector<16xf32>,
      %add3A_1723 = arith.addf %add3A_1707, %gather3A_1722 : vector<16xf32>
      %mul3A_1724 = arith.constant 17 : i32
      %mul3A_1725 = vector.broadcast %mul3A_1724 : i32 to vector<16xi32>
      %mul3A_1726 = arith.muli %iota3A, %mul3A_1725 : vector<16xi32>
      %add3A_1727 = arith.constant 15 : i32
      %add3A_1728 = vector.broadcast %add3A_1727 : i32 to vector<16xi32>
      %add3A_1729 = arith.addi %mul3A_1726, %add3A_1728 : vector<16xi32>
      %gather3A_1730 = tpu.vector_load_idx %arg8[%add3A_1729] : memref<544xf32, #tpu.memory_space<vmem>>[vector<16xi32>], vector<16xf32>,
      %add3A_1731 = arith.addf %add3A_1715, %gather3A_1730 : vector<16xf32>
      %mul3A_1732 = arith.constant 17 : i32
      %mul3A_1733 = vector.broadcast %mul3A_1732 : i32 to vector<16xi32>
      %mul3A_1734 = arith.muli %iota3A, %mul3A_1733 : vector<16xi32>
      %add3A_1735 = arith.constant 287 : i32
      %add3A_1736 = vector.broadcast %add3A_1735 : i32 to vector<16xi32>
      %add3A_1737 = arith.addi %mul3A_1734, %add3A_1736 : vector<16xi32>
      %gather3A_1738 = tpu.vector_load_idx %arg8[%add3A_1737] : memref<544xf32, #tpu.memory_space<vmem>>[vector<16xi32>], vector<16xf32>,
      %add3A_1739 = arith.addf %add3A_1723, %gather3A_1738 : vector<16xf32>
      %mul3A_1740 = arith.constant 16 : i32
      %mul3A_1741 = arith.muli %scan3A_147, %mul3A_1740 : i32
      %get3A_1742 = arith.index_cast %mul3A_1741 : i32 to index
      %get3A_1743 = tpu.vector_load %arg9[%get3A_1742] {strides = array<i32>} : memref<256xf32, #tpu.memory_space<vmem>>, vector<16xf32>,
      %mul3A_1744 = arith.mulf %get3A_1743, %add3A_1739 : vector<16xf32>
      %sub3A = arith.subf %add3A_1731, %mul3A_1744 : vector<16xf32>
      %mul3A_1745 = arith.constant 0.142857149 : f32
      %mul3A_1746 = vector.broadcast %mul3A_1745 : f32 to vector<16xf32>
      %mul3A_1747 = arith.mulf %sub3A, %mul3A_1746 : vector<16xf32>
      %abs3A = math.absf %mul3A_1747 : vector<16xf32>
      %neg3A = arith.constant 0.000000e+00 : f32
      %neg3A_1748 = vector.broadcast %neg3A : f32 to vector<16xf32>
      %neg3A_1749 = arith.subf %neg3A_1748, %abs3A : vector<16xf32>
      %exp3A = math.exp %neg3A_1749 : vector<16xf32>
      %add3A_1750 = arith.constant 2.000000e+00 : f32
      %add3A_1751 = vector.broadcast %add3A_1750 : f32 to vector<16xf32>
      %add3A_1752 = arith.addf %exp3A, %add3A_1751 : vector<16xf32>
      %div3A = arith.divf %exp3A, %add3A_1752 : vector<16xf32>
      %mul3A_1753 = arith.mulf %div3A, %div3A : vector<16xf32>
      %mul3A_1754 = arith.constant 0.285714298 : f32
      %mul3A_1755 = vector.broadcast %mul3A_1754 : f32 to vector<16xf32>
      %mul3A_1756 = arith.mulf %mul3A_1753, %mul3A_1755 : vector<16xf32>
      %add3A_1757 = arith.constant 4.000000e-01 : f32
      %add3A_1758 = vector.broadcast %add3A_1757 : f32 to vector<16xf32>
      %add3A_1759 = arith.addf %add3A_1758, %mul3A_1756 : vector<16xf32>
      %mul3A_1760 = arith.mulf %mul3A_1753, %add3A_1759 : vector<16xf32>
      %add3A_1761 = arith.constant 0.666666686 : f32
      %add3A_1762 = vector.broadcast %add3A_1761 : f32 to vector<16xf32>
      %add3A_1763 = arith.addf %add3A_1762, %mul3A_1760 : vector<16xf32>
      %mul3A_1764 = arith.mulf %mul3A_1753, %add3A_1763 : vector<16xf32>
      %add3A_1765 = arith.constant 2.000000e+00 : f32
      %add3A_1766 = vector.broadcast %add3A_1765 : f32 to vector<16xf32>
      %add3A_1767 = arith.addf %add3A_1766, %mul3A_1764 : vector<16xf32>
      %mul3A_1768 = arith.mulf %div3A, %add3A_1767 : vector<16xf32>
      %min3A = arith.constant 0.000000e+00 : f32
      %min3A_1769 = vector.broadcast %min3A : f32 to vector<16xf32>
      %min3A_1770 = arith.minimumf %mul3A_1747, %min3A_1769 : vector<16xf32>
      %sub3A_1771 = arith.subf %min3A_1770, %mul3A_1768 : vector<16xf32>
      %mul3A_1772 = arith.constant 16 : i32
      %mul3A_1773 = arith.muli %scan3A_147, %mul3A_1772 : i32
      %swap3A_1774 = arith.index_cast %mul3A_1773 : i32 to index
      %swap3A_1775 = tpu.vector_load %arg10[%swap3A_1774] {strides = array<i32>} : memref<256xf32, #tpu.memory_space<vmem>>, vector<16xf32>,
      tpu.vector_store %arg10[%swap3A_1774], %sub3A_1771 {strides = array<i32>} : memref<256xf32, #tpu.memory_space<vmem>>, vector<16xf32>,
      %scan3A_1776 = arith.constant 0 : i32
      scf.yield %scan3A_1776 : i32
    }
    %scan3A_146 = arith.constant 16 : i32
    "tpu.region"() ({
      %run_scoped3A = tpu.sem_alloc : memref<!tpu.dma_semaphore, #tpu.memory_space<semaphore_mem>>
      %dma_start3A_147 = tpu.memref_slice %arg4[%mul3A_2] : memref<8192xf32, #tpu.memory_space<hbm>> -> memref<256xf32, #tpu.memory_space<hbm>>
      %dma_start3A_148 = tpu.memref_slice %arg4[%mul3A_2] : memref<8192xf32, #tpu.memory_space<hbm>> -> memref<256xf32, #tpu.memory_space<hbm>>
      tpu.enqueue_dma source(%arg10 : memref<256xf32, #tpu.memory_space<vmem>>) target(%dma_start3A_148 : memref<256xf32, #tpu.memory_space<hbm>>) target_semaphore(%run_scoped3A : memref<!tpu.dma_semaphore, #tpu.memory_space<semaphore_mem>>)
      %dma_wait3A_149 = tpu.memref_slice %arg4[%mul3A_2] : memref<8192xf32, #tpu.memory_space<hbm>> -> memref<256xf32, #tpu.memory_space<hbm>>
      %dma_wait3A_150 = tpu.memref_slice %arg4[%mul3A_2] : memref<8192xf32, #tpu.memory_space<hbm>> -> memref<256xf32, #tpu.memory_space<hbm>>
      tpu.wait_dma2 semaphore(%run_scoped3A : memref<!tpu.dma_semaphore, #tpu.memory_space<semaphore_mem>>) src(%arg10 : memref<256xf32, #tpu.memory_space<vmem>>) dst(%dma_wait3A_150 : memref<256xf32, #tpu.memory_space<hbm>>)
      tpu.yield
    }) : () -> ()
    return
  }
}

</mosaic_0001>

<sc_bundles>
// kernel: kernel.3.cloned.1.call-start
scs
__scs_entry_jumppad:
0x0: {  	(pc) =	sbr.rel $0x88, $3  }
0x1: {  	(tag) =	ssettag $0x0;
	lr =	simm.s32 $0x1  }
0x2: {  	[smem:$0x3F9F] =	sst lr;
	_ =	strace $0xD0000000  }
0x3: {  	_ = 	snop  }
0x4: {  	_ = 	snop  }
0x5: {  	_ = 	snop  }
0x6: {  	_ = 	snop  }
0x7: {  	_ = 	snop  }
__scs_overlays_trampoline_lowered:
0x8: {  	[smem:$0x3FAE] =	sst s0  }
0x9: {  	[smem:$0x3FAF] =	sst s1  }
0xa: {  	[smem:$0x3FB0] =	sst s2  }
0xb: {  	[smem:$0x3FB1] =	sst s3  }
0xc: {  	[smem:$0x3FB2] =	sst s4  }
0xd: {  	[smem:$0x3FB3] =	sst s5  }
0xe: {  	[smem:$0x3FB4] =	sst s6  }
0xf: {  	[smem:$0x3FB5] =	sst s7  }
0x10: {  	[smem:$0x3FB6] =	sst s8  }
0x11: {  	[smem:$0x3FB7] =	sst s9;
	s0 =	simm.s32 @!p0 $0x0  }
0x12: {  	s1 =	sld [smem:$0x3F9D];
	s0 =	simm.s32 @p0 $0x1  }
0x13: {  	[smem:$0x3FB8] =	sst s0;
	s0 =	simm.s32 @!p1 $0x0  }
0x14: {  	s2 =	sld [smem:$0x3F9C];
	s0 =	simm.s32 @p1 $0x1  }
0x15: {  	[smem:$0x3FB9] =	sst s0;
	s0 =	simm.s32 @!p2 $0x0  }
0x16: {  	s3 =	sld [smem:$0x3FDB];
	s0 =	simm.s32 @p2 $0x1  }
0x17: {  	s4 =	simm.s32 $0x1BF5;
	[smem:$0x3FBB] =	sst s0  }
0x18: {  	s0 =	sld [smem:$0x3F9E];
	_ =	swait.ge [sflag:s4], $0x0  }
0x19: {  	s7 =	sld [smem:$0x3F9F]  }
0x1a: {  	s8 =	sadd.s32 $0xFFFFE003, lr  }
0x1b: {  	s9 =	sadd.s32 $0xFFFFFEF7, lr;
	s5 =	simm.s32 $0xFFFFFFFF;
	p2 =	slt.u32 s8, $0xFFFFF086  }
0x1c: {  	p1 =	slt.u32 s9, $0xF7A;
	s5 =	simm.s32 @!p2 $0x0  }
0x1d: {  	s5 =	simm.s32 @p1 $0x1;
	p0 =	seq.s32 s7, s2  }
0x1e: {  	s7 =	smul.u32 @!p0 $0xF7A, s2;
	p2 =	seq.s32 @!p0 s5, $0x0  }
0x1f: {  	s9 =	smul.u32 $0xF7A, s1;
	s8 =	simm.s32 @!p0 $0x1BF5;
	p2 =	por !p2, p0  }
0x20: {  	[sflag:s8] =	ssyncset.s32 @!p0 $0xFFFFF086;
	s6 =	sadd.s32 @!p0 s3, s7;
	s7 =	simm.s32 @!p0 $0x108  }
0x21: {  	s3 =	sadd.s32 s3, s9;
	s6 =	sadd.s32 @!p0 $0x88, s6;
	s7 =	simm.s32 @p2 $0x1082  }
0x22: {  	[simem:s7], [sflag:s8] =	dma.local @!p0 [hbm:s6], $0xF7A  }
0x23: {  	s9 =	sor.u32 $0xD0000000, s2;
	s6 =	simm.s32 $0x108;
	_ =	swait.ge @!p0 [sflag:s8], $0x0  }
0x24: {  	s3 =	sadd.s32 $0x88, s3;
	s6 =	simm.s32 @!p1 $0x1082;
	[sflag:s4] =	ssyncset.s32 $0xFFFFF086  }
0x25: {  	[simem:s6], [sflag:s4] =	dma.local [hbm:s3], $0xF7A  }
0x26: {  	[smem:$0x3F9F] =	sst s1;
	(tag) =	ssettag s2;
	_ =	strace s9  }
0x27: {  	s1 =	sld [smem:$0x3FAF]  }
0x28: {  	s2 =	sld [smem:$0x3FB0]  }
0x29: {  	s4 =	sld [smem:$0x3FB2]  }
0x2a: {  	p0 =	seq.s32 s5, $0x0;
	s5 =	sld [smem:$0x3FB3]  }
0x2b: {  	s6 =	sld [smem:$0x3FB4]  }
0x2c: {  	s7 =	sld [smem:$0x3FB5]  }
0x2d: {  	s3 =	simm.s32 $0x108;
	s8 =	sld [smem:$0x3FB6]  }
0x2e: {  	s3 =	simm.s32 @!p0 $0x1082;
	s9 =	sld [smem:$0x3FB7]  }
0x2f: {  	lr =	sadd.s32 s0, s3;
	s0 =	sld [smem:$0x3FAE]  }
0x30: {  	s3 =	sld [smem:$0x3FB1]  }
0x31: {  	[smem:$0x3FBA] =	sst s10  }
0x32: {  	s10 =	sld [smem:$0x3FB8];
	_ =	sdelay $0x3  }
0x33: {  	p0 =	seq.s32 s10, $0x1;
	s10 =	sld [smem:$0x3FBA];
	_ =	sdelay $0x3  }
0x34: {  	[smem:$0x3FBA] =	sst s10  }
0x35: {  	s10 =	sld [smem:$0x3FB9];
	_ =	sdelay $0x3  }
0x36: {  	p1 =	seq.s32 s10, $0x1;
	s10 =	sld [smem:$0x3FBA];
	_ =	sdelay $0x3  }
0x37: {  	[smem:$0x3FBA] =	sst s10  }
0x38: {  	s10 =	sld [smem:$0x3FBB]  }
0x39: {  	_ = 	snop;
	(pc) =	sbr.ind lr, $3  }
0x3a: {  	_ = 	snop  }
0x3b: {  	_ = 	snop  }
0x3c: {  	p2 =	seq.s32 s10, $0x1;
	s10 =	sld [smem:$0x3FBA]  }
0x3d: {  	_ =	shalt  }
0x3e: {  	_ =	shalt  }
0x3f: {  	_ =	shalt  }
0x40: {  	_ =	shalt  }
0x41: {  	_ =	shalt  }
0x42: {  	_ =	shalt  }
0x43: {  	_ =	shalt  }
0x44: {  	_ =	shalt  }
0x45: {  	_ =	shalt  }
0x46: {  	_ =	shalt  }
0x47: {  	_ =	shalt  }
0x48: {  	_ =	shalt  }
0x49: {  	_ =	shalt  }
0x4a: {  	_ =	shalt  }
0x4b: {  	_ =	shalt  }
0x4c: {  	_ =	shalt  }
0x4d: {  	_ =	shalt  }
0x4e: {  	_ =	shalt  }
0x4f: {  	_ =	shalt  }
0x50: {  	_ =	shalt  }
0x51: {  	_ =	shalt  }
0x52: {  	_ =	shalt  }
0x53: {  	_ =	shalt  }
0x54: {  	_ =	shalt  }
0x55: {  	_ =	shalt  }
0x56: {  	_ =	shalt  }
0x57: {  	_ =	shalt  }
0x58: {  	_ =	shalt  }
0x59: {  	_ =	shalt  }
0x5a: {  	_ =	shalt  }
0x5b: {  	_ =	shalt  }
0x5c: {  	_ =	shalt  }
0x5d: {  	_ =	shalt  }
0x5e: {  	_ =	shalt  }
0x5f: {  	_ =	shalt  }
0x60: {  	_ =	shalt  }
0x61: {  	_ =	shalt  }
0x62: {  	_ =	shalt  }
0x63: {  	_ =	shalt  }
0x64: {  	_ =	shalt  }
0x65: {  	_ =	shalt  }
0x66: {  	_ =	shalt  }
0x67: {  	_ =	shalt  }
0x68: {  	_ =	shalt  }
0x69: {  	_ =	shalt  }
0x6a: {  	_ =	shalt  }
0x6b: {  	_ =	shalt  }
0x6c: {  	_ =	shalt  }
0x6d: {  	_ =	shalt  }
0x6e: {  	_ =	shalt  }
0x6f: {  	_ =	shalt  }
0x70: {  	_ =	shalt  }
0x71: {  	_ =	shalt  }
0x72: {  	_ =	shalt  }
0x73: {  	_ =	shalt  }
0x74: {  	_ =	shalt  }
0x75: {  	_ =	shalt  }
0x76: {  	_ =	shalt  }
0x77: {  	_ =	shalt  }
0x78: {  	_ =	shalt  }
0x79: {  	_ =	shalt  }
0x7a: {  	_ =	shalt  }
0x7b: {  	_ =	shalt  }
0x7c: {  	_ =	shalt  }
0x7d: {  	_ =	shalt  }
0x7e: {  	_ =	shalt  }
0x7f: {  	_ =	shalt  }
0x80: {  	_ =	shalt  }
0x81: {  	_ =	shalt  }
0x82: {  	_ =	shalt  }
0x83: {  	_ =	shalt  }
0x84: {  	_ =	shalt  }
0x85: {  	_ =	shalt  }
0x86: {  	_ =	shalt  }
0x87: {  	_ =	shalt  }
.Lfunc_end0:
.L_simem_size_0:
called_computation_lowered:
.L_overlay_start_0:
0x88: {  	s2 =	sld [smem:$0x3FD9]  }
0x89: {  	s3 =	sld [smem:$0x3FFE];
	_ =	sdelay $0x1  }
0x8a: {  	s1 =	srdreg.scid  }
0x8b: {  	s0 =	sand.u32 $0x1, s1  }
0x8c: {  	s17 =	sshll.u32 s0, $0xA;
	s2 =	sadd.s32 s3, s2  }
0x8d: {  	s2 =	sadd.s32 s2, s17  }
0x8e: {  	[smem:$0x3FC6] =	sst s2  }
0x8f: {  	_ = 	snop  }
0x90: {  	s2 =	sld [smem:$0x3FC8]  }
0x91: {  	s18 =	sld [smem:$0x3FD0];
	(tm) =	ssettm $0x1  }
0x92: {  	s4 =	sld [smem:$0x3FFB];
	_ =	sdelay $0x3  }
0x93: {  	_ =	strace s4  }
0x94: {  	s4 =	sld [smem:$0x3FFC];
	_ =	sdelay $0x3  }
0x95: {  	_ =	strace s4  }
0x96: {  	s4 =	sld [smem:$0x3FFD];
	_ =	sdelay $0x3  }
0x97: {  	_ =	strace s4  }
0x98: {  	_ =	strace $0x8FFFFFFF  }
0x99: {  	s19 =	sld [smem:$0x3FDB];
	_ =	sdelay $0x1  }
0x9a: {  	s5 =	simm.s32 $_scs_section_size  }
0x9b: {  	s6 =	simm.s32 $_size__tile_overlayer_lowered;
	s7 =	simm.s32 $_tile_overlayer_lowered  }
0x9c: {  	s22 =	simm.s32 $0x1BFF;
	s21 =	sshll.u32 s7, $0x1;
	s4 =	sadd.s32 s5, s19  }
0x9d: {  	s8 =	simm.s32 $0x0;
	s20 =	sshll.u32 s6, $0x1;
	s6 =	sadd.s32 s21, s4  }
0x9e: {  	[timem:s8], [sflag:s22] =	dma.local [hbm:s6], s20  }
0x9f: {  	_ =	swait.ge [sflag:s22], s20  }
0xa0: {  	s5 =	ssub.s32 $0x0, s20;
	[sflag:s22] =	ssyncset.done $0x0  }
0xa1: {  	[sflag:s22] =	ssyncadd.s32 s5;
	_ =	sdelay $0x1  }
0xa2: {  	s23 =	simm.s32 $0x1B8B  }
0xa3: {  	_ =	swait.ge [sflag:s23], $0x1  }
0xa4: {  	[sflag:s23] =	ssyncset.done $0x0  }
0xa5: {  	s25 =	simm.s32 $0x1B8E;
	s24 =	sld [smem:$0x3FFE];
	[sflag:s23] =	ssyncadd.s32 $0xFFFFFFFF  }
0xa6: {  	s26 =	simm.s32 $execute0_lowered;
	[smem:$0x3FD2] =	sst s25  }
0xa7: {  	s6 =	sshll.u32 s26, $0x1;
	_ =	strace $0x80000046;
	[dreg:$0x1] =	wrdreg $0xFFFFFFFF  }
0xa8: {  	s28 =	simm.s32 $_size_execute0_lowered;
	s4 =	sadd.s32 s4, s6;
	[dreg:$0x0] =	wrdreg $0x0  }
0xa9: {  	s6 =	sshll.u32 s28, $0x1;
	[dreg:$0x2] =	wrdreg s4  }
0xaa: {  	[dreg:$0x3] =	wrdreg s6  }
0xab: {  	[dreg:$0x4] =	wrdreg $0xC0  }
0xac: {  	_ =	task [dreg:s8], $0x5FFFF  }
0xad: {  	[dreg:$0x1] =	wrdreg $0xFFFFFFFF  }
0xae: {  	[dreg:$0x0] =	wrdreg $0x60  }
0xaf: {  	[dreg:$0x2] =	wrdreg s24  }
0xb0: {  	[dreg:$0x3] =	wrdreg s2  }
0xb1: {  	[dreg:$0x4] =	wrdreg s18  }
0xb2: {  	[dreg:$0x5] =	wrdreg $0x9  }
0xb3: {  	_ =	task.clear_ibuf [dreg:s8], $0x6FFFF;
	_ =	strace $0x90000046  }
0xb4: {  	s29 =	simm.s32 $0x9;
	_ =	strace $0x80000048  }
0xb5: {  	_ =	swait.ge [sflag:s29], $0x1  }
0xb6: {  	[sflag:s29] =	ssyncadd.s32 $0xFFFFFFFF  }
0xb7: {  	_ =	strace $0x90000048  }
0xb8: {  	_ =	sfence  }
0xb9: {  	s30 =	sld [smem:$0x0];
	_ =	sdelay $0x2  }
0xba: {  	s31 =	sshll.u32 s1, $0xD;
	s1 =	sshrl.u32 s1, $0x2  }
0xbb: {  	s3 =	sand.u32 $0x4000, s31;
	s1 =	sadd.s32 s1, s30  }
0xbc: {  	s0 =	sor.u32 s3, s0;
	s1 =	sshll.u32 s1, $0x11  }
0xbd: {  	s0 =	sor.u32 s1, s0  }
0xbe: {  	s0 =	sadd.s32 $0x8F2B, s0  }
0xbf: {  	[sflag:s0] =	ssyncadd.remote.s32 $0x1  }
0xc0: {  	_ =	sfence.sel $0xFFFF  }
0xc1: {  	[dreg:$0x0] =	wrdreg $0xFFFFFFFF;
	(pc) =	sbr.abs _section_cstart, $3  }
0xc2: {  	[dreg:$0x1] =	wrdreg $0xFFFFFFFF  }
0xc3: {  	_ =	task.clear_ibuf [dreg:s8], $0x2FFFF;
	_ =	strace $0x9FFFFFFF  }
0xc4: {  	(tm) =	ssettm $0x7FFFFFFF  }
0xc5: {  	_ =	shalt  }
tec
execute0_lowered:
.L_overlay_start_1:
0x0: {  	(tag) =	ssettag $0x1  }
0x1: {  	v0 =	vimm.s32 $0x83828180;
	v1 =	vimm.s32 $0x87868584;
	v2 =	vimm.s32 $0x76543210  }
0x2: {  	v3 =	vimm.s32 $0x187;
	vm4 =	vcmask $0x300;
	vm5 =	vcmask $0x704  }
0x3: {  	vm0 =	vcmask $0x1F10;
	vm6 =	vcmask $0xB08;
	vm7 =	vcmask $0xF0C  }
0x4: {  	vm8 =	vcmask $0x1310;
	vm9 =	vcmask $0x1714;
	vm1 =	vcmask $0x1F1C  }
0x5: {  	vm2 =	vcmask $0x2320;
	v43 =	vimm.s32 $0x287;
	vm10 =	vcmask $0x2724  }
0x6: {  	vm3 =	vcmask $0x2B28;
	v44 =	vimm.s32 $0x387;
	vm11 =	vcmask $0x2F2C  }
0x7: {  	vm12 =	vcmask $0x3330;
	vm13 =	vcmask $0x3734;
	vm14 =	vcmask $0x3B38  }
0x8: {  	v4 =	vimm.s32 $0x487;
	v5 =	vimm.s32 $0x587;
	v6 =	vimm.s32 $0x687  }
0x9: {  	v7 =	vimm.s32 $0x787;
	v8 =	vimm.s32 $0x887;
	v9 =	vimm.s32 $0x987  }
0xa: {  	v10 =	vimm.s32 $0xA87;
	v11 =	vimm.s32 $0xB87;
	v12 =	vimm.s32 $0xC87  }
0xb: {  	v13 =	vimm.s32 $0xD87;
	v14 =	vimm.s32 $0xE87;
	v15 =	vimm.s32 $0xF87  }
0xc: {  	v16 =	vimm.s32 $0x8FEDCBA9;
	v17 =	vimm.s32 $0x7654321;
	v18 =	vimm.s32 $0x98FEDCBA  }
0xd: {  	v19 =	vimm.s32 $0x10765432;
	v20 =	vimm.s32 $0x21076543;
	v21 =	vimm.s32 $0x32107654  }
0xe: {  	v24 =	vimm.s32 $0x43210765;
	v25 =	vimm.s32 $0xDCBA98FE;
	v26 =	vimm.s32 $0x54321076  }
0xf: {  	v27 =	vimm.s32 $0xEDCBA98F;
	v28 =	vimm.s32 $0x65432107;
	v0 =	vunpack.c.0.s8.s32 v0  }
0x10: {  	v1 =	vunpack.c.0.s8.s32 v1;
	v2 =	vunpack.c.l.s4.s8 v2;
	v3 =	vsel vm4, $0x100, v3  }
0x11: {  	v4 =	vsel vm4, $0x400, v4;
	v5 =	vsel vm4, $0x500, v5;
	v6 =	vsel vm4, $0x600, v6  }
0x12: {  	v7 =	vsel vm4, $0x700, v7;
	v8 =	vsel vm4, $0x800, v8;
	v9 =	vsel vm4, $0x900, v9  }
0x13: {  	v10 =	vsel vm4, $0xA00, v10;
	v11 =	vsel vm4, $0xB00, v11;
	v12 =	vsel vm4, $0xC00, v12  }
0x14: {  	v13 =	vsel vm4, $0xD00, v13;
	v14 =	vsel vm4, $0xE00, v14;
	v15 =	vsel vm4, $0xF00, v15  }
0x15: {  	v16 =	vunpack.c.l.s4.s8 v16;
	v17 =	vunpack.c.l.s4.s8 v17;
	v18 =	vunpack.c.l.s4.s8 v18  }
0x16: {  	v19 =	vunpack.c.l.s4.s8 v19;
	v21 =	vunpack.c.l.s4.s8 v21;
	v24 =	vunpack.c.l.s4.s8 v24  }
0x17: {  	v25 =	vunpack.c.l.s4.s8 v25;
	v26 =	vunpack.c.l.s4.s8 v26;
	v27 =	vunpack.c.l.s4.s8 v27  }
0x18: {  	v3 =	vsel vm5, $0x101, v3;
	v4 =	vsel vm5, $0x401, v4;
	v5 =	vsel vm5, $0x501, v5  }
0x19: {  	v6 =	vsel vm5, $0x601, v6;
	v7 =	vsel vm5, $0x701, v7;
	v8 =	vsel vm5, $0x801, v8  }
0x1a: {  	v9 =	vsel vm5, $0x901, v9;
	v10 =	vsel vm5, $0xA01, v10;
	v11 =	vsel vm5, $0xB01, v11  }
0x1b: {  	v12 =	vsel vm5, $0xC01, v12;
	v13 =	vsel vm5, $0xD01, v13;
	v14 =	vsel vm5, $0xE01, v14  }
0x1c: {  	v15 =	vsel vm5, $0xF01, v15;
	v2 =	vunpack.c.0.s8.s32 v2;
	v3 =	vsel vm6, $0x102, v3  }
0x1d: {  	v0 =	vsel vm0, v1, v0;
	vm0 =	vcmask $0x1B18;
	v4 =	vsel vm6, $0x402, v4  }
0x1e: {  	v5 =	vsel vm6, $0x502, v5;
	v6 =	vsel vm6, $0x602, v6;
	v7 =	vsel vm6, $0x702, v7  }
0x1f: {  	v8 =	vsel vm6, $0x802, v8;
	v9 =	vsel vm6, $0x902, v9;
	v10 =	vsel vm6, $0xA02, v10  }
0x20: {  	v11 =	vsel vm6, $0xB02, v11;
	v12 =	vsel vm6, $0xC02, v12;
	v13 =	vsel vm6, $0xD02, v13  }
0x21: {  	v14 =	vsel vm6, $0xE02, v14;
	v15 =	vsel vm6, $0xF02, v15;
	v16 =	vunpack.c.0.s8.s32 v16  }
0x22: {  	v17 =	vunpack.c.0.s8.s32 v17;
	v21 =	vunpack.c.0.s8.s32 v21;
	v42 =	vsel vm7, $0x103, v3  }
0x23: {  	v3 =	vsel vm4, $0x300, v44;
	v4 =	vsel vm7, $0x403, v4;
	v5 =	vsel vm7, $0x503, v5  }
0x24: {  	v6 =	vsel vm7, $0x603, v6;
	v7 =	vsel vm7, $0x703, v7;
	v8 =	vsel vm7, $0x803, v8  }
0x25: {  	v9 =	vsel vm7, $0x903, v9;
	v10 =	vsel vm7, $0xA03, v10;
	v11 =	vsel vm7, $0xB03, v11  }
0x26: {  	v12 =	vsel vm7, $0xC03, v12;
	v13 =	vsel vm7, $0xD03, v13;
	v14 =	vsel vm7, $0xE03, v14  }
0x27: {  	v15 =	vsel vm7, $0xF03, v15;
	v0 =	vcombine.low v2, v0;
	v1 =	vsel vm8, $0x104, v42  }
0x28: {  	v2 =	vsel vm4, $0x200, v43;
	v3 =	vsel vm5, $0x301, v3;
	v4 =	vsel vm8, $0x404, v4  }
0x29: {  	v5 =	vsel vm8, $0x504, v5;
	v6 =	vsel vm8, $0x604, v6;
	v7 =	vsel vm8, $0x704, v7  }
0x2a: {  	v8 =	vsel vm8, $0x804, v8;
	v9 =	vsel vm8, $0x904, v9;
	v10 =	vsel vm8, $0xA04, v10  }
0x2b: {  	v11 =	vsel vm8, $0xB04, v11;
	v12 =	vsel vm8, $0xC04, v12;
	v13 =	vsel vm8, $0xD04, v13  }
0x2c: {  	v14 =	vsel vm8, $0xE04, v14;
	v15 =	vsel vm8, $0xF04, v15;
	v16 =	vcombine.low v17, v16  }
0x2d: {  	v17 =	vunpack.c.0.s8.s32 v18;
	v18 =	vunpack.c.0.s8.s32 v19;
	v19 =	vimm.s32 $0xA98FEDCB  }
0x2e: {  	v1 =	vsel vm9, $0x105, v1;
	v2 =	vsel vm5, $0x201, v2;
	v3 =	vsel vm6, $0x302, v3  }
0x2f: {  	v4 =	vsel vm9, $0x405, v4;
	v5 =	vsel vm9, $0x505, v5;
	v6 =	vsel vm9, $0x605, v6  }
0x30: {  	v7 =	vsel vm9, $0x705, v7;
	v8 =	vsel vm9, $0x805, v8;
	v9 =	vsel vm9, $0x905, v9  }
0x31: {  	v10 =	vsel vm9, $0xA05, v10;
	v11 =	vsel vm9, $0xB05, v11;
	v12 =	vsel vm9, $0xC05, v12  }
0x32: {  	v13 =	vsel vm9, $0xD05, v13;
	v14 =	vsel vm9, $0xE05, v14;
	v15 =	vsel vm9, $0xF05, v15  }
0x33: {  	v19 =	vunpack.c.l.s4.s8 v19;
	v0 =	vand.u32 $0xFF, v0;
	v1 =	vsel vm0, $0x106, v1  }
0x34: {  	v2 =	vsel vm6, $0x202, v2;
	v3 =	vsel vm7, $0x303, v3;
	v4 =	vsel vm0, $0x406, v4  }
0x35: {  	v5 =	vsel vm0, $0x506, v5;
	v6 =	vsel vm0, $0x606, v6;
	v7 =	vsel vm0, $0x706, v7  }
0x36: {  	v8 =	vsel vm0, $0x806, v8;
	v9 =	vsel vm0, $0x906, v9;
	v10 =	vsel vm0, $0xA06, v10  }
0x37: {  	v11 =	vsel vm0, $0xB06, v11;
	v12 =	vsel vm0, $0xC06, v12;
	v13 =	vsel vm0, $0xD06, v13  }
0x38: {  	v14 =	vsel vm0, $0xE06, v14;
	v15 =	vsel vm0, $0xF06, v15;
	v18 =	vcombine.low v18, v17  }
0x39: {  	v17 =	vunpack.c.l.s4.s8 v20;
	v1 =	vsel vm1, $0x107, v1;
	v2 =	vsel vm7, $0x203, v2  }
0x3a: {  	v3 =	vsel vm8, $0x304, v3;
	v4 =	vsel vm1, $0x407, v4;
	v5 =	vsel vm1, $0x507, v5  }
0x3b: {  	v6 =	vsel vm1, $0x607, v6;
	v7 =	vsel vm1, $0x707, v7;
	v8 =	vsel vm1, $0x807, v8  }
0x3c: {  	v9 =	vsel vm1, $0x907, v9;
	v10 =	vsel vm1, $0xA07, v10;
	v11 =	vsel vm1, $0xB07, v11  }
0x3d: {  	v12 =	vsel vm1, $0xC07, v12;
	v13 =	vsel vm1, $0xD07, v13;
	v14 =	vsel vm1, $0xE07, v14  }
0x3e: {  	v15 =	vsel vm1, $0xF07, v15;
	v20 =	vunpack.c.0.s8.s32 v19;
	v19 =	vimm.s32 $0xBA98FEDC  }
0x3f: {  	v1 =	vsel vm2, $0x180, v1;
	v2 =	vsel vm8, $0x204, v2;
	v3 =	vsel vm9, $0x305, v3  }
0x40: {  	v4 =	vsel vm2, $0x480, v4;
	v5 =	vsel vm2, $0x580, v5;
	v6 =	vsel vm2, $0x680, v6  }
0x41: {  	v7 =	vsel vm2, $0x780, v7;
	v8 =	vsel vm2, $0x880, v8;
	v9 =	vsel vm2, $0x980, v9  }
0x42: {  	v10 =	vsel vm2, $0xA80, v10;
	v11 =	vsel vm2, $0xB80, v11;
	v12 =	vsel vm2, $0xC80, v12  }
0x43: {  	v13 =	vsel vm2, $0xD80, v13;
	v14 =	vsel vm2, $0xE80, v14;
	v15 =	vsel vm2, $0xF80, v15  }
0x44: {  	v22 =	vunpack.c.0.s8.s32 v17;
	v23 =	vunpack.c.l.s4.s8 v19;
	v1 =	vsel vm10, $0x181, v1  }
0x45: {  	v2 =	vsel vm9, $0x205, v2;
	v3 =	vsel vm0, $0x306, v3;
	v4 =	vsel vm10, $0x481, v4  }
0x46: {  	v5 =	vsel vm10, $0x581, v5;
	v6 =	vsel vm10, $0x681, v6;
	v7 =	vsel vm10, $0x781, v7  }
0x47: {  	v8 =	vsel vm10, $0x881, v8;
	v9 =	vsel vm10, $0x981, v9;
	v10 =	vsel vm10, $0xA81, v10  }
0x48: {  	v11 =	vsel vm10, $0xB81, v11;
	v12 =	vsel vm10, $0xC81, v12;
	v13 =	vsel vm10, $0xD81, v13  }
0x49: {  	v14 =	vsel vm10, $0xE81, v14;
	v15 =	vsel vm10, $0xF81, v15;
	v1 =	vsel vm3, $0x182, v1  }
0x4a: {  	v2 =	vsel vm0, $0x206, v2;
	v3 =	vsel vm1, $0x307, v3;
	v4 =	vsel vm3, $0x482, v4  }
0x4b: {  	v5 =	vsel vm3, $0x582, v5;
	v6 =	vsel vm3, $0x682, v6;
	v7 =	vsel vm3, $0x782, v7  }
0x4c: {  	v8 =	vsel vm3, $0x882, v8;
	v9 =	vsel vm3, $0x982, v9;
	v10 =	vsel vm3, $0xA82, v10  }
0x4d: {  	v11 =	vsel vm3, $0xB82, v11;
	v12 =	vsel vm3, $0xC82, v12;
	v13 =	vsel vm3, $0xD82, v13  }
0x4e: {  	v14 =	vsel vm3, $0xE82, v14;
	v15 =	vsel vm3, $0xF82, v15;
	v22 =	vcombine.low v22, v20  }
0x4f: {  	v20 =	vunpack.c.0.s8.s32 v23;
	v1 =	vsel vm11, $0x183, v1;
	v2 =	vsel vm1, $0x207, v2  }
0x50: {  	v3 =	vsel vm2, $0x380, v3;
	v4 =	vsel vm11, $0x483, v4;
	v5 =	vsel vm11, $0x583, v5  }
0x51: {  	v6 =	vsel vm11, $0x683, v6;
	v7 =	vsel vm11, $0x783, v7;
	v8 =	vsel vm11, $0x883, v8  }
0x52: {  	v9 =	vsel vm11, $0x983, v9;
	v10 =	vsel vm11, $0xA83, v10;
	v11 =	vsel vm11, $0xB83, v11  }
0x53: {  	v12 =	vsel vm11, $0xC83, v12;
	v13 =	vsel vm11, $0xD83, v13;
	v14 =	vsel vm11, $0xE83, v14  }
0x54: {  	v15 =	vsel vm11, $0xF83, v15;
	v1 =	vsel vm12, $0x184, v1;
	v2 =	vsel vm2, $0x280, v2  }
0x55: {  	v3 =	vsel vm10, $0x381, v3;
	v4 =	vsel vm12, $0x484, v4;
	v5 =	vsel vm12, $0x584, v5  }
0x56: {  	v6 =	vsel vm12, $0x684, v6;
	v7 =	vsel vm12, $0x784, v7;
	v8 =	vsel vm12, $0x884, v8  }
0x57: {  	v9 =	vsel vm12, $0x984, v9;
	v10 =	vsel vm12, $0xA84, v10;
	v1 =	vsel vm13, $0x185, v1  }
0x58: {  	[tilespmem:$0x1FE00] =	vst v0;
	v11 =	vsel vm12, $0xB84, v11;
	v4 =	vsel vm13, $0x485, v4;
	v45 =	vsel vm14, $0x186, v1  }
0x59: {  	v12 =	vsel vm12, $0xC84, v12;
	v5 =	vsel vm13, $0x585, v5;
	v48 =	vsel vm14, $0x486, v4;
	[tilespmem:$0x1FE10] =	vst v45  }
0x5a: {  	v13 =	vsel vm12, $0xD84, v13;
	v6 =	vsel vm13, $0x685, v6;
	v49 =	vsel vm14, $0x586, v5;
	[tilespmem:$0x1FE40] =	vst v48  }
0x5b: {  	v14 =	vsel vm12, $0xE84, v14;
	v7 =	vsel vm13, $0x785, v7;
	v50 =	vsel vm14, $0x686, v6;
	[tilespmem:$0x1FE50] =	vst v49  }
0x5c: {  	v15 =	vsel vm12, $0xF84, v15;
	v8 =	vsel vm13, $0x885, v8;
	v51 =	vsel vm14, $0x786, v7;
	[tilespmem:$0x1FE60] =	vst v50  }
0x5d: {  	v29 =	vcombine.low v21, v20;
	v9 =	vsel vm13, $0x985, v9;
	v52 =	vsel vm14, $0x886, v8;
	[tilespmem:$0x1FE70] =	vst v51  }
0x5e: {  	v2 =	vsel vm10, $0x281, v2;
	v10 =	vsel vm13, $0xA85, v10;
	v53 =	vsel vm14, $0x986, v9;
	[tilespmem:$0x1FE80] =	vst v52  }
0x5f: {  	v3 =	vsel vm3, $0x382, v3;
	v11 =	vsel vm13, $0xB85, v11;
	v54 =	vsel vm14, $0xA86, v10;
	[tilespmem:$0x1FE90] =	vst v53  }
0x60: {  	v12 =	vsel vm13, $0xC85, v12;
	v13 =	vsel vm13, $0xD85, v13;
	v55 =	vsel vm14, $0xB86, v11;
	[tilespmem:$0x1FEA0] =	vst v54  }
0x61: {  	v14 =	vsel vm13, $0xE85, v14;
	v15 =	vsel vm13, $0xF85, v15;
	v56 =	vsel vm14, $0xC86, v12;
	[tilespmem:$0x1FEB0] =	vst v55  }
0x62: {  	v2 =	vsel vm3, $0x282, v2;
	v3 =	vsel vm11, $0x383, v3;
	v57 =	vsel vm14, $0xD86, v13;
	[tilespmem:$0x1FEC0] =	vst v56  }
0x63: {  	v58 =	vsel vm14, $0xE86, v14;
	v2 =	vsel vm11, $0x283, v2;
	v3 =	vsel vm12, $0x384, v3;
	[tilespmem:$0x1FED0] =	vst v57  }
0x64: {  	s4 =	rddreg [dreg:$0x0];
	v59 =	vsel vm14, $0xF86, v15;
	[tilespmem:$0x1FEE0] =	vst v58;
	v2 =	vsel vm12, $0x284, v2;
	v3 =	vsel vm13, $0x385, v3  }
0x65: {  	s0 =	rddreg [dreg:$0x1];
	v20 =	vlaneseq.u32;
	[tilespmem:$0x1FEF0] =	vst v59;
	v2 =	vsel vm13, $0x285, v2;
	v47 =	vsel vm14, $0x386, v3  }
0x66: {  	s5 =	rddreg [dreg:$0x2];
	s3 =	simm.s32 $0x0;
	v28 =	vunpack.c.l.s4.s8 v28;
	v60 =	vmul.u32 $0x11, v20;
	v46 =	vsel vm14, $0x286, v2;
	[tilespmem:$0x1FE30] =	vst v47  }
0x67: {  	[smem:$0x7FF] =	sst s3;
	v24 =	vunpack.c.0.s8.s32 v24;
	v25 =	vunpack.c.0.s8.s32 v25;
	v23 =	vimm.s32 $0xCBA98FED;
	[tilespmem:$0x1FE20] =	vst v46  }
0x68: {  	s1 =	rddreg [dreg:$0x3];
	v26 =	vunpack.c.0.s8.s32 v26;
	v23 =	vunpack.c.l.s4.s8 v23;
	v61 =	vadd.s32 $0x110, v60;
	_ =	strace $0x80000047;
	[tilespmem:$0x1FF00] =	vst v60  }
0x69: {  	v27 =	vunpack.c.0.s8.s32 v27;
	v28 =	vunpack.c.0.s8.s32 v28;
	v62 =	vadd.s32 $0x1, v60;
	[tilespmem:$0x1FF10] =	vst v61  }
0x6a: {  	v16 =	vand.u32 $0xF, v16;
	v23 =	vunpack.c.0.s8.s32 v23;
	v63 =	vadd.s32 $0x111, v60;
	[tilespmem:$0x1FF20] =	vst v62  }
0x6b: {  	v17 =	vimm.s32 $0x1;
	v18 =	vand.u32 $0xF, v18;
	v15 =	vadd.s32 $0x2, v60;
	[tilespmem:$0x1FF30] =	vst v63  }
0x6c: {  	v23 =	vcombine.low v24, v23;
	v24 =	vcombine.low v26, v25;
	v26 =	vadd.s32 $0x112, v60;
	[tilespmem:$0x1FF40] =	vst v15  }
0x6d: {  	v19 =	vimm.s32 $0x0;
	v25 =	vcombine.low v28, v27;
	v28 =	vadd.s32 $0x3, v60;
	[tilespmem:$0x1FF50] =	vst v26  }
0x6e: {  	v21 =	vand.u32 $0xF, v22;
	v22 =	vand.u32 $0xF, v29;
	v29 =	vadd.s32 $0x113, v60;
	[tilespmem:$0x1FF60] =	vst v28  }
0x6f: {  	s6 =	srdreg.scid;
	v30 =	vadd.s32 $0x4, v60;
	v31 =	vadd.s32 $0x114, v60;
	v33 =	vadd.s32 $0x5, v60;
	[tilespmem:$0x1FF70] =	vst v29  }
0x70: {  	s2 =	stileid.u32;
	s9 =	simm.s32 $0x1100;
	s10 =	simm.s32 $0x1080;
	v34 =	vadd.s32 $0x115, v60;
	v36 =	vadd.s32 $0x6, v60;
	v38 =	vadd.s32 $0x116, v60;
	[tilespmem:$0x1FF80] =	vst v30  }
0x71: {  	s11 =	simm.s32 $0x5100;
	s12 =	simm.s32 $0x1000;
	s13 =	simm.s32 $0x1;
	v40 =	vadd.s32 $0x7, v60;
	v56 =	vadd.s32 $0x8, v60;
	v54 =	vadd.s32 $0x118, v60;
	[tilespmem:$0x1FF90] =	vst v31  }
0x72: {  	s14 =	simm.s32 $0x2;
	s6 =	sand.u32 $0x1, s6;
	s7 =	sshll.u32 s2, $0x1;
	v55 =	vadd.s32 $0x9, v60;
	v53 =	vadd.s32 $0x119, v60;
	v50 =	vadd.s32 $0xA, v60;
	[tilespmem:$0x1FFA0] =	vst v33  }
0x73: {  	s15 =	simm.s32 $0x9100;
	s16 =	simm.s32 $0x9480;
	s7 =	sor.u32 s6, s7;
	v42 =	vadd.s32 $0x11A, v60;
	v27 =	vadd.s32 $0xB, v60;
	v51 =	vadd.s32 $0x11B, v60;
	[tilespmem:$0x1FFB0] =	vst v34  }
0x74: {  	s17 =	simm.s32 $0x0;
	s6 =	ssub.s32 $0x2, s6;
	s8 =	sshll.u32 s7, $0x9;
	v52 =	vadd.s32 $0xC, v60;
	v49 =	vadd.s32 $0x11C, v60;
	v45 =	vadd.s32 $0xD, v60;
	[tilespmem:$0x1FFC0] =	vst v36  }
0x75: {  	s31 =	sshrl.u32 s6, $0x1;
	s7 =	sshll.u32 s7, $0x5;
	s4 =	sadd.s32 s8, s4;
	v44 =	vadd.s32 $0xE, v60;
	v43 =	vadd.s32 $0x11E, v60;
	v41 =	vadd.s32 $0xF, v60;
	[tilespmem:$0x1FFD0] =	vst v38  }
0x76: {  	s6 =	ssub.s32 s6, s31;
	s5 =	sadd.s32 s5, s7;
	s7 =	simm.s32 $0x3;
	v48 =	vadd.s32 $0x11F, v60;
	v23 =	vand.u32 $0xF, v23;
	v46 =	vadd.s32 $0x117, v60;
	[tilespmem:$0x1FFE0] =	vst v40  }
0x77: {  	s8 =	simm.s32 $0x80;
	s4 =	sadd.s32 $0x400, s4;
	s6 =	smax.u32 s6, $0x1;
	v24 =	vand.u32 $0xF, v24;
	v25 =	vand.u32 $0xF, v25;
	v47 =	vadd.s32 $0x11D, v60;
	[tilespmem:$0x1FFF0] =	vst v46  }
.LBB2_1:
0x78: {  	[tilespmem:s3], [sflag:$0x3] =	stream.linear.gather [hbm4b:s4+s3], $0x1000, $0x38;
	[tilespmem:$0x9580] =	vst v63  }
0x79: {  	_ =	swait.ge [sflag:s7], $0x1000  }
0x7a: {  	v0 =	vld [tilespmem:$0x1FE00];
	_ =	sdelay $0x5  }
0x7b: {  	[sflag:s7] =	ssyncset.done $0x0;
	v34 =	vld [tilespmem:$0x1FE10]  }
0x7c: {  	[sflag:s7] =	ssyncadd.s32 $0xFFFFF000  }
0x7d: {  	v57 =	vld.idx.msk [tilespmem:v0+s3+$0x0], $0xffff;
	_ =	sdelay $0x3  }
0x7e: {  	v35 =	vld [tilespmem:$0x1FE20]  }
0x7f: {  	[tilespmem:$0x1000] =	vst v57  }
0x80: {  	v57 =	vld.idx.msk [tilespmem:v34+s3+$0x0], $0xffff;
	_ =	sdelay $0x3  }
0x81: {  	v36 =	vld [tilespmem:$0x1FE30]  }
0x82: {  	[tilespmem:$0x1010] =	vst v57  }
0x83: {  	v57 =	vld.idx.msk [tilespmem:v35+s3+$0x0], $0xffff;
	_ =	sdelay $0x3  }
0x84: {  	v37 =	vld [tilespmem:$0x1FE40]  }
0x85: {  	[tilespmem:$0x1020] =	vst v57  }
0x86: {  	v57 =	vld.idx.msk [tilespmem:v36+s3+$0x0], $0xffff;
	_ =	sdelay $0x3  }
0x87: {  	v38 =	vld [tilespmem:$0x1FE50]  }
0x88: {  	[tilespmem:$0x1030] =	vst v57  }
0x89: {  	v57 =	vld.idx.msk [tilespmem:v37+s3+$0x0], $0xffff;
	_ =	sdelay $0x3  }
0x8a: {  	v39 =	vld [tilespmem:$0x1FE60]  }
0x8b: {  	[tilespmem:$0x1040] =	vst v57  }
0x8c: {  	v57 =	vld.idx.msk [tilespmem:v38+s3+$0x0], $0xffff;
	_ =	sdelay $0x3  }
0x8d: {  	v40 =	vld [tilespmem:$0x1FE70]  }
0x8e: {  	[tilespmem:$0x1050] =	vst v57  }
0x8f: {  	v57 =	vld.idx.msk [tilespmem:v39+s3+$0x0], $0xffff;
	_ =	sdelay $0x3  }
0x90: {  	v46 =	vld [tilespmem:$0x1FE80]  }
0x91: {  	[tilespmem:$0x1060] =	vst v57  }
0x92: {  	v57 =	vld.idx.msk [tilespmem:v40+s3+$0x0], $0xffff;
	_ =	sdelay $0x4  }
0x93: {  	[tilespmem:$0x1070] =	vst v57  }
0x94: {  	v57 =	vld.idx.msk [tilespmem:v46+s3+$0x0], $0xffff;
	_ =	sdelay $0x4  }
0x95: {  	[tilespmem:$0x1080] =	vst v57;
	v57 =	vld [tilespmem:$0x1FE90];
	_ =	sdelay $0x5  }
0x96: {  	v58 =	vld [tilespmem:$0x1FEA0];
	_ =	sdelay $0x1  }
0x97: {  	v57 =	vld.idx.msk [tilespmem:v57+s3+$0x0], $0xffff;
	_ =	sdelay $0x3  }
0x98: {  	v59 =	vld [tilespmem:$0x1FEB0]  }
0x99: {  	[tilespmem:$0x1090] =	vst v57  }
0x9a: {  	v57 =	vld.idx.msk [tilespmem:v58+s3+$0x0], $0xffff;
	_ =	sdelay $0x3  }
0x9b: {  	v60 =	vld [tilespmem:$0x1FEC0]  }
0x9c: {  	[tilespmem:$0x10A0] =	vst v57  }
0x9d: {  	v57 =	vld.idx.msk [tilespmem:v59+s3+$0x0], $0xffff;
	_ =	sdelay $0x3  }
0x9e: {  	v61 =	vld [tilespmem:$0x1FED0]  }
0x9f: {  	[tilespmem:$0x10B0] =	vst v57  }
0xa0: {  	v57 =	vld.idx.msk [tilespmem:v60+s3+$0x0], $0xffff;
	_ =	sdelay $0x3  }
0xa1: {  	v62 =	vld [tilespmem:$0x1FEE0]  }
0xa2: {  	[tilespmem:$0x10C0] =	vst v57  }
0xa3: {  	v57 =	vld.idx.msk [tilespmem:v61+s3+$0x0], $0xffff;
	_ =	sdelay $0x3  }
0xa4: {  	v63 =	vld [tilespmem:$0x1FEF0]  }
0xa5: {  	[tilespmem:$0x10D0] =	vst v57  }
0xa6: {  	v57 =	vld.idx.msk [tilespmem:v62+s3+$0x0], $0xffff;
	_ =	sdelay $0x4  }
0xa7: {  	[tilespmem:$0x10E0] =	vst v57  }
0xa8: {  	v57 =	vld.idx.msk [tilespmem:v63+s3+$0x0], $0xffff;
	_ =	sdelay $0x3  }
0xa9: {  	v58 =	vor.u32 s3, v16  }
0xaa: {  	v4 =	vor.u32 s3, v18;
	[tilespmem:$0x10F0] =	vst v57  }
0xab: {  	[tilespmem:s9], [sflag:$0x1] =	stream.indirect.gather [hbm4b:s0+s8], $0x80, s12, s8, $0xb8;
	[tilespmem:$0x9580] =	vst v63  }
0xac: {  	v59 =	vor.u32 s3, v21  }
0xad: {  	v60 =	vor.u32 s3, v22;
	[tilespmem:s11], [sflag:$0x2] =	stream.indirect.gather [hbm4b:s0+s8], $0x80, s10, s8, $0xb8;
	[tilespmem:$0x9580] =	vst v63  }
0xae: {  	v61 =	vor.u32 s3, v23;
	v58 =	vld.idx.msk [tilespmem:v58+s12+$0x0], $0xffff  }
0xaf: {  	v62 =	vor.u32 s3, v24;
	v57 =	vld.idx.msk [tilespmem:v4+s12+$0x0], $0xffff  }
0xb0: {  	v63 =	vor.u32 s3, v25;
	v5 =	vld [tilespmem:s12+$0x0]  }
0xb1: {  	v59 =	vld.idx.msk [tilespmem:v59+s12+$0x0], $0xffff  }
0xb2: {  	v60 =	vld.idx.msk [tilespmem:v60+s12+$0x0], $0xffff  }
0xb3: {  	v61 =	vld.idx.msk [tilespmem:v61+s12+$0x0], $0xffff  }
0xb4: {  	v62 =	vld.idx.msk [tilespmem:v62+s12+$0x0], $0xffff  }
0xb5: {  	v63 =	vld.idx.msk [tilespmem:v63+s12+$0x0], $0xffff;
	vm0 =	veq.s32 v58, v5;
	vm1 =	veq.s32 v57, v5  }
0xb6: {  	vm4 =	veq.s32 v59, v5;
	v6 =	vsel vm0, $0x2, v17;
	v7 =	vsel vm1, $0x1, v19  }
0xb7: {  	vm5 =	veq.s32 v60, v5;
	v8 =	vsel vm4, $0x1, v19;
	v57 =	vadd.s32 v7, v6  }
0xb8: {  	vm6 =	veq.s32 v61, v5;
	v9 =	vsel vm5, $0x1, v19;
	v57 =	vadd.s32 v8, v57  }
0xb9: {  	vm7 =	veq.s32 v62, v5;
	v10 =	vsel vm6, $0x1, v19;
	v57 =	vadd.s32 v9, v57  }
0xba: {  	s20 =	simm.s32 $0x10;
	vm8 =	veq.s32 v63, v5;
	v11 =	vsel vm7, $0x1, v19;
	v57 =	vadd.s32 v10, v57  }
0xbb: {  	v14 =	vor.u32 s20, v16;
	v13 =	vsel vm8, $0x1, v19;
	v12 =	vadd.s32 v11, v57  }
0xbc: {  	v30 =	vor.u32 s20, v18;
	v0 =	vadd.s32 v13, v12  }
0xbd: {  	v0 =	vcvt.s32.f32 v0  }
0xbe: {  	s18 =	simm.s32 $0x9380;
	v31 =	vor.u32 s20, v21  }
0xbf: {  	v32 =	vor.u32 s20, v22;
	[tilespmem:s18+$0x0] =	vst v0  }
0xc0: {  	v33 =	vor.u32 s20, v23;
	v58 =	vld.idx.msk [tilespmem:v14+s12+$0x0], $0xffff  }
0xc1: {  	s19 =	simm.s32 $0x1010;
	v34 =	vor.u32 s20, v24;
	v57 =	vld.idx.msk [tilespmem:v30+s12+$0x0], $0xffff  }
0xc2: {  	v35 =	vor.u32 s20, v25;
	v36 =	vld [tilespmem:s19+$0x0]  }
0xc3: {  	v59 =	vld.idx.msk [tilespmem:v31+s12+$0x0], $0xffff  }
0xc4: {  	v60 =	vld.idx.msk [tilespmem:v32+s12+$0x0], $0xffff  }
0xc5: {  	v0 =	vld.idx.msk [tilespmem:v33+s12+$0x0], $0xffff  }
0xc6: {  	v61 =	vld.idx.msk [tilespmem:v34+s12+$0x0], $0xffff  }
0xc7: {  	v62 =	vld.idx.msk [tilespmem:v35+s12+$0x0], $0xffff;
	vm9 =	veq.s32 v58, v36;
	vm10 =	veq.s32 v57, v36  }
0xc8: {  	vm11 =	veq.s32 v59, v36;
	v37 =	vsel vm9, $0x2, v17;
	v38 =	vsel vm10, $0x1, v19  }
0xc9: {  	vm12 =	veq.s32 v60, v36;
	v39 =	vsel vm11, $0x1, v19;
	v57 =	vadd.s32 v38, v37  }
0xca: {  	vm13 =	veq.s32 v0, v36;
	v40 =	vsel vm12, $0x1, v19;
	v57 =	vadd.s32 v39, v57  }
0xcb: {  	vm14 =	veq.s32 v61, v36;
	v60 =	vsel vm13, $0x1, v19;
	v46 =	vadd.s32 v40, v57  }
0xcc: {  	s20 =	simm.s32 $0x20;
	vm15 =	veq.s32 v62, v36;
	v61 =	vsel vm14, $0x1, v19;
	v0 =	vadd.s32 v60, v46  }
0xcd: {  	v63 =	vsel vm15, $0x1, v19;
	v57 =	vor.u32 s20, v21;
	v0 =	vadd.s32 v61, v0  }
0xce: {  	v59 =	vor.u32 s20, v16;
	v0 =	vadd.s32 v63, v0  }
0xcf: {  	s21 =	simm.s32 $0x30;
	v58 =	vor.u32 s20, v18;
	v60 =	vcvt.s32.f32 v0  }
.LBB2_2:
0xd0: {  	p0 =	sne.s32 s21, $0xF0;
	s18 =	sadd.s32 $0x10, s18  }
0xd1: {  	v0 =	vor.u32 s20, v22;
	[tilespmem:s18+$0x0] =	vst v60  }
0xd2: {  	v60 =	vor.u32 s20, v23;
	v57 =	vld.idx.msk [tilespmem:v57+s12+$0x0], $0xffff  }
0xd3: {  	v61 =	vor.u32 s20, v24;
	v59 =	vld.idx.msk [tilespmem:v59+s12+$0x0], $0xffff  }
0xd4: {  	v62 =	vor.u32 s20, v25;
	s19 =	sadd.s32 $0x10, s19;
	s20 =	smov.u32 s21;
	v58 =	vld.idx.msk [tilespmem:v58+s12+$0x0], $0xffff  }
0xd5: {  	v63 =	vld [tilespmem:s19+$0x0]  }
0xd6: {  	v0 =	vld.idx.msk [tilespmem:v0+s12+$0x0], $0xffff  }
0xd7: {  	v60 =	vld.idx.msk [tilespmem:v60+s12+$0x0], $0xffff  }
0xd8: {  	v61 =	vld.idx.msk [tilespmem:v61+s12+$0x0], $0xffff  }
0xd9: {  	v62 =	vld.idx.msk [tilespmem:v62+s12+$0x0], $0xffff  }
0xda: {  	vm0 =	veq.s32 v59, v63;
	vm1 =	veq.s32 v58, v63  }
0xdb: {  	v58 =	vsel vm0, $0x2, v17;
	v59 =	vsel vm1, $0x1, v19;
	vm0 =	veq.s32 v57, v63  }
0xdc: {  	v57 =	vadd.s32 v59, v58;
	v58 =	vsel vm0, $0x1, v19;
	vm0 =	veq.s32 v0, v63  }
0xdd: {  	v0 =	vadd.s32 v58, v57;
	v57 =	vsel vm0, $0x1, v19;
	vm0 =	veq.s32 v60, v63  }
.Ltmp0:
0xde: {  	v0 =	vadd.s32 v57, v0;
	v57 =	vsel vm0, $0x1, v19;
	vm0 =	veq.s32 v61, v63;
	(pc) =	sbr.rel @p0 .LBB2_2-.Ltmp0, $4  }
0xdf: {  	v0 =	vadd.s32 v57, v0;
	v58 =	vsel vm0, $0x1, v19;
	vm0 =	veq.s32 v62, v63  }
0xe0: {  	v57 =	vor.u32 s21, v21;
	v0 =	vadd.s32 v58, v0;
	v58 =	vsel vm0, $0x1, v19  }
0xe1: {  	v59 =	vor.u32 s21, v16;
	v0 =	vadd.s32 v58, v0  }
0xe2: {  	s21 =	sadd.s32 $0x10, s21;
	v58 =	vor.u32 s20, v18;
	v60 =	vcvt.s32.f32 v0  }
0xe3: {  	_ =	sdelay $0x1  }
0xe4: {  	s18 =	sadd.s32 $0x10, s18  }
0xe5: {  	v0 =	vor.u32 s20, v22;
	[tilespmem:s18+$0x0] =	vst v60  }
0xe6: {  	v35 =	vor.u32 s20, v23;
	v59 =	vld.idx.msk [tilespmem:v59+s12+$0x0], $0xffff  }
0xe7: {  	v61 =	vor.u32 s20, v24;
	s19 =	sadd.s32 $0x10, s19;
	v58 =	vld.idx.msk [tilespmem:v58+s12+$0x0], $0xffff  }
0xe8: {  	v62 =	vor.u32 s20, v25;
	v63 =	vld [tilespmem:s19+$0x0]  }
0xe9: {  	v57 =	vld.idx.msk [tilespmem:v57+s12+$0x0], $0xffff  }
0xea: {  	v0 =	vld.idx.msk [tilespmem:v0+s12+$0x0], $0xffff  }
0xeb: {  	v60 =	vld.idx.msk [tilespmem:v35+s12+$0x0], $0xffff  }
0xec: {  	v61 =	vld.idx.msk [tilespmem:v61+s12+$0x0], $0xffff  }
0xed: {  	v62 =	vld.idx.msk [tilespmem:v62+s12+$0x0], $0xffff;
	vm0 =	veq.s32 v59, v63;
	vm1 =	veq.s32 v58, v63  }
0xee: {  	vm11 =	veq.s32 v57, v63;
	v36 =	vsel vm0, $0x2, v17;
	v37 =	vsel vm1, $0x1, v19  }
0xef: {  	v39 =	vsel vm11, $0x1, v19;
	v38 =	vadd.s32 v37, v36;
	vm12 =	veq.s32 v0, v63  }
0xf0: {  	v40 =	vadd.s32 v39, v38;
	vm13 =	veq.s32 v60, v63;
	v46 =	vsel vm12, $0x1, v19  }
0xf1: {  	vm14 =	veq.s32 v61, v63;
	v60 =	vsel vm13, $0x1, v19;
	v0 =	vadd.s32 v46, v40  }
0xf2: {  	vm15 =	veq.s32 v62, v63;
	v61 =	vsel vm14, $0x1, v19;
	v0 =	vadd.s32 v60, v0  }
0xf3: {  	v63 =	vsel vm15, $0x1, v19;
	v0 =	vadd.s32 v61, v0  }
0xf4: {  	v0 =	vadd.s32 v63, v0  }
0xf5: {  	v0 =	vcvt.s32.f32 v0  }
0xf6: {  	s18 =	sadd.s32 $0x10, s18  }
0xf7: {  	[tilespmem:s18+$0x0] =	vst v0  }
0xf8: {  	_ =	swait.ge [sflag:s13], $0x4000  }
0xf9: {  	[sflag:s13] =	ssyncset.done $0x0  }
0xfa: {  	[sflag:s13] =	ssyncadd.s32 $0xFFFFC000  }
0xfb: {  	_ =	swait.ge [sflag:s14], $0x4000  }
0xfc: {  	[sflag:s14] =	ssyncset.done $0x0  }
0xfd: {  	s19 =	simm.s32 $0x1500;
	s18 =	simm.s32 $0x0;
	[sflag:s14] =	ssyncadd.s32 $0xFFFFC000  }
.LBB2_4:
0xfe: {  	v0 =	vld [tilespmem:s19+$0xFFFFFC00]  }
0xff: {  	v57 =	vld [tilespmem:s19+$0xFFFFFC80]  }
0x100: {  	v58 =	vld [tilespmem:s19+$0xFFFFFD00]  }
0x101: {  	v59 =	vld [tilespmem:s19+$0xFFFFFD80]  }
0x102: {  	v60 =	vld [tilespmem:s19+$0xFFFFFE00]  }
0x103: {  	v61 =	vld [tilespmem:s19+$0xFFFFFE80]  }
0x104: {  	v62 =	vld [tilespmem:s19+$0xFFFFFF00]  }
0x105: {  	v63 =	vld [tilespmem:s19+$0xFFFFFF80];
	_ =	sdelay $0x1  }
0x106: {  	v1 =	vld [tilespmem:s19+$0xFFFFFC10]  }
0x107: {  	v4 =	vld [tilespmem:s19+$0xFFFFFC90]  }
0x108: {  	v7 =	vld [tilespmem:s19+$0xFFFFFD10];
	v2 =	vadd.f32 v57, v0;
	v3 =	vadd.f32 v59, v58  }
0x109: {  	v8 =	vld [tilespmem:s19+$0xFFFFFD90];
	v5 =	vadd.f32 v61, v60;
	v6 =	vadd.f32 v63, v62  }
0x10a: {  	v9 =	vld [tilespmem:s19+$0xFFFFFF90]  }
0x10b: {  	v2 =	vadd.f32 v3, v2;
	v38 =	vadd.f32 v6, v5;
	v5 =	vld [tilespmem:s19+$0xFFFFFE10]  }
0x10c: {  	v6 =	vld [tilespmem:s19+$0xFFFFFE90]  }
0x10d: {  	v3 =	vld [tilespmem:s19+$0xFFFFFF10];
	v2 =	vadd.f32 v38, v2;
	_ =	sdelay $0x1  }
0x10e: {  	v10 =	vmul.f32 v2, v0  }
0x10f: {  	v12 =	vadd.f32 v4, v1;
	v11 =	vmul.f32 v2, v57;
	v0 =	vmul.f32 v0, v0  }
0x110: {  	v13 =	vadd.f32 v8, v7;
	v57 =	vmul.f32 v57, v57;
	v26 =	vmul.f32 v2, v58  }
0x111: {  	v58 =	vmul.f32 v58, v58;
	v14 =	vadd.f32 v6, v5;
	v15 =	vadd.f32 v9, v3  }
0x112: {  	v12 =	vadd.f32 v13, v12;
	v28 =	vmul.f32 v2, v60;
	v60 =	vmul.f32 v60, v60  }
0x113: {  	v29 =	vmul.f32 v2, v61;
	v30 =	vmul.f32 v2, v62;
	v39 =	vadd.f32 v15, v14  }
0x114: {  	v61 =	vmul.f32 v61, v61;
	v10 =	vadd.f32 $0.0e+00, v10;
	v11 =	vadd.f32 $0.0e+00, v11  }
0x115: {  	v46 =	vmovc v27;
	v27 =	vld [tilespmem:s19+$0xFFFFFCA0];
	v15 =	vadd.f32 $0.0e+00, v26;
	v26 =	vmul.f32 v2, v59;
	v12 =	vadd.f32 v39, v12  }
0x116: {  	v33 =	vld [tilespmem:s19+$0xFFFFFE20];
	v28 =	vadd.f32 $0.0e+00, v28;
	v59 =	vmul.f32 v59, v59;
	v2 =	vmul.f32 v2, v63  }
0x117: {  	v34 =	vld [tilespmem:s19+$0xFFFFFEA0];
	v29 =	vadd.f32 $0.0e+00, v29;
	v32 =	vmul.f32 v12, v1;
	v1 =	vmul.f32 v1, v1  }
0x118: {  	v35 =	vld [tilespmem:s19+$0xFFFFFF20];
	v30 =	vadd.f32 $0.0e+00, v30;
	v40 =	vmul.f32 v12, v7;
	v7 =	vmul.f32 v7, v7  }
0x119: {  	v36 =	vld [tilespmem:s19+$0xFFFFFFA0];
	v26 =	vadd.f32 $0.0e+00, v26;
	v39 =	vmul.f32 v12, v8;
	v8 =	vmul.f32 v8, v8  }
0x11a: {  	v31 =	vld [tilespmem:s19+$0xFFFFFDA0];
	v2 =	vadd.f32 $0.0e+00, v2;
	v37 =	vmul.f32 v12, v6;
	v6 =	vmul.f32 v6, v6  }
0x11b: {  	v13 =	vld [tilespmem:s19+$0xFFFFFD20];
	v10 =	vadd.f32 v32, v10;
	v32 =	vmul.f32 v12, v4;
	v0 =	vadd.f32 v1, v0  }
0x11c: {  	v14 =	vld [tilespmem:s19+$0xFFFFFC20];
	v1 =	vmul.f32 v4, v4;
	v4 =	vadd.f32 v40, v15;
	v7 =	vadd.f32 v7, v58  }
0x11d: {  	v15 =	vmul.f32 v62, v62;
	v26 =	vadd.f32 v39, v26;
	v62 =	vadd.f32 v34, v33  }
0x11e: {  	v58 =	vmul.f32 v63, v63;
	v63 =	vadd.f32 v36, v35;
	v8 =	vadd.f32 v8, v59  }
0x11f: {  	v40 =	vmul.f32 v12, v5;
	v29 =	vadd.f32 v37, v29;
	v6 =	vadd.f32 v6, v61  }
0x120: {  	v5 =	vmul.f32 v5, v5;
	v11 =	vadd.f32 v32, v11;
	v1 =	vadd.f32 v1, v57  }
0x121: {  	v32 =	vadd.f32 v27, v14;
	v57 =	vadd.f32 v31, v13  }
0x122: {  	v38 =	vmul.f32 v31, v31;
	v28 =	vadd.f32 v40, v28;
	v5 =	vadd.f32 v5, v60  }
0x123: {  	v59 =	vld [tilespmem:s19+$0xFFFFFCB0];
	v40 =	vmul.f32 v12, v3;
	v32 =	vadd.f32 v57, v32;
	v57 =	vadd.f32 v63, v62  }
0x124: {  	v61 =	vld [tilespmem:s19+$0xFFFFFE30];
	v3 =	vmul.f32 v3, v3;
	v12 =	vmul.f32 v12, v9;
	v8 =	vadd.f32 v38, v8  }
0x125: {  	v60 =	vld [tilespmem:s19+$0xFFFFFDB0];
	v9 =	vmul.f32 v9, v9;
	v30 =	vadd.f32 v40, v30;
	v32 =	vadd.f32 v57, v32  }
0x126: {  	v62 =	vld [tilespmem:s19+$0xFFFFFC30];
	v3 =	vadd.f32 v3, v15;
	v2 =	vadd.f32 v12, v2;
	v40 =	vmul.f32 v14, v14  }
0x127: {  	v9 =	vadd.f32 v9, v58;
	v63 =	vmul.f32 v27, v27;
	v58 =	vld [tilespmem:s19+$0xFFFFFFB0];
	v37 =	vmul.f32 v32, v14  }
0x128: {  	v57 =	vld [tilespmem:s19+$0xFFFFFD30];
	v0 =	vadd.f32 v40, v0;
	v15 =	vmul.f32 v32, v27;
	v27 =	vmul.f32 v32, v13  }
0x129: {  	v1 =	vadd.f32 v63, v1;
	v14 =	vld [tilespmem:s19+$0xFFFFFEB0];
	v13 =	vmul.f32 v13, v13;
	v40 =	vmul.f32 v32, v33  }
0x12a: {  	v33 =	vmul.f32 v33, v33;
	v10 =	vadd.f32 v37, v10;
	v37 =	vld [tilespmem:s19+$0xFFFFFF30];
	v11 =	vadd.f32 v15, v11  }
0x12b: {  	v15 =	vmul.f32 v32, v31;
	v4 =	vadd.f32 v27, v4;
	v7 =	vadd.f32 v13, v7  }
0x12c: {  	v13 =	vadd.f32 v40, v28;
	v5 =	vadd.f32 v33, v5;
	v28 =	vmul.f32 v34, v34  }
0x12d: {  	v38 =	vmul.f32 v32, v34;
	v12 =	vadd.f32 v15, v26;
	v15 =	vadd.f32 v59, v62  }
0x12e: {  	v26 =	vadd.f32 v60, v57;
	v6 =	vadd.f32 v28, v6;
	v28 =	vmul.f32 v35, v35  }
0x12f: {  	v27 =	vadd.f32 v14, v61;
	v39 =	vadd.f32 v58, v37  }
0x130: {  	v29 =	vadd.f32 v38, v29;
	v3 =	vadd.f32 v28, v3;
	v28 =	vmul.f32 v62, v62  }
0x131: {  	v31 =	vld [tilespmem:s19+$0xFFFFFCC0];
	v15 =	vadd.f32 v26, v15;
	v26 =	vadd.f32 v39, v27  }
0x132: {  	v40 =	vmul.f32 v36, v36;
	v0 =	vadd.f32 v28, v0;
	v28 =	vmul.f32 v59, v59;
	v27 =	vld [tilespmem:s19+$0xFFFFFC40]  }
0x133: {  	v34 =	vld [tilespmem:s19+$0xFFFFFDC0];
	v39 =	vmul.f32 v32, v35;
	v32 =	vmul.f32 v32, v36;
	v15 =	vadd.f32 v26, v15  }
0x134: {  	v9 =	vadd.f32 v40, v9;
	v36 =	vld [tilespmem:s19+$0xFFFFFE40];
	v1 =	vadd.f32 v28, v1;
	v28 =	vmul.f32 v60, v60  }
0x135: {  	v26 =	vld [tilespmem:s19+$0xFFFFFD40];
	v30 =	vadd.f32 v39, v30;
	v2 =	vadd.f32 v32, v2;
	v63 =	vmul.f32 v15, v62  }
0x136: {  	v32 =	vld [tilespmem:s19+$0xFFFFFEC0];
	v8 =	vadd.f32 v28, v8;
	v39 =	vmul.f32 v15, v59;
	v40 =	vmul.f32 v15, v57  }
0x137: {  	v35 =	vld [tilespmem:s19+$0xFFFFFF40];
	v38 =	vmul.f32 v15, v60;
	v28 =	vmul.f32 v15, v61;
	v33 =	vadd.f32 v31, v27  }
0x138: {  	v62 =	vld [tilespmem:s19+$0xFFFFFFC0];
	v61 =	vmul.f32 v61, v61;
	v10 =	vadd.f32 v63, v10;
	v11 =	vadd.f32 v39, v11  }
0x139: {  	v63 =	vmul.f32 v57, v57;
	v4 =	vadd.f32 v40, v4;
	v12 =	vadd.f32 v38, v12  }
0x13a: {  	v38 =	vmul.f32 v15, v14;
	v13 =	vadd.f32 v28, v13;
	v5 =	vadd.f32 v61, v5  }
0x13b: {  	v14 =	vmul.f32 v14, v14;
	v57 =	vadd.f32 v34, v26;
	v39 =	vadd.f32 v32, v36  }
0x13c: {  	v59 =	vld [tilespmem:s19+$0xFFFFFC50];
	v7 =	vadd.f32 v63, v7;
	v29 =	vadd.f32 v38, v29  }
0x13d: {  	v60 =	vld [tilespmem:s19+$0xFFFFFFD0];
	v6 =	vadd.f32 v14, v6;
	v14 =	vmul.f32 v37, v37;
	v40 =	vadd.f32 v62, v35  }
0x13e: {  	v63 =	vmul.f32 v27, v27;
	v38 =	vmul.f32 v31, v31;
	v33 =	vadd.f32 v57, v33;
	v57 =	vld [tilespmem:s19+$0xFFFFFD50]  }
0x13f: {  	v39 =	vadd.f32 v40, v39;
	v40 =	vmul.f32 v15, v37;
	v15 =	vmul.f32 v15, v58;
	v37 =	vld [tilespmem:s19+$0xFFFFFDD0]  }
0x140: {  	v61 =	vld [tilespmem:s19+$0xFFFFFE50];
	v3 =	vadd.f32 v14, v3;
	v0 =	vadd.f32 v63, v0;
	v58 =	vmul.f32 v58, v58  }
0x141: {  	v33 =	vadd.f32 v39, v33;
	v2 =	vadd.f32 v15, v2;
	v15 =	vld [tilespmem:s19+$0xFFFFFED0]  }
0x142: {  	v1 =	vadd.f32 v38, v1;
	v9 =	vadd.f32 v58, v9;
	v58 =	vld [tilespmem:s19+$0xFFFFFF50]  }
0x143: {  	v28 =	vld [tilespmem:s19+$0xFFFFFCD0];
	v30 =	vadd.f32 v40, v30;
	v40 =	vmul.f32 v33, v27;
	v27 =	vmul.f32 v33, v31  }
0x144: {  	v39 =	vmul.f32 v33, v26;
	v26 =	vmul.f32 v26, v26;
	v31 =	vadd.f32 v37, v57  }
0x145: {  	v10 =	vadd.f32 v40, v10;
	v11 =	vadd.f32 v27, v11;
	v27 =	vmul.f32 v33, v34  }
0x146: {  	v4 =	vadd.f32 v39, v4;
	v7 =	vadd.f32 v26, v7;
	v40 =	vmul.f32 v34, v34  }
0x147: {  	v26 =	vmul.f32 v33, v36;
	v38 =	vadd.f32 v15, v61;
	v39 =	vadd.f32 v60, v58  }
0x148: {  	v12 =	vadd.f32 v27, v12;
	v27 =	vadd.f32 v28, v59  }
0x149: {  	v8 =	vadd.f32 v40, v8;
	v13 =	vadd.f32 v26, v13;
	v40 =	vmul.f32 v36, v36  }
0x14a: {  	v26 =	vmul.f32 v33, v32;
	v36 =	vadd.f32 v39, v38;
	v38 =	vmul.f32 v32, v32  }
0x14b: {  	v39 =	vmul.f32 v33, v35;
	v27 =	vadd.f32 v31, v27;
	v5 =	vadd.f32 v40, v5  }
0x14c: {  	v34 =	vld [tilespmem:s19+$0xFFFFFC60];
	v26 =	vadd.f32 v26, v29;
	v29 =	vmul.f32 v35, v35;
	v40 =	vmul.f32 v33, v62  }
0x14d: {  	v31 =	vld [tilespmem:s19+$0xFFFFFCE0];
	v14 =	vadd.f32 v39, v30;
	v30 =	vmul.f32 v37, v37;
	v27 =	vadd.f32 v36, v27  }
0x14e: {  	v20 =	vld [tilespmem:s19+$0xFFFFFE70];
	v3 =	vadd.f32 v29, v3;
	v29 =	vmul.f32 v62, v62;
	v2 =	vadd.f32 v40, v2  }
0x14f: {  	v32 =	vld [tilespmem:s19+$0xFFFFFD60];
	v40 =	vmul.f32 v59, v59;
	v8 =	vadd.f32 v30, v8;
	v30 =	vmul.f32 v61, v61  }
0x150: {  	v35 =	vld [tilespmem:s19+$0xFFFFFDE0];
	v6 =	vadd.f32 v38, v6;
	v63 =	vmul.f32 v27, v59;
	v62 =	vmul.f32 v27, v28  }
0x151: {  	v33 =	vld [tilespmem:s19+$0xFFFFFF60];
	v9 =	vadd.f32 v29, v9;
	v28 =	vmul.f32 v28, v28;
	v0 =	vadd.f32 v40, v0  }
0x152: {  	v59 =	vld [tilespmem:s19+$0xFFFFFE60];
	v36 =	vmul.f32 v27, v37;
	v40 =	vmul.f32 v27, v61;
	v61 =	vadd.f32 v31, v34  }
0x153: {  	v29 =	vld [tilespmem:s19+$0xFFFFFEE0];
	v37 =	vmul.f32 v27, v15;
	v5 =	vadd.f32 v30, v5;
	v10 =	vadd.f32 v63, v10  }
0x154: {  	v63 =	vmul.f32 v27, v57;
	v1 =	vadd.f32 v28, v1;
	v28 =	vmul.f32 v57, v57;
	v57 =	vld [tilespmem:s19+$0xFFFFFFE0]  }
0x155: {  	v38 =	vld [tilespmem:s19+$0xFFFFFDF0];
	v15 =	vmul.f32 v15, v15;
	v11 =	vadd.f32 v62, v11;
	v12 =	vadd.f32 v36, v12  }
0x156: {  	v30 =	vld [tilespmem:s19+$0xFFFFFEF0];
	v13 =	vadd.f32 v40, v13;
	v26 =	vadd.f32 v37, v26  }
0x157: {  	v62 =	vld [tilespmem:s19+$0xFFFFFC70];
	v6 =	vadd.f32 v15, v6;
	v15 =	vmul.f32 v27, v58;
	v4 =	vadd.f32 v63, v4  }
0x158: {  	v36 =	vld [tilespmem:s19+$0xFFFFFD70];
	v27 =	vmul.f32 v27, v60;
	v7 =	vadd.f32 v28, v7;
	v63 =	vadd.f32 v35, v32  }
0x159: {  	v58 =	vmul.f32 v58, v58;
	v28 =	vld [tilespmem:s19+$0xFFFFFCF0];
	v39 =	vadd.f32 v29, v59;
	v40 =	vadd.f32 v57, v33  }
0x15a: {  	v2 =	vadd.f32 v27, v2;
	v27 =	vmul.f32 v34, v34;
	v37 =	vadd.f32 v63, v61;
	v61 =	vld [tilespmem:s19+$0xFFFFFFF0]  }
0x15b: {  	v60 =	vmul.f32 v60, v60;
	v14 =	vadd.f32 v15, v14;
	v39 =	vadd.f32 v40, v39;
	v40 =	vld [tilespmem:s19+$0xFFFFFF70]  }
0x15c: {  	v3 =	vadd.f32 v58, v3;
	v0 =	vadd.f32 v27, v0;
	v27 =	vmul.f32 v31, v31  }
0x15d: {  	v9 =	vadd.f32 v60, v9;
	v63 =	vmul.f32 v62, v62;
	v37 =	vadd.f32 v39, v37  }
0x15e: {  	v58 =	vadd.f32 v30, v20;
	v1 =	vadd.f32 v27, v1  }
0x15f: {  	v0 =	vadd.f32 v63, v0;
	v39 =	vadd.f32 v38, v36;
	v15 =	vmul.f32 v37, v34  }
0x160: {  	v34 =	vadd.f32 v28, v62;
	v60 =	vadd.f32 v61, v40  }
0x161: {  	v27 =	vmul.f32 v37, v35;
	v10 =	vadd.f32 v15, v10;
	v15 =	vmul.f32 v37, v31  }
0x162: {  	v39 =	vadd.f32 v39, v34;
	v58 =	vadd.f32 v60, v58  }
0x163: {  	v12 =	vadd.f32 v27, v12;
	v11 =	vadd.f32 v15, v11;
	v15 =	vmul.f32 v37, v32  }
0x164: {  	v27 =	vmul.f32 v37, v59;
	v34 =	vmul.f32 v30, v30;
	v31 =	vadd.f32 v58, v39  }
0x165: {  	v32 =	vmul.f32 v32, v32;
	v4 =	vadd.f32 v15, v4;
	v15 =	vmul.f32 v35, v35  }
0x166: {  	v13 =	vadd.f32 v27, v13;
	v39 =	vmul.f32 v37, v33;
	v60 =	vmul.f32 v31, v62  }
0x167: {  	v7 =	vadd.f32 v32, v7;
	v27 =	vmul.f32 v31, v28;
	v8 =	vadd.f32 v15, v8  }
0x168: {  	v15 =	vmul.f32 v59, v59;
	v59 =	vmul.f32 v31, v20;
	v10 =	vadd.f32 v60, v10  }
0x169: {  	[tilespmem:$0x9210] =	vst v0;
	v35 =	vmul.f32 v29, v29;
	v11 =	vadd.f32 v27, v11;
	v27 =	vmul.f32 v31, v36  }
0x16a: {  	v5 =	vadd.f32 v15, v5;
	v15 =	vmul.f32 v28, v28;
	v63 =	vadd.f32 v59, v13;
	[tilespmem:$0x9100] =	vst v10  }
0x16b: {  	v62 =	vmul.f32 v20, v20;
	v28 =	vmul.f32 v37, v29;
	v4 =	vadd.f32 v27, v4;
	[tilespmem:$0x9111] =	vst v11  }
0x16c: {  	v6 =	vadd.f32 v35, v6;
	v60 =	vmul.f32 v33, v33;
	v1 =	vadd.f32 v15, v1;
	[tilespmem:$0x9144] =	vst v63  }
0x16d: {  	v15 =	vmul.f32 v36, v36;
	v36 =	vadd.f32 v28, v26;
	v33 =	vadd.f32 v62, v5;
	[tilespmem:$0x9122] =	vst v4  }
0x16e: {  	v26 =	vmul.f32 v31, v38;
	v38 =	vmul.f32 v38, v38;
	v5 =	vadd.f32 v34, v6;
	[tilespmem:$0x9221] =	vst v1  }
0x16f: {  	v32 =	vmul.f32 v31, v30;
	v7 =	vadd.f32 v15, v7;
	[tilespmem:$0x9254] =	vst v33  }
0x170: {  	v35 =	vmul.f32 v37, v57;
	v58 =	vadd.f32 v26, v12;
	v8 =	vadd.f32 v38, v8;
	[tilespmem:$0x9265] =	vst v5  }
0x171: {  	v1 =	vadd.f32 v39, v14;
	v0 =	vadd.f32 v32, v36;
	v36 =	vmul.f32 v31, v40;
	[tilespmem:$0x9232] =	vst v7  }
0x172: {  	v37 =	vmul.f32 v57, v57;
	v3 =	vadd.f32 v60, v3;
	v38 =	vmul.f32 v40, v40;
	[tilespmem:$0x9133] =	vst v58  }
0x173: {  	v2 =	vadd.f32 v35, v2;
	v39 =	vmul.f32 v31, v61;
	[tilespmem:$0x9243] =	vst v8;
	v1 =	vadd.f32 v36, v1  }
0x174: {  	v57 =	vmul.f32 v61, v61;
	v40 =	vadd.f32 v37, v9;
	[tilespmem:$0x9155] =	vst v0;
	v3 =	vadd.f32 v38, v3  }
0x175: {  	v2 =	vadd.f32 v39, v2;
	[tilespmem:$0x9166] =	vst v1  }
0x176: {  	v0 =	vadd.f32 v57, v40;
	[tilespmem:$0x9276] =	vst v3  }
0x177: {  	[tilespmem:$0x9177] =	vst v2  }
0x178: {  	[tilespmem:$0x9287] =	vst v0  }
0x179: {  	v0 =	vld [tilespmem:s19+$0x0]  }
0x17a: {  	v1 =	vld [tilespmem:s19+$0x80]  }
0x17b: {  	v2 =	vld [tilespmem:s19+$0x100]  }
0x17c: {  	v3 =	vld [tilespmem:s19+$0x180]  }
0x17d: {  	v58 =	vld [tilespmem:s19+$0x200]  }
0x17e: {  	v5 =	vld [tilespmem:s19+$0x280]  }
0x17f: {  	v6 =	vld [tilespmem:s19+$0x300]  }
0x180: {  	v7 =	vld [tilespmem:s19+$0x380]  }
0x181: {  	v8 =	vld [tilespmem:s19+$0x10]  }
0x182: {  	v11 =	vld [tilespmem:s19+$0x90]  }
0x183: {  	v63 =	vld [tilespmem:s19+$0x110]  }
0x184: {  	v15 =	vld [tilespmem:s19+$0x190]  }
0x185: {  	v12 =	vld [tilespmem:s19+$0x210]  }
0x186: {  	v13 =	vld [tilespmem:s19+$0x290];
	v59 =	vadd.f32 v1, v0;
	v60 =	vadd.f32 v3, v2  }
0x187: {  	v10 =	vld [tilespmem:s19+$0x310];
	v61 =	vadd.f32 v5, v58;
	v62 =	vadd.f32 v7, v6  }
0x188: {  	v20 =	vld [tilespmem:s19+$0x390]  }
0x189: {  	v9 =	vadd.f32 v60, v59;
	v35 =	vadd.f32 v62, v61  }
0x18a: {  	v28 =	vadd.f32 v11, v8  }
0x18b: {  	v29 =	vadd.f32 v15, v63;
	v4 =	vmul.f32 v58, v58;
	v9 =	vadd.f32 v35, v9  }
0x18c: {  	v36 =	vadd.f32 v13, v12;
	v14 =	vmul.f32 v63, v63;
	v61 =	vmul.f32 v11, v11  }
0x18d: {  	v37 =	vadd.f32 v20, v10;
	v26 =	vmul.f32 v9, v0;
	v27 =	vmul.f32 v9, v1  }
0x18e: {  	v28 =	vadd.f32 v29, v28;
	v0 =	vmul.f32 v0, v0;
	v1 =	vmul.f32 v1, v1  }
0x18f: {  	v29 =	vadd.f32 v37, v36;
	v38 =	vmul.f32 v9, v2;
	v2 =	vmul.f32 v2, v2  }
0x190: {  	v39 =	vmul.f32 v9, v3;
	v3 =	vmul.f32 v3, v3  }
0x191: {  	v28 =	vadd.f32 v29, v28;
	v40 =	vmul.f32 v9, v58;
	v57 =	vmul.f32 v9, v5  }
0x192: {  	v30 =	vld [tilespmem:s19+$0x20];
	v58 =	vmul.f32 v9, v6;
	v9 =	vmul.f32 v9, v7  }
0x193: {  	v33 =	vld [tilespmem:s19+$0xA0];
	v59 =	vmul.f32 v28, v8;
	v26 =	vadd.f32 $0.0e+00, v26;
	v27 =	vadd.f32 $0.0e+00, v27  }
0x194: {  	v37 =	vld [tilespmem:s19+$0x1A0];
	v8 =	vmul.f32 v8, v8;
	v31 =	vadd.f32 $0.0e+00, v38;
	v32 =	vadd.f32 $0.0e+00, v39  }
0x195: {  	v29 =	vld [tilespmem:s19+$0x120];
	v60 =	vmul.f32 v28, v11;
	v34 =	vadd.f32 $0.0e+00, v40;
	v35 =	vadd.f32 $0.0e+00, v57  }
0x196: {  	v62 =	vmul.f32 v28, v63;
	v39 =	vld [tilespmem:s19+$0x220];
	v36 =	vadd.f32 $0.0e+00, v58;
	v9 =	vadd.f32 $0.0e+00, v9  }
0x197: {  	v63 =	vmul.f32 v28, v15;
	v40 =	vld [tilespmem:s19+$0x2A0];
	v0 =	vadd.f32 v8, v0;
	v1 =	vadd.f32 v61, v1  }
0x198: {  	v5 =	vmul.f32 v5, v5;
	v57 =	vld [tilespmem:s19+$0x320];
	v2 =	vadd.f32 v14, v2;
	v26 =	vadd.f32 v59, v26  }
0x199: {  	v6 =	vmul.f32 v6, v6;
	v58 =	vld [tilespmem:s19+$0x3A0];
	v27 =	vadd.f32 v60, v27;
	v8 =	vadd.f32 v62, v31  }
0x19a: {  	v59 =	vmul.f32 v15, v15;
	v15 =	vadd.f32 v33, v30;
	v31 =	vadd.f32 v37, v29  }
0x19b: {  	v11 =	vadd.f32 v63, v32;
	v62 =	vmul.f32 v28, v12;
	v12 =	vmul.f32 v12, v12  }
0x19c: {  	v7 =	vmul.f32 v7, v7;
	v3 =	vadd.f32 v59, v3;
	v15 =	vadd.f32 v31, v15  }
0x19d: {  	v63 =	vmul.f32 v28, v13;
	v14 =	vadd.f32 v62, v34;
	v4 =	vadd.f32 v12, v4  }
0x19e: {  	v62 =	vmul.f32 v28, v20;
	v60 =	vadd.f32 v40, v39;
	v61 =	vadd.f32 v58, v57  }
0x19f: {  	v34 =	vadd.f32 v63, v35;
	v20 =	vmul.f32 v20, v20;
	v59 =	vmul.f32 v30, v30  }
0x1a0: {  	v32 =	vld [tilespmem:s19+$0x30];
	v9 =	vadd.f32 v62, v9;
	v62 =	vmul.f32 v37, v37;
	v38 =	vadd.f32 v61, v60  }
0x1a1: {  	v7 =	vadd.f32 v20, v7;
	v60 =	vmul.f32 v13, v13;
	v61 =	vmul.f32 v28, v10;
	v28 =	vld [tilespmem:s19+$0x1B0]  }
0x1a2: {  	v12 =	vld [tilespmem:s19+$0x2B0];
	v0 =	vadd.f32 v59, v0;
	v10 =	vmul.f32 v10, v10;
	v15 =	vadd.f32 v38, v15  }
0x1a3: {  	v3 =	vadd.f32 v62, v3;
	v5 =	vadd.f32 v60, v5;
	v38 =	vld [tilespmem:s19+$0x230];
	v60 =	vmul.f32 v33, v33  }
0x1a4: {  	v35 =	vadd.f32 v61, v36;
	v6 =	vadd.f32 v10, v6;
	v36 =	vld [tilespmem:s19+$0x3B0];
	v63 =	vmul.f32 v15, v30  }
0x1a5: {  	v30 =	vld [tilespmem:s19+$0x330];
	v61 =	vmul.f32 v15, v29;
	v1 =	vadd.f32 v60, v1;
	v62 =	vmul.f32 v15, v40  }
0x1a6: {  	v31 =	vld [tilespmem:s19+$0x130];
	v59 =	vmul.f32 v28, v28;
	v20 =	vadd.f32 v63, v26;
	v26 =	vmul.f32 v15, v33  }
0x1a7: {  	v13 =	vld [tilespmem:s19+$0xB0];
	v8 =	vadd.f32 v61, v8;
	v61 =	vmul.f32 v15, v39;
	v34 =	vadd.f32 v62, v34  }
0x1a8: {  	v39 =	vmul.f32 v39, v39;
	v63 =	vadd.f32 v12, v38;
	v3 =	vadd.f32 v59, v3  }
0x1a9: {  	v26 =	vadd.f32 v26, v27;
	v27 =	vmul.f32 v29, v29;
	v29 =	vmul.f32 v15, v37  }
0x1aa: {  	v33 =	vld [tilespmem:s19+$0x40];
	v4 =	vadd.f32 v39, v4;
	v60 =	vadd.f32 v36, v30  }
0x1ab: {  	v62 =	vmul.f32 v58, v58;
	v37 =	vld [tilespmem:s19+$0xC0];
	v2 =	vadd.f32 v27, v2;
	v10 =	vadd.f32 v29, v11  }
0x1ac: {  	v27 =	vadd.f32 v13, v32;
	v29 =	vadd.f32 v28, v31  }
0x1ad: {  	v7 =	vadd.f32 v62, v7;
	v11 =	vadd.f32 v61, v14;
	v61 =	vmul.f32 v57, v57  }
0x1ae: {  	v39 =	vld [tilespmem:s19+$0x340];
	v59 =	vmul.f32 v30, v30;
	v27 =	vadd.f32 v29, v27;
	v29 =	vadd.f32 v60, v63  }
0x1af: {  	v63 =	vmul.f32 v40, v40;
	v60 =	vmul.f32 v15, v57;
	v40 =	vld [tilespmem:s19+$0x1C0];
	v6 =	vadd.f32 v61, v6  }
0x1b0: {  	v15 =	vmul.f32 v15, v58;
	v58 =	vld [tilespmem:s19+$0x240];
	v14 =	vadd.f32 v37, v33;
	v27 =	vadd.f32 v29, v27  }
0x1b1: {  	v57 =	vld [tilespmem:s19+$0x3C0];
	v5 =	vadd.f32 v63, v5;
	v35 =	vadd.f32 v60, v35  }
0x1b2: {  	v29 =	vld [tilespmem:s19+$0x140];
	v60 =	vmul.f32 v32, v32;
	v6 =	vadd.f32 v59, v6;
	v59 =	vmul.f32 v37, v37  }
0x1b3: {  	v9 =	vadd.f32 v15, v9;
	v15 =	vld [tilespmem:s19+$0x2C0];
	v63 =	vmul.f32 v27, v32;
	v61 =	vmul.f32 v27, v13  }
0x1b4: {  	v0 =	vadd.f32 v60, v0;
	v13 =	vmul.f32 v13, v13;
	v62 =	vmul.f32 v27, v31  }
0x1b5: {  	v31 =	vmul.f32 v31, v31;
	v20 =	vadd.f32 v63, v20;
	v26 =	vadd.f32 v61, v26  }
0x1b6: {  	v63 =	vmul.f32 v27, v28;
	v1 =	vadd.f32 v13, v1;
	v8 =	vadd.f32 v62, v8  }
0x1b7: {  	v2 =	vadd.f32 v31, v2;
	v61 =	vadd.f32 v57, v39;
	v62 =	vmul.f32 v27, v38  }
0x1b8: {  	v38 =	vmul.f32 v38, v38;
	v28 =	vadd.f32 v40, v29;
	v60 =	vadd.f32 v15, v58  }
0x1b9: {  	v10 =	vadd.f32 v63, v10;
	v63 =	vmul.f32 v27, v12;
	v11 =	vadd.f32 v62, v11  }
0x1ba: {  	v31 =	vld [tilespmem:s19+$0x50];
	v4 =	vadd.f32 v38, v4;
	v12 =	vmul.f32 v12, v12;
	v38 =	vmul.f32 v27, v30  }
0x1bb: {  	v13 =	vld [tilespmem:s19+$0xD0];
	v27 =	vmul.f32 v27, v36;
	v1 =	vadd.f32 v59, v1;
	v14 =	vadd.f32 v28, v14  }
0x1bc: {  	v30 =	vld [tilespmem:s19+$0x1D0];
	v62 =	vmul.f32 v33, v33;
	v28 =	vadd.f32 v61, v60;
	v32 =	vadd.f32 v63, v34  }
0x1bd: {  	v59 =	vmul.f32 v39, v39;
	v34 =	vadd.f32 v38, v35;
	v38 =	vld [tilespmem:s19+$0x250];
	v9 =	vadd.f32 v27, v9  }
0x1be: {  	v27 =	vld [tilespmem:s19+$0x2D0];
	v0 =	vadd.f32 v62, v0;
	v62 =	vmul.f32 v40, v40;
	v14 =	vadd.f32 v28, v14  }
0x1bf: {  	v60 =	vmul.f32 v36, v36;
	v5 =	vadd.f32 v12, v5;
	v35 =	vld [tilespmem:s19+$0x350];
	v6 =	vadd.f32 v59, v6  }
0x1c0: {  	v28 =	vld [tilespmem:s19+$0x150];
	v3 =	vadd.f32 v62, v3;
	v62 =	vmul.f32 v58, v58;
	v61 =	vmul.f32 v14, v33  }
0x1c1: {  	v7 =	vadd.f32 v60, v7;
	v63 =	vmul.f32 v14, v37;
	v60 =	vmul.f32 v14, v29;
	v37 =	vld [tilespmem:s19+$0x3D0]  }
0x1c2: {  	v29 =	vmul.f32 v29, v29;
	v33 =	vadd.f32 v13, v31;
	v4 =	vadd.f32 v62, v4  }
0x1c3: {  	v20 =	vadd.f32 v61, v20;
	v26 =	vadd.f32 v63, v26  }
0x1c4: {  	v61 =	vmul.f32 v14, v40;
	v8 =	vadd.f32 v60, v8;
	v2 =	vadd.f32 v29, v2  }
0x1c5: {  	v29 =	vmul.f32 v14, v58;
	v60 =	vadd.f32 v27, v38;
	v63 =	vadd.f32 v30, v28  }
0x1c6: {  	v58 =	vmul.f32 v15, v15;
	v10 =	vadd.f32 v61, v10;
	v61 =	vadd.f32 v37, v35  }
0x1c7: {  	v36 =	vld [tilespmem:s19+$0xE0];
	v11 =	vadd.f32 v29, v11;
	v29 =	vmul.f32 v14, v15;
	v15 =	vmul.f32 v14, v39  }
0x1c8: {  	v39 =	vld [tilespmem:s19+$0x1E0];
	v33 =	vadd.f32 v63, v33;
	v63 =	vadd.f32 v61, v60  }
0x1c9: {  	v62 =	vmul.f32 v31, v31;
	v12 =	vadd.f32 v15, v34;
	v15 =	vld [tilespmem:s19+$0x160];
	v60 =	vmul.f32 v57, v57  }
0x1ca: {  	v14 =	vmul.f32 v14, v57;
	v29 =	vadd.f32 v29, v32;
	v32 =	vld [tilespmem:s19+$0x2E0];
	v33 =	vadd.f32 v63, v33  }
0x1cb: {  	v0 =	vadd.f32 v62, v0;
	v34 =	vld [tilespmem:s19+$0x3E0];
	v7 =	vadd.f32 v60, v7;
	v60 =	vmul.f32 v28, v28  }
0x1cc: {  	v5 =	vadd.f32 v58, v5;
	v9 =	vadd.f32 v14, v9;
	v57 =	vld [tilespmem:s19+$0x260];
	v63 =	vmul.f32 v33, v13  }
0x1cd: {  	v61 =	vmul.f32 v33, v31;
	v13 =	vmul.f32 v13, v13;
	v31 =	vld [tilespmem:s19+$0x360];
	v2 =	vadd.f32 v60, v2  }
0x1ce: {  	v40 =	vld [tilespmem:s19+$0x60];
	v59 =	vadd.f32 v39, v15;
	v14 =	vadd.f32 v63, v26;
	v26 =	vmul.f32 v33, v28  }
0x1cf: {  	v20 =	vadd.f32 v61, v20;
	v28 =	vmul.f32 v33, v30;
	v61 =	vmul.f32 v33, v38  }
0x1d0: {  	v1 =	vadd.f32 v13, v1;
	v8 =	vadd.f32 v26, v8;
	v26 =	vmul.f32 v30, v30  }
0x1d1: {  	v58 =	vld [tilespmem:s19+$0x70];
	v10 =	vadd.f32 v28, v10;
	v11 =	vadd.f32 v61, v11;
	v30 =	vmul.f32 v33, v27  }
0x1d2: {  	v60 =	vld [tilespmem:s19+$0x1F0];
	v61 =	vadd.f32 v32, v57;
	v27 =	vmul.f32 v27, v27;
	v62 =	vadd.f32 v34, v31  }
0x1d3: {  	v13 =	vld [tilespmem:s19+$0xF0];
	v3 =	vadd.f32 v26, v3;
	v26 =	vmul.f32 v38, v38;
	v38 =	vadd.f32 v36, v40  }
0x1d4: {  	v28 =	vld [tilespmem:s19+$0x170];
	v5 =	vadd.f32 v27, v5;
	v27 =	vmul.f32 v33, v35;
	v35 =	vmul.f32 v35, v35  }
0x1d5: {  	v63 =	vld [tilespmem:s19+$0x270];
	v33 =	vmul.f32 v33, v37;
	v4 =	vadd.f32 v26, v4;
	v26 =	vadd.f32 v30, v29  }
0x1d6: {  	v37 =	vmul.f32 v37, v37;
	v29 =	vld [tilespmem:s19+$0x2F0];
	v30 =	vadd.f32 v59, v38;
	v38 =	vadd.f32 v62, v61  }
0x1d7: {  	v59 =	vld [tilespmem:s19+$0x370];
	v6 =	vadd.f32 v35, v6;
	v9 =	vadd.f32 v33, v9  }
0x1d8: {  	v61 =	vld [tilespmem:s19+$0x3F0];
	v7 =	vadd.f32 v37, v7;
	v35 =	vadd.f32 v13, v58  }
0x1d9: {  	v33 =	vmul.f32 v40, v40;
	v37 =	vadd.f32 v60, v28;
	v30 =	vadd.f32 v38, v30  }
0x1da: {  	v12 =	vadd.f32 v27, v12  }
0x1db: {  	v0 =	vadd.f32 v33, v0;
	v33 =	vadd.f32 v37, v35;
	v27 =	vmul.f32 v30, v40  }
0x1dc: {  	v35 =	vmul.f32 v31, v31;
	v40 =	vmul.f32 v30, v39;
	v38 =	vadd.f32 v29, v63  }
0x1dd: {  	v62 =	vadd.f32 v61, v59;
	v20 =	vadd.f32 v27, v20;
	v27 =	vmul.f32 v30, v36  }
0x1de: {  	v6 =	vadd.f32 v35, v6;
	v10 =	vadd.f32 v40, v10;
	v40 =	vmul.f32 v58, v58  }
0x1df: {  	v62 =	vadd.f32 v62, v38;
	v14 =	vadd.f32 v27, v14;
	v27 =	vmul.f32 v30, v15  }
0x1e0: {  	v36 =	vmul.f32 v36, v36;
	v15 =	vmul.f32 v15, v15;
	v0 =	vadd.f32 v40, v0  }
0x1e1: {  	v40 =	vmul.f32 v30, v34;
	v33 =	vadd.f32 v62, v33;
	v8 =	vadd.f32 v27, v8  }
0x1e2: {  	v2 =	vadd.f32 v15, v2;
	v15 =	vmul.f32 v39, v39;
	v27 =	vmul.f32 v30, v57  }
0x1e3: {  	v1 =	vadd.f32 v36, v1;
	v39 =	vmul.f32 v29, v29;
	v62 =	vmul.f32 v33, v58  }
0x1e4: {  	v58 =	vmul.f32 v28, v28;
	v38 =	vmul.f32 v33, v29;
	v3 =	vadd.f32 v15, v3  }
0x1e5: {  	v15 =	vmul.f32 v57, v57;
	v11 =	vadd.f32 v27, v11;
	v27 =	vmul.f32 v33, v13  }
0x1e6: {  	v13 =	vmul.f32 v13, v13;
	v57 =	vmul.f32 v32, v32;
	v20 =	vadd.f32 v62, v20  }
0x1e7: {  	[tilespmem:$0x9298] =	vst v0;
	v29 =	vld [tilespmem:$0x1FF70];
	v2 =	vadd.f32 v58, v2;
	v58 =	vmul.f32 v34, v34;
	v4 =	vadd.f32 v15, v4  }
0x1e8: {  	v34 =	vld [tilespmem:$0x1FFB0];
	v14 =	vadd.f32 v27, v14;
	v15 =	vmul.f32 v30, v32;
	v32 =	vmul.f32 v33, v63;
	[tilespmem:$0x9188] =	vst v20  }
0x1e9: {  	v36 =	vmul.f32 v63, v63;
	v62 =	vmul.f32 v30, v31;
	v31 =	vld [tilespmem:$0x1FF90];
	v1 =	vadd.f32 v13, v1;
	[tilespmem:$0x92BA] =	vst v2  }
0x1ea: {  	v0 =	vadd.f32 v57, v5;
	v30 =	vld [tilespmem:$0x1FF80];
	[tilespmem:$0x9199] =	vst v14;
	v37 =	vadd.f32 v32, v11  }
0x1eb: {  	v57 =	vmul.f32 v33, v59;
	v59 =	vmul.f32 v59, v59;
	v63 =	vld [tilespmem:$0x1FF20];
	[tilespmem:$0x92A9] =	vst v1;
	v4 =	vadd.f32 v36, v4  }
0x1ec: {  	v20 =	vmul.f32 v33, v28;
	v28 =	vld [tilespmem:$0x1FF60];
	v0 =	vadd.f32 v39, v0;
	[tilespmem:$0x91CC] =	vst v37  }
0x1ed: {  	v15 =	vadd.f32 v15, v26;
	v36 =	vld [tilespmem:$0x1FFC0];
	v5 =	vadd.f32 v59, v6;
	[tilespmem:$0x92DC] =	vst v4  }
0x1ee: {  	v26 =	vld [tilespmem:$0x1FF50];
	v8 =	vadd.f32 v20, v8;
	v20 =	vmul.f32 v33, v60;
	v60 =	vmul.f32 v60, v60;
	[tilespmem:$0x92ED] =	vst v0  }
0x1ef: {  	v27 =	vmov v46;
	v1 =	vadd.f32 v62, v12;
	v12 =	vld [tilespmem:$0x1FF10];
	v46 =	vadd.f32 v38, v15;
	[tilespmem:$0x92FE] =	vst v5  }
0x1f0: {  	v2 =	vadd.f32 v58, v7;
	v14 =	vld [tilespmem:$0x1FF00];
	v32 =	vmul.f32 v61, v61;
	[tilespmem:$0x91AA] =	vst v8;
	v3 =	vadd.f32 v60, v3  }
0x1f1: {  	v62 =	vld [tilespmem:$0x1FF30];
	v1 =	vadd.f32 v57, v1;
	[tilespmem:$0x91DD] =	vst v46  }
0x1f2: {  	v38 =	vld [tilespmem:$0x1FFD0];
	v37 =	vadd.f32 v32, v2;
	v60 =	vmul.f32 v33, v61;
	[tilespmem:$0x92CB] =	vst v3;
	v3 =	vadd.f32 v40, v9  }
0x1f3: {  	v15 =	vld [tilespmem:$0x1FF40];
	v10 =	vadd.f32 v20, v10;
	[tilespmem:$0x91EE] =	vst v1  }
0x1f4: {  	v33 =	vld [tilespmem:$0x1FFA0];
	[tilespmem:$0x930F] =	vst v37;
	v35 =	vadd.f32 v60, v3  }
0x1f5: {  	v46 =	vld [tilespmem:$0x1FFF0];
	[tilespmem:$0x91BB] =	vst v10  }
0x1f6: {  	v40 =	vld [tilespmem:$0x1FFE0];
	[tilespmem:$0x91FF] =	vst v35  }
0x1f7: {  	v0 =	vld.idx.msk [tilespmem:v12+s15+$0x0], $0xffff  }
0x1f8: {  	v1 =	vld.idx.msk [tilespmem:v14+s15+$0x0], $0xffff  }
0x1f9: {  	v39 =	vld.idx.msk [tilespmem:v62+s15+$0x0], $0xffff  }
0x1fa: {  	v57 =	vld.idx.msk [tilespmem:v63+s15+$0x0], $0xffff  }
0x1fb: {  	v58 =	vld.idx.msk [tilespmem:v26+s15+$0x0], $0xffff  }
0x1fc: {  	v5 =	vld.idx.msk [tilespmem:v15+s15+$0x0], $0xffff;
	v0 =	vadd.f32 $0.0e+00, v0  }
0x1fd: {  	v59 =	vld.idx.msk [tilespmem:v29+s15+$0x0], $0xffff  }
0x1fe: {  	v60 =	vld.idx.msk [tilespmem:v28+s15+$0x0], $0xffff;
	v1 =	vadd.f32 $0.0e+00, v1;
	v0 =	vadd.f32 v39, v0  }
0x1ff: {  	v61 =	vld.idx.msk [tilespmem:v31+s15+$0x0], $0xffff  }
0x200: {  	v62 =	vld.idx.msk [tilespmem:v30+s15+$0x0], $0xffff;
	v1 =	vadd.f32 v57, v1;
	v0 =	vadd.f32 v58, v0  }
0x201: {  	v63 =	vld.idx.msk [tilespmem:v34+s15+$0x0], $0xffff  }
0x202: {  	v10 =	vld.idx.msk [tilespmem:v38+s15+$0x0], $0xffff;
	v1 =	vadd.f32 v5, v1;
	v0 =	vadd.f32 v59, v0  }
0x203: {  	v9 =	vld.idx.msk [tilespmem:v33+s15+$0x0], $0xffff  }
0x204: {  	v11 =	vld.idx.msk [tilespmem:v36+s15+$0x0], $0xffff;
	v1 =	vadd.f32 v60, v1;
	v0 =	vadd.f32 v61, v0  }
0x205: {  	v12 =	vld.idx.msk [tilespmem:v46+s15+$0x0], $0xffff  }
0x206: {  	v14 =	vld.idx.msk [tilespmem:v54+s15+$0x0], $0xffff;
	v1 =	vadd.f32 v62, v1;
	v0 =	vadd.f32 v63, v0  }
0x207: {  	v13 =	vld.idx.msk [tilespmem:v40+s15+$0x0], $0xffff  }
0x208: {  	v30 =	vld.idx.msk [tilespmem:v56+s15+$0x0], $0xffff;
	v1 =	vadd.f32 v9, v1;
	v0 =	vadd.f32 v10, v0  }
0x209: {  	v31 =	vld.idx.msk [tilespmem:v53+s15+$0x0], $0xffff  }
0x20a: {  	v32 =	vld.idx.msk [tilespmem:v55+s15+$0x0], $0xffff;
	v1 =	vadd.f32 v11, v1;
	v0 =	vadd.f32 v12, v0  }
0x20b: {  	v33 =	vld.idx.msk [tilespmem:v42+s15+$0x0], $0xffff  }
0x20c: {  	v34 =	vld.idx.msk [tilespmem:v50+s15+$0x0], $0xffff;
	v1 =	vadd.f32 v13, v1;
	v0 =	vadd.f32 v14, v0  }
0x20d: {  	v35 =	vld.idx.msk [tilespmem:v51+s15+$0x0], $0xffff  }
0x20e: {  	v36 =	vld.idx.msk [tilespmem:v27+s15+$0x0], $0xffff;
	v1 =	vadd.f32 v30, v1;
	v0 =	vadd.f32 v31, v0  }
0x20f: {  	v37 =	vld.idx.msk [tilespmem:v49+s15+$0x0], $0xffff  }
0x210: {  	v38 =	vld.idx.msk [tilespmem:v52+s15+$0x0], $0xffff;
	v1 =	vadd.f32 v32, v1;
	v0 =	vadd.f32 v33, v0  }
0x211: {  	v39 =	vld.idx.msk [tilespmem:v47+s15+$0x0], $0xffff  }
0x212: {  	v46 =	vld.idx.msk [tilespmem:v43+s15+$0x0], $0xffff;
	v1 =	vadd.f32 v34, v1;
	v0 =	vadd.f32 v35, v0  }
0x213: {  	v40 =	vld.idx.msk [tilespmem:v45+s15+$0x0], $0xffff  }
0x214: {  	v57 =	vld.idx.msk [tilespmem:v44+s15+$0x0], $0xffff;
	v1 =	vadd.f32 v36, v1;
	v0 =	vadd.f32 v37, v0  }
0x215: {  	v58 =	vld.idx.msk [tilespmem:v48+s15+$0x0], $0xffff  }
0x216: {  	s20 =	sshra.s32 s18, $0x2;
	v59 =	vld.idx.msk [tilespmem:v41+s15+$0x0], $0xffff;
	v1 =	vadd.f32 v38, v1;
	v0 =	vadd.f32 v39, v0  }
0x217: {  	v60 =	vld [tilespmem:s20+$0x9380]  }
0x218: {  	v1 =	vadd.f32 v40, v1;
	v0 =	vadd.f32 v46, v0;
	_ =	sdelay $0x1  }
0x219: {  	v1 =	vadd.f32 v57, v1;
	v0 =	vadd.f32 v58, v0;
	_ =	sdelay $0x1  }
0x21a: {  	v1 =	vadd.f32 v59, v1;
	v0 =	vmul.f32 v0, v60;
	_ =	sdelay $0x1  }
0x21b: {  	v0 =	vsub.f32 v1, v0;
	_ =	sdelay $0x1  }
0x21c: {  	v0 =	vmul.f32 $1.428571490e-01, v0;
	_ =	sdelay $0x1  }
0x21d: {  	v61 =	vand.u32 $0x7FFFFFFF, v0  }
0x21e: {  	v1 =	vsub.f32 $0.0e+00, v61;
	_ =	sdelay $0x1  }
0x21f: {  	v1 =	vmul.f32 $1.442695020e+00, v1;
	_ =	sdelay $0x1  }
0x220: {  	(erf) = vpow2.f32 v1;
	_ =	sdelay $0x8  }
0x221: {  	v1 =	vpop (erf)  }
0x222: {  	v62 =	vadd.f32 $2.000000000e+00, v1;
	_ =	sdelay $0x1  }
0x223: {  	(erf) = vrcp.f32 v62;
	_ =	sdelay $0x8  }
0x224: {  	v2 =	vpop (erf)  }
0x225: {  	v1 =	vmul.f32 v2, v1;
	_ =	sdelay $0x1  }
0x226: {  	v2 =	vmul.f32 v1, v1;
	_ =	sdelay $0x1  }
0x227: {  	v63 =	vmul.f32 $2.857142980e-01, v2;
	_ =	sdelay $0x1  }
0x228: {  	v3 =	vadd.f32 $4.000000060e-01, v63;
	_ =	sdelay $0x1  }
0x229: {  	v3 =	vmul.f32 v3, v2;
	_ =	sdelay $0x1  }
0x22a: {  	v3 =	vadd.f32 $6.666666860e-01, v3;
	_ =	sdelay $0x1  }
0x22b: {  	v2 =	vmul.f32 v3, v2;
	_ =	sdelay $0x1  }
0x22c: {  	v2 =	vadd.f32 $2.000000000e+00, v2  }
0x22d: {  	p0 =	sne.s32 s18, $0x3C0  }
.Ltmp1:
0x22e: {  	v1 =	vmul.f32 v2, v1;
	(pc) =	sbr.rel @p0 .LBB2_4-.Ltmp1, $3  }
0x22f: {  	v0 =	vmin.f32 v0, $0.0e+00  }
0x230: {  	v0 =	vsub.f32 v0, v1;
	_ =	sdelay $0x1  }
0x231: {  	s18 =	sadd.s32 $0x40, s18;
	s19 =	sadd.s32 $0x800, s19;
	[tilespmem:s20+$0x9480] =	vst v0  }
0x232: {  	s17 =	sadd.s32 $0x1, s17  }
0x233: {  	p0 =	sne.s32 s17, s6  }
.Ltmp2:
0x234: {  	_ = 	snop;
	(pc) =	sbr.rel @p0 .LBB2_1-.Ltmp2, $4  }
0x235: {  	[hbm4b:s5+s3] =	stream.linear.scatter [tilespmem:s16], [sflag:$0x3], $0x100, $0x38;
	[tilespmem:$0x9580] =	vst v63  }
0x236: {  	_ =	swait.ge [sflag:s7], $0x100  }
0x237: {  	[sflag:s7] =	ssyncset.done $0x0  }
0x238: {  	[sflag:s7] =	ssyncadd.s32 $0xFFFFFF00  }
0x239: {  	_ =	sfence.sel $0x180000  }
0x23a: {  	[bflag:$0x0] =	sbarrier.arrive $0xFFFF  }
0x23b: {  	p0 =	sne.s32 s2, $0x0;
	_ =	strace $0x90000047  }
0x23c: {  	s0 =	sadd.s32 @!p0 $0x100000, s1;
	[bflag:$0x2] =	sbarrier.arrive $0xFFFF  }
0x23d: {  	[sflag:s0] =	ssyncadd.tile.s32 @!p0 $0x1;
	_ =	shalt  }
.Lfunc_end2:
_tile_overlayer_lowered:
.L_overlay_start_2:
0x23e: {  	(tag) =	ssettag $0x2  }
0x23f: {  	s0 =	rddreg [dreg:$0x0];
	s2 =	stileid.u32  }
0x240: {  	s1 =	rddreg [dreg:$0x1];
	p0 =	sne.s32 s2, $0x0  }
0x241: {  	s3 =	rddreg [dreg:$0x2];
	[bflag:$0x3] =	sbarrier.arrive $0xFFFF;
	s2 =	simm.s32 @!p0 $0x1C03  }
0x242: {  	[timem:s3], [sflag:s2] =	dma.local @!p0 [hbm:s0], s1  }
0x243: {  	s0 =	simm.s32 @!p0 $0x3  }
0x244: {  	_ =	swait.ge @!p0 [sflag:s0], s1  }
0x245: {  	s1 =	ssub.s32 @!p0 $0x0, s1;
	[sflag:s0] =	ssyncset.done @!p0 $0x0  }
0x246: {  	[sflag:s0] =	ssyncadd.s32 @!p0 s1  }
0x247: {  	[bflag:$0x3] =	sbarrier.arrive $0xFFFF  }
0x248: {  	_ =	shalt  }

</sc_bundles>
